<compile_context>
chip_gen: v7x
topology: tpu7x:2x2x1
jax: 0.10.2.dev20260603
libtpu: 0.0.44.dev20260713+nightly
codegen_flags: <defaults>
</compile_context>

<pallas_src>
import dataclasses
import functools
import math

import jax
import jax.numpy as jnp
from jax import lax
from jax.experimental import pallas as pl
from jax.experimental.pallas import tpu as pltpu
from jax.experimental.pallas import tpu_sc as plsc

N = 10000
E = 320000
D = 128
D_Z = 10
DIM_KEY = 16

NC = 2
NS = 16
LANES = 16

_INV = 1.0 / math.sqrt(D * D_Z)

_PERM = [0] * D
for _g in range(D // 32):
    for _i in range(16):
        _PERM[32 * _g + 2 * _i] = 32 * _g + _i
        _PERM[32 * _g + 2 * _i + 1] = 32 * _g + 16 + _i



def _proj_body(x_ref, z_ref, wa_ref, wb_ref, s_ref, x1_ref):
    xb = x_ref[...]
    zb = z_ref[...]
    acc_a = jnp.zeros(s_ref.shape, jnp.float32)
    acc_b = jnp.zeros(x1_ref.shape, jnp.float32)
    for v in range(D_Z):
        zv = zb[:, v:v + 1]
        acc_a += zv * jnp.dot(xb, wa_ref[:, v, :], preferred_element_type=jnp.float32)
        acc_b += zv * jnp.dot(xb, wb_ref[:, v, :], preferred_element_type=jnp.float32)
    s_ref[...] = acc_a * _INV
    x1_ref[...] = acc_b * _INV


def _node_proj(x, z, wa, wb):
    BN = 1000
    grid = (N // BN,)
    return pl.pallas_call(
        _proj_body,
        grid=grid,
        in_specs=[
            pl.BlockSpec((BN, D), lambda i: (i, 0)),
            pl.BlockSpec((BN, D_Z), lambda i: (i, 0)),
            pl.BlockSpec((D, D_Z, D), lambda i: (0, 0, 0)),
            pl.BlockSpec((D, D_Z, D), lambda i: (0, 0, 0)),
        ],
        out_specs=[
            pl.BlockSpec((BN, D), lambda i: (i, 0)),
            pl.BlockSpec((BN, D), lambda i: (i, 0)),
        ],
        out_shape=[
            jax.ShapeDtypeStruct((N, D), jnp.float32),
            jax.ShapeDtypeStruct((N, D), jnp.float32),
        ],
    )(x, z, wa, wb)




def _coeff_body(embt_ref, attr_ref, t_ref, out_ref):
    scaled = embt_ref[...] * attr_ref[...]
    out_ref[...] = jax.lax.dot_general(
        scaled, t_ref[...], (((0,), (0,)), ((), ())),
        preferred_element_type=jnp.float32).astype(jnp.bfloat16)


def _edge_coeff(embt, attr_row, t):
    BE = 12800
    grid = (E // BE,)
    return pl.pallas_call(
        _coeff_body,
        grid=grid,
        in_specs=[
            pl.BlockSpec((DIM_KEY, BE), lambda i: (0, i)),
            pl.BlockSpec((1, BE), lambda i: (0, i)),
            pl.BlockSpec((DIM_KEY, D), lambda i: (0, 0)),
        ],
        out_specs=pl.BlockSpec((BE, D), lambda i: (i, 0)),
        out_shape=jax.ShapeDtypeStruct((E, D), jnp.bfloat16),
    )(embt, attr_row, t)



C = 40
CHUNKS = E // C
NPAD = 10240
ROWS_PER_SUB = NPAD // NS


NW = NC * NS
PT = CHUNKS // NW
NBUF = 4


def _edge_sc_kernel(x1, src, dst, coeff, zeros):
    mesh = plsc.VectorSubcoreMesh(core_axis_name="c", subcore_axis_name="s")
    cp = pltpu.CompilerParams()
    if "needs_layout_passes" in pltpu.CompilerParams.__dataclass_fields__:
        cp = dataclasses.replace(cp, needs_layout_passes=False)

    @functools.partial(
        pl.kernel,
        out_type=jax.ShapeDtypeStruct((NC, NPAD, D), jnp.float32),
        mesh=mesh,
        compiler_params=cp,
        scratch_types=(
            [pltpu.VMEM_SHARED((NPAD, D), jnp.float32)]
            + [pltpu.VMEM((C,), jnp.int32) for _ in range(2 * NBUF)]
            + [pltpu.VMEM((C * D,), jnp.bfloat16) for _ in range(NBUF)]
            + [pltpu.VMEM((C, D), jnp.float32) for _ in range(NBUF)]
            + [pltpu.SemaphoreType.DMA for _ in range(3 * NBUF)]
        ),
    )
    def k(x1_hbm, src_hbm, dst_hbm, coeff_hbm, zeros_hbm, out_hbm, agg_sh, *scr):
        srcb = scr[0:NBUF]
        dstb = scr[NBUF:2 * NBUF]
        cfb = scr[2 * NBUF:3 * NBUF]
        rwb = scr[3 * NBUF:4 * NBUF]
        sin = scr[4 * NBUF:5 * NBUF]
        sg = scr[5 * NBUF:6 * NBUF]
        ss = scr[6 * NBUF:7 * NBUF]

        cid = lax.axis_index("c")
        sid = lax.axis_index("s")
        wid = sid * NC + cid
        base_c = wid * PT
        base_e = wid * PT * C

        pltpu.sync_copy(zeros_hbm.at[pl.ds(sid * ROWS_PER_SUB, ROWS_PER_SUB)],
                        agg_sh.at[pl.ds(sid * ROWS_PER_SUB, ROWS_PER_SUB)])
        plsc.subcore_barrier()

        def start_in(c, b):
            e0 = base_e + c * C
            pltpu.async_copy(src_hbm.at[pl.ds(e0, C)], srcb[b], sin[b])
            pltpu.async_copy(dst_hbm.at[pl.ds(e0, C)], dstb[b], sin[b])
            pltpu.async_copy(coeff_hbm.at[pl.ds(e0 * D, C * D)], cfb[b], sin[b])

        def wait_in(c, b):
            e0 = base_e + c * C
            pltpu.make_async_copy(src_hbm.at[pl.ds(e0, C)], srcb[b], sin[b]).wait()
            pltpu.make_async_copy(dst_hbm.at[pl.ds(e0, C)], dstb[b], sin[b]).wait()
            pltpu.make_async_copy(coeff_hbm.at[pl.ds(e0 * D, C * D)],
                                  cfb[b], sin[b]).wait()

        def start_gather(b):
            pltpu.async_copy(x1_hbm.at[srcb[b]], rwb[b], sg[b])

        def wait_gather(b):
            pltpu.make_async_copy(x1_hbm.at[srcb[b]], rwb[b], sg[b]).wait()

        def start_scatter(b):
            pltpu.async_copy(rwb[b], agg_sh.at[dstb[b]], ss[b], add=True)

        def wait_scatter(b):
            pltpu.make_async_copy(rwb[b], agg_sh.at[dstb[b]], ss[b]).wait()

        def mul(b):
            rows = rwb[b]
            cf = cfb[b]

            @pl.loop(0, C)
            def _mul(i):
                base = i * D
                for g in range(D // 32):
                    ab = cf[pl.ds(base + 32 * g, 32)]
                    lo, hi = plsc.unpack(ab, format=plsc.PackFormat.INTERLEAVED)
                    sl0 = (i, pl.ds(32 * g, LANES))
                    sl1 = (i, pl.ds(32 * g + LANES, LANES))
                    rows[sl0] = rows[sl0] * lo
                    rows[sl1] = rows[sl1] * hi

        def step(c, b):
            bp1 = (b + 1) % NBUF
            bp2 = (b + 2) % NBUF

            @pl.when(c >= 2)
            def _():
                wait_scatter(bp2)

            @pl.when(c + 2 <= PT - 1)
            def _():
                start_in(c + 2, bp2)

            @pl.when(c + 1 <= PT - 1)
            def _():
                wait_in(c + 1, bp1)
                start_gather(bp1)

            wait_gather(b)
            mul(b)
            start_scatter(b)

        start_in(0, 0)
        start_in(1, 1)
        wait_in(0, 0)
        start_gather(0)

        @pl.loop(0, PT // NBUF)
        def _main(kk):
            for b in range(NBUF):
                step(kk * NBUF + b, b)

        for c in range(PT - PT % NBUF, PT):
            step(c, c % NBUF)

        wait_scatter((PT - 2) % NBUF)
        wait_scatter((PT - 1) % NBUF)

        plsc.subcore_barrier()
        pltpu.sync_copy(agg_sh.at[pl.ds(sid * ROWS_PER_SUB, ROWS_PER_SUB)],
                        out_hbm.at[cid, pl.ds(sid * ROWS_PER_SUB, ROWS_PER_SUB)])

    return k(x1, src, dst, coeff, zeros)




def _final_body(p_ref, z_ref, w2_ref, s_ref, out_ref):
    agg = p_ref[0] + p_ref[1]
    zb = z_ref[...]
    acc = jnp.zeros(out_ref.shape, jnp.float32)
    for v in range(D_Z):
        acc += zb[:, v:v + 1] * jnp.dot(agg, w2_ref[:, v, :], preferred_element_type=jnp.float32)
    out_ref[...] = s_ref[...] + acc * (_INV / 10.0)


def _final(partials, z, w2, s):
    BN = 1000
    grid = (N // BN,)
    return pl.pallas_call(
        _final_body,
        grid=grid,
        in_specs=[
            pl.BlockSpec((NC, BN, D), lambda i: (0, i, 0)),
            pl.BlockSpec((BN, D_Z), lambda i: (i, 0)),
            pl.BlockSpec((D, D_Z, D), lambda i: (0, 0, 0)),
            pl.BlockSpec((BN, D), lambda i: (i, 0)),
        ],
        out_specs=pl.BlockSpec((BN, D), lambda i: (i, 0)),
        out_shape=jax.ShapeDtypeStruct((N, D), jnp.float32),
    )(partials, z, w2, s)




def kernel(x, z, edge_src, edge_dst, edge_len_emb, edge_attr, W_si, W_lin1, tp_weight, W_lin2):
    s, x1 = _node_proj(x, z, W_si, W_lin1)
    coeff = _edge_coeff(edge_len_emb.T, edge_attr.T, tp_weight[:, jnp.array(_PERM)])
    zeros = jnp.zeros((NPAD, D), jnp.float32)
    partials = _edge_sc_kernel(x1, edge_src, edge_dst, coeff.reshape(E * D), zeros)
    return _final(partials, z, W_lin2, s)

# --- scband reference (transcript-rebuilt; emitter-appended) ---
"""Pipeline reference for scband-conv-7164005449944 (READ-ONLY COPY).

The authoritative reference and input builder live on the scoring server;
editing this copy changes nothing except your own understanding.
"""

import jax, jax.numpy as jnp
import numpy as np

N = 10000
E = 320000
D_IN = 128
D_OUT = 128
D_Z = 10
DIM_KEY = 16

# With irreps_in='128x0e', irreps_sh='1x0e', irreps_out='128x0e' all irreps are scalars (l=0, even):
# - FullyConnectedTensorProduct(in, 10x0e, out) reduces to a bilinear map with weight [mul_in, 10, mul_out]
#   and e3nn path normalization 1/sqrt(mul_in * 10).
# - The internal TensorProduct has a single instruction (0, 0, 0, 'uvu', True) with
#   weight_numel = mul_in * mul_sh = 128 * 1 = 128; with mul_sh = 1 the 'uvu' path
#   normalization constant is 1.

def setup_inputs(seed: int = 0) -> dict:
    key = jax.random.key(seed)
    ks = jax.random.split(key, 10)
    x = jax.random.normal(ks[0], (N, D_IN), dtype=jnp.float32)
    z = jax.random.normal(ks[1], (N, D_Z), dtype=jnp.float32)
    edge_src = jax.random.randint(ks[2], (E,), 0, N, dtype=jnp.int32)
    edge_dst = jax.random.randint(ks[3], (E,), 0, N, dtype=jnp.int32)
    edge_len_emb = jax.random.normal(ks[4], (E, DIM_KEY), dtype=jnp.float32)
    edge_attr = jax.random.normal(ks[5], (E, 1), dtype=jnp.float32)
    W_si = jax.random.normal(ks[6], (D_IN, D_Z, D_OUT), dtype=jnp.float32)
    W_lin1 = jax.random.normal(ks[7], (D_IN, D_Z, D_IN), dtype=jnp.float32)
    tp_weight = jax.random.normal(ks[8], (DIM_KEY, D_IN), dtype=jnp.float32)
    W_lin2 = jax.random.normal(ks[9], (D_IN, D_Z, D_OUT), dtype=jnp.float32)
    return {"x": x, "z": z, "edge_src": edge_src, "edge_dst": edge_dst,
            "edge_len_emb": edge_len_emb, "edge_attr": edge_attr,
            "W_si": W_si, "W_lin1": W_lin1, "tp_weight": tp_weight, "W_lin2": W_lin2}


def _fctp(a, b, W, fan_in):
    # FullyConnectedTensorProduct for pure-scalar irreps: bilinear + path normalization
    return jnp.einsum('nu,nv,uvw->nw', a, b, W) / np.sqrt(fan_in)


def reference(x, z, edge_src, edge_dst, edge_len_emb, edge_attr, W_si, W_lin1, tp_weight, W_lin2):
    # self-interaction: s = si(x, z)
    s = _fctp(x, z, W_si, D_IN * D_Z)
    # x = lin1(x, z)
    x1 = _fctp(x, z, W_lin1, D_IN * D_Z)
    # per-edge tensor-product weights from edge length embedding
    weight = edge_len_emb @ tp_weight  # [E, D_IN]
    # edge message: tp(x[edge_src], edge_attr, weight) with single 'uvu' path (mul_sh=1)
    edge_x = x1[edge_src] * edge_attr * weight  # [E, D_IN]
    # scatter-add messages to destination nodes
    agg = jax.ops.segment_sum(edge_x, edge_dst, num_segments=N)
    # x = lin2(agg, z)
    out2 = _fctp(agg, z, W_lin2, D_IN * D_Z)
    return s + out2 / 10.0

if __name__ == "__main__":
    import jax
    _d = setup_inputs()
    print(jax.jit(kernel)(*tuple(_d.values())))

</pallas_src>

<mosaic_0001>
#map = affine_map<(d0, d1) -> (0, 0)>
#map1 = affine_map<(d0, d1) -> (0)>
#map2 = affine_map<(d0, d1) -> (0, 0, 0)>
module attributes {stable_mosaic.version = 14 : i64} {
  func.func @k(%arg0: i32, %arg1: i32, %arg2: memref<10000x128xf32, #tpu.memory_space<hbm>>, %arg3: memref<320000xi32, #tpu.memory_space<hbm>>, %arg4: memref<320000xi32, #tpu.memory_space<hbm>>, %arg5: memref<40960000xbf16, #tpu.memory_space<hbm>>, %arg6: memref<10240x128xf32, #tpu.memory_space<hbm>>, %arg7: memref<2x10240x128xf32, #tpu.memory_space<hbm>>, %arg8: memref<10240x128xf32, #tpu.memory_space<vmem_shared>>, %arg9: memref<40xi32, #tpu.memory_space<vmem>>, %arg10: memref<40xi32, #tpu.memory_space<vmem>>, %arg11: memref<40xi32, #tpu.memory_space<vmem>>, %arg12: memref<40xi32, #tpu.memory_space<vmem>>, %arg13: memref<40xi32, #tpu.memory_space<vmem>>, %arg14: memref<40xi32, #tpu.memory_space<vmem>>, %arg15: memref<40xi32, #tpu.memory_space<vmem>>, %arg16: memref<40xi32, #tpu.memory_space<vmem>>, %arg17: memref<5120xbf16, #tpu.memory_space<vmem>>, %arg18: memref<5120xbf16, #tpu.memory_space<vmem>>, %arg19: memref<5120xbf16, #tpu.memory_space<vmem>>, %arg20: memref<5120xbf16, #tpu.memory_space<vmem>>, %arg21: memref<40x128xf32, #tpu.memory_space<vmem>>, %arg22: memref<40x128xf32, #tpu.memory_space<vmem>>, %arg23: memref<40x128xf32, #tpu.memory_space<vmem>>, %arg24: memref<40x128xf32, #tpu.memory_space<vmem>>, %arg25: memref<!tpu.dma_semaphore, #tpu.memory_space<semaphore_mem>>, %arg26: memref<!tpu.dma_semaphore, #tpu.memory_space<semaphore_mem>>, %arg27: memref<!tpu.dma_semaphore, #tpu.memory_space<semaphore_mem>>, %arg28: memref<!tpu.dma_semaphore, #tpu.memory_space<semaphore_mem>>, %arg29: memref<!tpu.dma_semaphore, #tpu.memory_space<semaphore_mem>>, %arg30: memref<!tpu.dma_semaphore, #tpu.memory_space<semaphore_mem>>, %arg31: memref<!tpu.dma_semaphore, #tpu.memory_space<semaphore_mem>>, %arg32: memref<!tpu.dma_semaphore, #tpu.memory_space<semaphore_mem>>, %arg33: memref<!tpu.dma_semaphore, #tpu.memory_space<semaphore_mem>>, %arg34: memref<!tpu.dma_semaphore, #tpu.memory_space<semaphore_mem>>, %arg35: memref<!tpu.dma_semaphore, #tpu.memory_space<semaphore_mem>>, %arg36: memref<!tpu.dma_semaphore, #tpu.memory_space<semaphore_mem>>) attributes {dimension_semantics = [#tpu.dimension_semantics<core_parallel>, #tpu.dimension_semantics<subcore_parallel>], iteration_bounds = array<i64: 2, 16>, scalar_prefetch = 0 : i64, scratch_operands = 29 : i64, tpu.core_type = #tpu.core_type<sc_vector_subcore>, window_params = [{transform_indices = #map}, {transform_indices = #map1}, {transform_indices = #map1}, {transform_indices = #map1}, {transform_indices = #map}, {transform_indices = #map2}]} {
    %mul3A = arith.constant 2 : i32
    %mul3A_0 = arith.muli %arg1, %mul3A : i32
    %add3A = arith.addi %mul3A_0, %arg0 : i32
    %mul3A_1 = arith.constant 250 : i32
    %mul3A_2 = arith.muli %add3A, %mul3A_1 : i32
    %mul3A_3 = arith.constant 250 : i32
    %mul3A_4 = arith.muli %add3A, %mul3A_3 : i32
    %mul3A_5 = arith.constant 40 : i32
    %mul3A_6 = arith.muli %mul3A_4, %mul3A_5 : i32
    %mul3A_7 = arith.constant 640 : i32
    %mul3A_8 = arith.muli %arg1, %mul3A_7 : i32
    %mul3A_9 = arith.constant 640 : i32
    %mul3A_10 = arith.muli %arg1, %mul3A_9 : i32
    "tpu.region"() ({
      %run_scoped3A = tpu.sem_alloc : memref<!tpu.dma_semaphore, #tpu.memory_space<semaphore_mem>>
      %dma_start3A_98 = arith.constant 0 : i32
      %dma_start3A_99 = tpu.memref_slice %arg8[%mul3A_10, %dma_start3A_98] : memref<10240x128xf32, #tpu.memory_space<vmem_shared>> -> memref<640x128xf32, #tpu.memory_space<vmem_shared>>
      %dma_start3A_100 = arith.constant 0 : i32
      %dma_start3A_101 = tpu.memref_slice %arg6[%mul3A_8, %dma_start3A_100] : memref<10240x128xf32, #tpu.memory_space<hbm>> -> memref<640x128xf32, #tpu.memory_space<hbm>>
      tpu.enqueue_dma source(%dma_start3A_101 : memref<640x128xf32, #tpu.memory_space<hbm>>) target(%dma_start3A_99 : memref<640x128xf32, #tpu.memory_space<vmem_shared>>) target_semaphore(%run_scoped3A : memref<!tpu.dma_semaphore, #tpu.memory_space<semaphore_mem>>)
      %dma_wait3A_102 = arith.constant 0 : i32
      %dma_wait3A_103 = tpu.memref_slice %arg8[%mul3A_10, %dma_wait3A_102] : memref<10240x128xf32, #tpu.memory_space<vmem_shared>> -> memref<640x128xf32, #tpu.memory_space<vmem_shared>>
      %dma_wait3A_104 = arith.constant 0 : i32
      %dma_wait3A_105 = tpu.memref_slice %arg6[%mul3A_8, %dma_wait3A_104] : memref<10240x128xf32, #tpu.memory_space<hbm>> -> memref<640x128xf32, #tpu.memory_space<hbm>>
      tpu.wait_dma2 semaphore(%run_scoped3A : memref<!tpu.dma_semaphore, #tpu.memory_space<semaphore_mem>>) src(%dma_wait3A_105 : memref<640x128xf32, #tpu.memory_space<hbm>>) dst(%dma_wait3A_103 : memref<640x128xf32, #tpu.memory_space<vmem_shared>>)
      tpu.yield
    }) : () -> ()
    %barrier3A = arith.constant 0 : index
    tpu.barrier barrier_id(%barrier3A)
    %add3A_11 = arith.constant 0 : i32
    %add3A_12 = arith.addi %mul3A_6, %add3A_11 : i32
    %dma_start3A = tpu.memref_slice %arg3[%add3A_12] : memref<320000xi32, #tpu.memory_space<hbm>> -> memref<40xi32, #tpu.memory_space<hbm>>
    %dma_start3A_13 = tpu.memref_slice %arg3[%add3A_12] : memref<320000xi32, #tpu.memory_space<hbm>> -> memref<40xi32, #tpu.memory_space<hbm>>
    tpu.enqueue_dma source(%dma_start3A_13 : memref<40xi32, #tpu.memory_space<hbm>>) target(%arg9 : memref<40xi32, #tpu.memory_space<vmem>>) target_semaphore(%arg25 : memref<!tpu.dma_semaphore, #tpu.memory_space<semaphore_mem>>)
    %dma_start3A_14 = tpu.memref_slice %arg4[%add3A_12] : memref<320000xi32, #tpu.memory_space<hbm>> -> memref<40xi32, #tpu.memory_space<hbm>>
    %dma_start3A_15 = tpu.memref_slice %arg4[%add3A_12] : memref<320000xi32, #tpu.memory_space<hbm>> -> memref<40xi32, #tpu.memory_space<hbm>>
    tpu.enqueue_dma source(%dma_start3A_15 : memref<40xi32, #tpu.memory_space<hbm>>) target(%arg13 : memref<40xi32, #tpu.memory_space<vmem>>) target_semaphore(%arg25 : memref<!tpu.dma_semaphore, #tpu.memory_space<semaphore_mem>>)
    %mul3A_16 = arith.constant 128 : i32
    %mul3A_17 = arith.muli %add3A_12, %mul3A_16 : i32
    %dma_start3A_18 = tpu.memref_slice %arg5[%mul3A_17] : memref<40960000xbf16, #tpu.memory_space<hbm>> -> memref<5120xbf16, #tpu.memory_space<hbm>>
    %dma_start3A_19 = tpu.memref_slice %arg5[%mul3A_17] : memref<40960000xbf16, #tpu.memory_space<hbm>> -> memref<5120xbf16, #tpu.memory_space<hbm>>
    tpu.enqueue_dma source(%dma_start3A_19 : memref<5120xbf16, #tpu.memory_space<hbm>>) target(%arg17 : memref<5120xbf16, #tpu.memory_space<vmem>>) target_semaphore(%arg25 : memref<!tpu.dma_semaphore, #tpu.memory_space<semaphore_mem>>)
    %add3A_20 = arith.constant 40 : i32
    %add3A_21 = arith.addi %mul3A_6, %add3A_20 : i32
    %dma_start3A_22 = tpu.memref_slice %arg3[%add3A_21] : memref<320000xi32, #tpu.memory_space<hbm>> -> memref<40xi32, #tpu.memory_space<hbm>>
    %dma_start3A_23 = tpu.memref_slice %arg3[%add3A_21] : memref<320000xi32, #tpu.memory_space<hbm>> -> memref<40xi32, #tpu.memory_space<hbm>>
    tpu.enqueue_dma source(%dma_start3A_23 : memref<40xi32, #tpu.memory_space<hbm>>) target(%arg10 : memref<40xi32, #tpu.memory_space<vmem>>) target_semaphore(%arg26 : memref<!tpu.dma_semaphore, #tpu.memory_space<semaphore_mem>>)
    %dma_start3A_24 = tpu.memref_slice %arg4[%add3A_21] : memref<320000xi32, #tpu.memory_space<hbm>> -> memref<40xi32, #tpu.memory_space<hbm>>
    %dma_start3A_25 = tpu.memref_slice %arg4[%add3A_21] : memref<320000xi32, #tpu.memory_space<hbm>> -> memref<40xi32, #tpu.memory_space<hbm>>
    tpu.enqueue_dma source(%dma_start3A_25 : memref<40xi32, #tpu.memory_space<hbm>>) target(%arg14 : memref<40xi32, #tpu.memory_space<vmem>>) target_semaphore(%arg26 : memref<!tpu.dma_semaphore, #tpu.memory_space<semaphore_mem>>)
    %mul3A_26 = arith.constant 128 : i32
    %mul3A_27 = arith.muli %add3A_21, %mul3A_26 : i32
    %dma_start3A_28 = tpu.memref_slice %arg5[%mul3A_27] : memref<40960000xbf16, #tpu.memory_space<hbm>> -> memref<5120xbf16, #tpu.memory_space<hbm>>
    %dma_start3A_29 = tpu.memref_slice %arg5[%mul3A_27] : memref<40960000xbf16, #tpu.memory_space<hbm>> -> memref<5120xbf16, #tpu.memory_space<hbm>>
    tpu.enqueue_dma source(%dma_start3A_29 : memref<5120xbf16, #tpu.memory_space<hbm>>) target(%arg18 : memref<5120xbf16, #tpu.memory_space<vmem>>) target_semaphore(%arg26 : memref<!tpu.dma_semaphore, #tpu.memory_space<semaphore_mem>>)
    %add3A_30 = arith.constant 0 : i32
    %add3A_31 = arith.addi %mul3A_6, %add3A_30 : i32
    %dma_wait3A = tpu.memref_slice %arg3[%add3A_31] : memref<320000xi32, #tpu.memory_space<hbm>> -> memref<40xi32, #tpu.memory_space<hbm>>
    %dma_wait3A_32 = tpu.memref_slice %arg3[%add3A_31] : memref<320000xi32, #tpu.memory_space<hbm>> -> memref<40xi32, #tpu.memory_space<hbm>>
    tpu.wait_dma2 semaphore(%arg25 : memref<!tpu.dma_semaphore, #tpu.memory_space<semaphore_mem>>) src(%dma_wait3A_32 : memref<40xi32, #tpu.memory_space<hbm>>) dst(%arg9 : memref<40xi32, #tpu.memory_space<vmem>>)
    %dma_wait3A_33 = tpu.memref_slice %arg4[%add3A_31] : memref<320000xi32, #tpu.memory_space<hbm>> -> memref<40xi32, #tpu.memory_space<hbm>>
    %dma_wait3A_34 = tpu.memref_slice %arg4[%add3A_31] : memref<320000xi32, #tpu.memory_space<hbm>> -> memref<40xi32, #tpu.memory_space<hbm>>
    tpu.wait_dma2 semaphore(%arg25 : memref<!tpu.dma_semaphore, #tpu.memory_space<semaphore_mem>>) src(%dma_wait3A_34 : memref<40xi32, #tpu.memory_space<hbm>>) dst(%arg13 : memref<40xi32, #tpu.memory_space<vmem>>)
    %mul3A_35 = arith.constant 128 : i32
    %mul3A_36 = arith.muli %add3A_31, %mul3A_35 : i32
    %dma_wait3A_37 = tpu.memref_slice %arg5[%mul3A_36] : memref<40960000xbf16, #tpu.memory_space<hbm>> -> memref<5120xbf16, #tpu.memory_space<hbm>>
    %dma_wait3A_38 = tpu.memref_slice %arg5[%mul3A_36] : memref<40960000xbf16, #tpu.memory_space<hbm>> -> memref<5120xbf16, #tpu.memory_space<hbm>>
    tpu.wait_dma2 semaphore(%arg25 : memref<!tpu.dma_semaphore, #tpu.memory_space<semaphore_mem>>) src(%dma_wait3A_38 : memref<5120xbf16, #tpu.memory_space<hbm>>) dst(%arg17 : memref<5120xbf16, #tpu.memory_space<vmem>>)
    %dma_start3A_39 = arith.constant 0 : i32
    %dma_start3A_40 = arith.constant 0 : i32
    %dma_start3A_41 = tpu.memref_slice %arg2[%dma_start3A_39, %dma_start3A_40] : memref<10000x128xf32, #tpu.memory_space<hbm>> -> memref<10000x128xf32, #tpu.memory_space<hbm>>
    tpu.enqueue_indirect_dma source(%dma_start3A_41 : memref<10000x128xf32, #tpu.memory_space<hbm>>) target(%arg21 : memref<40x128xf32, #tpu.memory_space<vmem>>) offsets(%arg9 : memref<40xi32, #tpu.memory_space<vmem>>) semaphore(%arg29 : memref<!tpu.dma_semaphore, #tpu.memory_space<semaphore_mem>>)
    %scan3A = arith.constant 0 : i32
    %scan3A_42 = arith.constant 62 : i32
    %scan3A_43 = arith.addi %scan3A, %scan3A_42 : i32
    %scan3A_44 = arith.constant 1 : i32
    scf.for %scan3A_98 = %scan3A to %scan3A_43 step %scan3A_44  : i32 {
      %mul3A_99 = arith.constant 1 : i32
      %mul3A_100 = arith.muli %scan3A_98, %mul3A_99 : i32
      %add3A_101 = arith.constant 0 : i32
      %add3A_102 = arith.addi %add3A_101, %mul3A_100 : i32
      %mul3A_103 = arith.constant 4 : i32
      %mul3A_104 = arith.muli %add3A_102, %mul3A_103 : i32
      %add3A_105 = arith.constant 0 : i32
      %add3A_106 = arith.addi %mul3A_104, %add3A_105 : i32
      %ge3A = arith.constant 2 : i32
      %ge3A_107 = arith.cmpi sge, %add3A_106, %ge3A : i32
      %convert_element_type3A = arith.extui %ge3A_107 : i1 to i32
      %cond3A = arith.constant 0 : i32
      %cond3A_108 = arith.cmpi ne, %convert_element_type3A, %cond3A : i32
      scf.if %cond3A_108 {
        %dma_wait3A_235 = arith.constant 0 : i32
        %dma_wait3A_236 = arith.constant 0 : i32
        %dma_wait3A_237 = tpu.memref_slice %arg8[%dma_wait3A_235, %dma_wait3A_236] : memref<10240x128xf32, #tpu.memory_space<vmem_shared>> -> memref<10240x128xf32, #tpu.memory_space<vmem_shared>>
        tpu.wait_indirect_dma semaphore(%arg35 : memref<!tpu.dma_semaphore, #tpu.memory_space<semaphore_mem>>) src(%arg23 : memref<40x128xf32, #tpu.memory_space<vmem>>) dst(%dma_wait3A_237 : memref<10240x128xf32, #tpu.memory_space<vmem_shared>>)
      } else {
      }
      %add3A_109 = arith.constant 2 : i32
      %add3A_110 = arith.addi %add3A_106, %add3A_109 : i32
      %le3A = arith.constant 249 : i32
      %le3A_111 = arith.cmpi sle, %add3A_110, %le3A : i32
      %convert_element_type3A_112 = arith.extui %le3A_111 : i1 to i32
      %cond3A_113 = arith.constant 0 : i32
      %cond3A_114 = arith.cmpi ne, %convert_element_type3A_112, %cond3A_113 : i32
      scf.if %cond3A_114 {
        %add3A_235 = arith.constant 2 : i32
        %add3A_236 = arith.addi %add3A_106, %add3A_235 : i32
        %mul3A_237 = arith.constant 40 : i32
        %mul3A_238 = arith.muli %add3A_236, %mul3A_237 : i32
        %add3A_239 = arith.addi %mul3A_6, %mul3A_238 : i32
        %dma_start3A_240 = tpu.memref_slice %arg3[%add3A_239] : memref<320000xi32, #tpu.memory_space<hbm>> -> memref<40xi32, #tpu.memory_space<hbm>>
        %dma_start3A_241 = tpu.memref_slice %arg3[%add3A_239] : memref<320000xi32, #tpu.memory_space<hbm>> -> memref<40xi32, #tpu.memory_space<hbm>>
        tpu.enqueue_dma source(%dma_start3A_241 : memref<40xi32, #tpu.memory_space<hbm>>) target(%arg11 : memref<40xi32, #tpu.memory_space<vmem>>) target_semaphore(%arg27 : memref<!tpu.dma_semaphore, #tpu.memory_space<semaphore_mem>>)
        %dma_start3A_242 = tpu.memref_slice %arg4[%add3A_239] : memref<320000xi32, #tpu.memory_space<hbm>> -> memref<40xi32, #tpu.memory_space<hbm>>
        %dma_start3A_243 = tpu.memref_slice %arg4[%add3A_239] : memref<320000xi32, #tpu.memory_space<hbm>> -> memref<40xi32, #tpu.memory_space<hbm>>
        tpu.enqueue_dma source(%dma_start3A_243 : memref<40xi32, #tpu.memory_space<hbm>>) target(%arg15 : memref<40xi32, #tpu.memory_space<vmem>>) target_semaphore(%arg27 : memref<!tpu.dma_semaphore, #tpu.memory_space<semaphore_mem>>)
        %mul3A_244 = arith.constant 128 : i32
        %mul3A_245 = arith.muli %add3A_239, %mul3A_244 : i32
        %dma_start3A_246 = tpu.memref_slice %arg5[%mul3A_245] : memref<40960000xbf16, #tpu.memory_space<hbm>> -> memref<5120xbf16, #tpu.memory_space<hbm>>
        %dma_start3A_247 = tpu.memref_slice %arg5[%mul3A_245] : memref<40960000xbf16, #tpu.memory_space<hbm>> -> memref<5120xbf16, #tpu.memory_space<hbm>>
        tpu.enqueue_dma source(%dma_start3A_247 : memref<5120xbf16, #tpu.memory_space<hbm>>) target(%arg19 : memref<5120xbf16, #tpu.memory_space<vmem>>) target_semaphore(%arg27 : memref<!tpu.dma_semaphore, #tpu.memory_space<semaphore_mem>>)
      } else {
      }
      %add3A_115 = arith.constant 1 : i32
      %add3A_116 = arith.addi %add3A_106, %add3A_115 : i32
      %le3A_117 = arith.constant 249 : i32
      %le3A_118 = arith.cmpi sle, %add3A_116, %le3A_117 : i32
      %convert_element_type3A_119 = arith.extui %le3A_118 : i1 to i32
      %cond3A_120 = arith.constant 0 : i32
      %cond3A_121 = arith.cmpi ne, %convert_element_type3A_119, %cond3A_120 : i32
      scf.if %cond3A_121 {
        %add3A_235 = arith.constant 1 : i32
        %add3A_236 = arith.addi %add3A_106, %add3A_235 : i32
        %mul3A_237 = arith.constant 40 : i32
        %mul3A_238 = arith.muli %add3A_236, %mul3A_237 : i32
        %add3A_239 = arith.addi %mul3A_6, %mul3A_238 : i32
        %dma_wait3A_240 = tpu.memref_slice %arg3[%add3A_239] : memref<320000xi32, #tpu.memory_space<hbm>> -> memref<40xi32, #tpu.memory_space<hbm>>
        %dma_wait3A_241 = tpu.memref_slice %arg3[%add3A_239] : memref<320000xi32, #tpu.memory_space<hbm>> -> memref<40xi32, #tpu.memory_space<hbm>>
        tpu.wait_dma2 semaphore(%arg26 : memref<!tpu.dma_semaphore, #tpu.memory_space<semaphore_mem>>) src(%dma_wait3A_241 : memref<40xi32, #tpu.memory_space<hbm>>) dst(%arg10 : memref<40xi32, #tpu.memory_space<vmem>>)
        %dma_wait3A_242 = tpu.memref_slice %arg4[%add3A_239] : memref<320000xi32, #tpu.memory_space<hbm>> -> memref<40xi32, #tpu.memory_space<hbm>>
        %dma_wait3A_243 = tpu.memref_slice %arg4[%add3A_239] : memref<320000xi32, #tpu.memory_space<hbm>> -> memref<40xi32, #tpu.memory_space<hbm>>
        tpu.wait_dma2 semaphore(%arg26 : memref<!tpu.dma_semaphore, #tpu.memory_space<semaphore_mem>>) src(%dma_wait3A_243 : memref<40xi32, #tpu.memory_space<hbm>>) dst(%arg14 : memref<40xi32, #tpu.memory_space<vmem>>)
        %mul3A_244 = arith.constant 128 : i32
        %mul3A_245 = arith.muli %add3A_239, %mul3A_244 : i32
        %dma_wait3A_246 = tpu.memref_slice %arg5[%mul3A_245] : memref<40960000xbf16, #tpu.memory_space<hbm>> -> memref<5120xbf16, #tpu.memory_space<hbm>>
        %dma_wait3A_247 = tpu.memref_slice %arg5[%mul3A_245] : memref<40960000xbf16, #tpu.memory_space<hbm>> -> memref<5120xbf16, #tpu.memory_space<hbm>>
        tpu.wait_dma2 semaphore(%arg26 : memref<!tpu.dma_semaphore, #tpu.memory_space<semaphore_mem>>) src(%dma_wait3A_247 : memref<5120xbf16, #tpu.memory_space<hbm>>) dst(%arg18 : memref<5120xbf16, #tpu.memory_space<vmem>>)
        %dma_start3A_248 = arith.constant 0 : i32
        %dma_start3A_249 = arith.constant 0 : i32
        %dma_start3A_250 = tpu.memref_slice %arg2[%dma_start3A_248, %dma_start3A_249] : memref<10000x128xf32, #tpu.memory_space<hbm>> -> memref<10000x128xf32, #tpu.memory_space<hbm>>
        tpu.enqueue_indirect_dma source(%dma_start3A_250 : memref<10000x128xf32, #tpu.memory_space<hbm>>) target(%arg22 : memref<40x128xf32, #tpu.memory_space<vmem>>) offsets(%arg10 : memref<40xi32, #tpu.memory_space<vmem>>) semaphore(%arg30 : memref<!tpu.dma_semaphore, #tpu.memory_space<semaphore_mem>>)
      } else {
      }
      %dma_wait3A_122 = arith.constant 0 : i32
      %dma_wait3A_123 = arith.constant 0 : i32
      %dma_wait3A_124 = tpu.memref_slice %arg2[%dma_wait3A_122, %dma_wait3A_123] : memref<10000x128xf32, #tpu.memory_space<hbm>> -> memref<10000x128xf32, #tpu.memory_space<hbm>>
      tpu.wait_indirect_dma semaphore(%arg29 : memref<!tpu.dma_semaphore, #tpu.memory_space<semaphore_mem>>) src(%dma_wait3A_124 : memref<10000x128xf32, #tpu.memory_space<hbm>>) dst(%arg21 : memref<40x128xf32, #tpu.memory_space<vmem>>)
      %scan3A_125 = arith.constant 0 : i32
      %scan3A_126 = arith.constant 40 : i32
      %scan3A_127 = arith.addi %scan3A_125, %scan3A_126 : i32
      %scan3A_128 = arith.constant 1 : i32
      scf.for %scan3A_235 = %scan3A_125 to %scan3A_127 step %scan3A_128  : i32 {
        %mul3A_236 = arith.constant 1 : i32
        %mul3A_237 = arith.muli %scan3A_235, %mul3A_236 : i32
        %add3A_238 = arith.constant 0 : i32
        %add3A_239 = arith.addi %add3A_238, %mul3A_237 : i32
        %mul3A_240 = arith.constant 128 : i32
        %mul3A_241 = arith.muli %add3A_239, %mul3A_240 : i32
        %add3A_242 = arith.constant 0 : i32
        %add3A_243 = arith.addi %mul3A_241, %add3A_242 : i32
        %get3A = arith.index_cast %add3A_243 : i32 to index
        %get3A_244 = tpu.vector_load %arg17[%get3A] {strides = array<i32>} : memref<5120xbf16, #tpu.memory_space<vmem>>, vector<32xbf16>,
        %unpack3A = tpu.unpack_subelements %get3A_244, 0 {pack_format = #tpu.pack_format<interleaved>} : vector<32xbf16> -> vector<16xf32>
        %unpack3A_245 = tpu.unpack_subelements %get3A_244, 1 {pack_format = #tpu.pack_format<interleaved>} : vector<32xbf16> -> vector<16xf32>
        %get3A_246 = arith.index_cast %add3A_239 : i32 to index
        %get3A_247 = arith.constant 0 : index
        %get3A_248 = tpu.vector_load %arg21[%get3A_246, %get3A_247] {strides = array<i32>} : memref<40x128xf32, #tpu.memory_space<vmem>>, vector<16xf32>,
        %mul3A_249 = arith.mulf %get3A_248, %unpack3A : vector<16xf32>
        %swap3A = arith.index_cast %add3A_239 : i32 to index
        %swap3A_250 = arith.constant 0 : index
        %swap3A_251 = tpu.vector_load %arg21[%swap3A, %swap3A_250] {strides = array<i32>} : memref<40x128xf32, #tpu.memory_space<vmem>>, vector<16xf32>,
        tpu.vector_store %arg21[%swap3A, %swap3A_250], %mul3A_249 {strides = array<i32>} : memref<40x128xf32, #tpu.memory_space<vmem>>, vector<16xf32>,
        %get3A_252 = arith.index_cast %add3A_239 : i32 to index
        %get3A_253 = arith.constant 16 : index
        %get3A_254 = tpu.vector_load %arg21[%get3A_252, %get3A_253] {strides = array<i32>} : memref<40x128xf32, #tpu.memory_space<vmem>>, vector<16xf32>,
        %mul3A_255 = arith.mulf %get3A_254, %unpack3A_245 : vector<16xf32>
        %swap3A_256 = arith.index_cast %add3A_239 : i32 to index
        %swap3A_257 = arith.constant 16 : index
        %swap3A_258 = tpu.vector_load %arg21[%swap3A_256, %swap3A_257] {strides = array<i32>} : memref<40x128xf32, #tpu.memory_space<vmem>>, vector<16xf32>,
        tpu.vector_store %arg21[%swap3A_256, %swap3A_257], %mul3A_255 {strides = array<i32>} : memref<40x128xf32, #tpu.memory_space<vmem>>, vector<16xf32>,
        %add3A_259 = arith.constant 32 : i32
        %add3A_260 = arith.addi %mul3A_241, %add3A_259 : i32
        %get3A_261 = arith.index_cast %add3A_260 : i32 to index
        %get3A_262 = tpu.vector_load %arg17[%get3A_261] {strides = array<i32>} : memref<5120xbf16, #tpu.memory_space<vmem>>, vector<32xbf16>,
        %unpack3A_263 = tpu.unpack_subelements %get3A_262, 0 {pack_format = #tpu.pack_format<interleaved>} : vector<32xbf16> -> vector<16xf32>
        %unpack3A_264 = tpu.unpack_subelements %get3A_262, 1 {pack_format = #tpu.pack_format<interleaved>} : vector<32xbf16> -> vector<16xf32>
        %get3A_265 = arith.index_cast %add3A_239 : i32 to index
        %get3A_266 = arith.constant 32 : index
        %get3A_267 = tpu.vector_load %arg21[%get3A_265, %get3A_266] {strides = array<i32>} : memref<40x128xf32, #tpu.memory_space<vmem>>, vector<16xf32>,
        %mul3A_268 = arith.mulf %get3A_267, %unpack3A_263 : vector<16xf32>
        %swap3A_269 = arith.index_cast %add3A_239 : i32 to index
        %swap3A_270 = arith.constant 32 : index
        %swap3A_271 = tpu.vector_load %arg21[%swap3A_269, %swap3A_270] {strides = array<i32>} : memref<40x128xf32, #tpu.memory_space<vmem>>, vector<16xf32>,
        tpu.vector_store %arg21[%swap3A_269, %swap3A_270], %mul3A_268 {strides = array<i32>} : memref<40x128xf32, #tpu.memory_space<vmem>>, vector<16xf32>,
        %get3A_272 = arith.index_cast %add3A_239 : i32 to index
        %get3A_273 = arith.constant 48 : index
        %get3A_274 = tpu.vector_load %arg21[%get3A_272, %get3A_273] {strides = array<i32>} : memref<40x128xf32, #tpu.memory_space<vmem>>, vector<16xf32>,
        %mul3A_275 = arith.mulf %get3A_274, %unpack3A_264 : vector<16xf32>
        %swap3A_276 = arith.index_cast %add3A_239 : i32 to index
        %swap3A_277 = arith.constant 48 : index
        %swap3A_278 = tpu.vector_load %arg21[%swap3A_276, %swap3A_277] {strides = array<i32>} : memref<40x128xf32, #tpu.memory_space<vmem>>, vector<16xf32>,
        tpu.vector_store %arg21[%swap3A_276, %swap3A_277], %mul3A_275 {strides = array<i32>} : memref<40x128xf32, #tpu.memory_space<vmem>>, vector<16xf32>,
        %add3A_279 = arith.constant 64 : i32
        %add3A_280 = arith.addi %mul3A_241, %add3A_279 : i32
        %get3A_281 = arith.index_cast %add3A_280 : i32 to index
        %get3A_282 = tpu.vector_load %arg17[%get3A_281] {strides = array<i32>} : memref<5120xbf16, #tpu.memory_space<vmem>>, vector<32xbf16>,
        %unpack3A_283 = tpu.unpack_subelements %get3A_282, 0 {pack_format = #tpu.pack_format<interleaved>} : vector<32xbf16> -> vector<16xf32>
        %unpack3A_284 = tpu.unpack_subelements %get3A_282, 1 {pack_format = #tpu.pack_format<interleaved>} : vector<32xbf16> -> vector<16xf32>
        %get3A_285 = arith.index_cast %add3A_239 : i32 to index
        %get3A_286 = arith.constant 64 : index
        %get3A_287 = tpu.vector_load %arg21[%get3A_285, %get3A_286] {strides = array<i32>} : memref<40x128xf32, #tpu.memory_space<vmem>>, vector<16xf32>,
        %mul3A_288 = arith.mulf %get3A_287, %unpack3A_283 : vector<16xf32>
        %swap3A_289 = arith.index_cast %add3A_239 : i32 to index
        %swap3A_290 = arith.constant 64 : index
        %swap3A_291 = tpu.vector_load %arg21[%swap3A_289, %swap3A_290] {strides = array<i32>} : memref<40x128xf32, #tpu.memory_space<vmem>>, vector<16xf32>,
        tpu.vector_store %arg21[%swap3A_289, %swap3A_290], %mul3A_288 {strides = array<i32>} : memref<40x128xf32, #tpu.memory_space<vmem>>, vector<16xf32>,
        %get3A_292 = arith.index_cast %add3A_239 : i32 to index
        %get3A_293 = arith.constant 80 : index
        %get3A_294 = tpu.vector_load %arg21[%get3A_292, %get3A_293] {strides = array<i32>} : memref<40x128xf32, #tpu.memory_space<vmem>>, vector<16xf32>,
        %mul3A_295 = arith.mulf %get3A_294, %unpack3A_284 : vector<16xf32>
        %swap3A_296 = arith.index_cast %add3A_239 : i32 to index
        %swap3A_297 = arith.constant 80 : index
        %swap3A_298 = tpu.vector_load %arg21[%swap3A_296, %swap3A_297] {strides = array<i32>} : memref<40x128xf32, #tpu.memory_space<vmem>>, vector<16xf32>,
        tpu.vector_store %arg21[%swap3A_296, %swap3A_297], %mul3A_295 {strides = array<i32>} : memref<40x128xf32, #tpu.memory_space<vmem>>, vector<16xf32>,
        %add3A_299 = arith.constant 96 : i32
        %add3A_300 = arith.addi %mul3A_241, %add3A_299 : i32
        %get3A_301 = arith.index_cast %add3A_300 : i32 to index
        %get3A_302 = tpu.vector_load %arg17[%get3A_301] {strides = array<i32>} : memref<5120xbf16, #tpu.memory_space<vmem>>, vector<32xbf16>,
        %unpack3A_303 = tpu.unpack_subelements %get3A_302, 0 {pack_format = #tpu.pack_format<interleaved>} : vector<32xbf16> -> vector<16xf32>
        %unpack3A_304 = tpu.unpack_subelements %get3A_302, 1 {pack_format = #tpu.pack_format<interleaved>} : vector<32xbf16> -> vector<16xf32>
        %get3A_305 = arith.index_cast %add3A_239 : i32 to index
        %get3A_306 = arith.constant 96 : index
        %get3A_307 = tpu.vector_load %arg21[%get3A_305, %get3A_306] {strides = array<i32>} : memref<40x128xf32, #tpu.memory_space<vmem>>, vector<16xf32>,
        %mul3A_308 = arith.mulf %get3A_307, %unpack3A_303 : vector<16xf32>
        %swap3A_309 = arith.index_cast %add3A_239 : i32 to index
        %swap3A_310 = arith.constant 96 : index
        %swap3A_311 = tpu.vector_load %arg21[%swap3A_309, %swap3A_310] {strides = array<i32>} : memref<40x128xf32, #tpu.memory_space<vmem>>, vector<16xf32>,
        tpu.vector_store %arg21[%swap3A_309, %swap3A_310], %mul3A_308 {strides = array<i32>} : memref<40x128xf32, #tpu.memory_space<vmem>>, vector<16xf32>,
        %get3A_312 = arith.index_cast %add3A_239 : i32 to index
        %get3A_313 = arith.constant 112 : index
        %get3A_314 = tpu.vector_load %arg21[%get3A_312, %get3A_313] {strides = array<i32>} : memref<40x128xf32, #tpu.memory_space<vmem>>, vector<16xf32>,
        %mul3A_315 = arith.mulf %get3A_314, %unpack3A_304 : vector<16xf32>
        %swap3A_316 = arith.index_cast %add3A_239 : i32 to index
        %swap3A_317 = arith.constant 112 : index
        %swap3A_318 = tpu.vector_load %arg21[%swap3A_316, %swap3A_317] {strides = array<i32>} : memref<40x128xf32, #tpu.memory_space<vmem>>, vector<16xf32>,
        tpu.vector_store %arg21[%swap3A_316, %swap3A_317], %mul3A_315 {strides = array<i32>} : memref<40x128xf32, #tpu.memory_space<vmem>>, vector<16xf32>,
      }
      %scan3A_129 = arith.constant 40 : i32
      %dma_start3A_130 = arith.constant 0 : i32
      %dma_start3A_131 = arith.constant 0 : i32
      %dma_start3A_132 = tpu.memref_slice %arg8[%dma_start3A_130, %dma_start3A_131] : memref<10240x128xf32, #tpu.memory_space<vmem_shared>> -> memref<10240x128xf32, #tpu.memory_space<vmem_shared>>
      tpu.enqueue_indirect_dma source(%arg21 : memref<40x128xf32, #tpu.memory_space<vmem>>) target(%dma_start3A_132 : memref<10240x128xf32, #tpu.memory_space<vmem_shared>>) offsets(%arg13 : memref<40xi32, #tpu.memory_space<vmem>>) semaphore(%arg33 : memref<!tpu.dma_semaphore, #tpu.memory_space<semaphore_mem>>) {add = true}
      %mul3A_133 = arith.constant 4 : i32
      %mul3A_134 = arith.muli %add3A_102, %mul3A_133 : i32
      %add3A_135 = arith.constant 1 : i32
      %add3A_136 = arith.addi %mul3A_134, %add3A_135 : i32
      %ge3A_137 = arith.constant 2 : i32
      %ge3A_138 = arith.cmpi sge, %add3A_136, %ge3A_137 : i32
      %convert_element_type3A_139 = arith.extui %ge3A_138 : i1 to i32
      %cond3A_140 = arith.constant 0 : i32
      %cond3A_141 = arith.cmpi ne, %convert_element_type3A_139, %cond3A_140 : i32
      scf.if %cond3A_141 {
        %dma_wait3A_235 = arith.constant 0 : i32
        %dma_wait3A_236 = arith.constant 0 : i32
        %dma_wait3A_237 = tpu.memref_slice %arg8[%dma_wait3A_235, %dma_wait3A_236] : memref<10240x128xf32, #tpu.memory_space<vmem_shared>> -> memref<10240x128xf32, #tpu.memory_space<vmem_shared>>
        tpu.wait_indirect_dma semaphore(%arg36 : memref<!tpu.dma_semaphore, #tpu.memory_space<semaphore_mem>>) src(%arg24 : memref<40x128xf32, #tpu.memory_space<vmem>>) dst(%dma_wait3A_237 : memref<10240x128xf32, #tpu.memory_space<vmem_shared>>)
      } else {
      }
      %add3A_142 = arith.constant 2 : i32
      %add3A_143 = arith.addi %add3A_136, %add3A_142 : i32
      %le3A_144 = arith.constant 249 : i32
      %le3A_145 = arith.cmpi sle, %add3A_143, %le3A_144 : i32
      %convert_element_type3A_146 = arith.extui %le3A_145 : i1 to i32
      %cond3A_147 = arith.constant 0 : i32
      %cond3A_148 = arith.cmpi ne, %convert_element_type3A_146, %cond3A_147 : i32
      scf.if %cond3A_148 {
        %add3A_235 = arith.constant 2 : i32
        %add3A_236 = arith.addi %add3A_136, %add3A_235 : i32
        %mul3A_237 = arith.constant 40 : i32
        %mul3A_238 = arith.muli %add3A_236, %mul3A_237 : i32
        %add3A_239 = arith.addi %mul3A_6, %mul3A_238 : i32
        %dma_start3A_240 = tpu.memref_slice %arg3[%add3A_239] : memref<320000xi32, #tpu.memory_space<hbm>> -> memref<40xi32, #tpu.memory_space<hbm>>
        %dma_start3A_241 = tpu.memref_slice %arg3[%add3A_239] : memref<320000xi32, #tpu.memory_space<hbm>> -> memref<40xi32, #tpu.memory_space<hbm>>
        tpu.enqueue_dma source(%dma_start3A_241 : memref<40xi32, #tpu.memory_space<hbm>>) target(%arg12 : memref<40xi32, #tpu.memory_space<vmem>>) target_semaphore(%arg28 : memref<!tpu.dma_semaphore, #tpu.memory_space<semaphore_mem>>)
        %dma_start3A_242 = tpu.memref_slice %arg4[%add3A_239] : memref<320000xi32, #tpu.memory_space<hbm>> -> memref<40xi32, #tpu.memory_space<hbm>>
        %dma_start3A_243 = tpu.memref_slice %arg4[%add3A_239] : memref<320000xi32, #tpu.memory_space<hbm>> -> memref<40xi32, #tpu.memory_space<hbm>>
        tpu.enqueue_dma source(%dma_start3A_243 : memref<40xi32, #tpu.memory_space<hbm>>) target(%arg16 : memref<40xi32, #tpu.memory_space<vmem>>) target_semaphore(%arg28 : memref<!tpu.dma_semaphore, #tpu.memory_space<semaphore_mem>>)
        %mul3A_244 = arith.constant 128 : i32
        %mul3A_245 = arith.muli %add3A_239, %mul3A_244 : i32
        %dma_start3A_246 = tpu.memref_slice %arg5[%mul3A_245] : memref<40960000xbf16, #tpu.memory_space<hbm>> -> memref<5120xbf16, #tpu.memory_space<hbm>>
        %dma_start3A_247 = tpu.memref_slice %arg5[%mul3A_245] : memref<40960000xbf16, #tpu.memory_space<hbm>> -> memref<5120xbf16, #tpu.memory_space<hbm>>
        tpu.enqueue_dma source(%dma_start3A_247 : memref<5120xbf16, #tpu.memory_space<hbm>>) target(%arg20 : memref<5120xbf16, #tpu.memory_space<vmem>>) target_semaphore(%arg28 : memref<!tpu.dma_semaphore, #tpu.memory_space<semaphore_mem>>)
      } else {
      }
      %add3A_149 = arith.constant 1 : i32
      %add3A_150 = arith.addi %add3A_136, %add3A_149 : i32
      %le3A_151 = arith.constant 249 : i32
      %le3A_152 = arith.cmpi sle, %add3A_150, %le3A_151 : i32
      %convert_element_type3A_153 = arith.extui %le3A_152 : i1 to i32
      %cond3A_154 = arith.constant 0 : i32
      %cond3A_155 = arith.cmpi ne, %convert_element_type3A_153, %cond3A_154 : i32
      scf.if %cond3A_155 {
        %add3A_235 = arith.constant 1 : i32
        %add3A_236 = arith.addi %add3A_136, %add3A_235 : i32
        %mul3A_237 = arith.constant 40 : i32
        %mul3A_238 = arith.muli %add3A_236, %mul3A_237 : i32
        %add3A_239 = arith.addi %mul3A_6, %mul3A_238 : i32
        %dma_wait3A_240 = tpu.memref_slice %arg3[%add3A_239] : memref<320000xi32, #tpu.memory_space<hbm>> -> memref<40xi32, #tpu.memory_space<hbm>>
        %dma_wait3A_241 = tpu.memref_slice %arg3[%add3A_239] : memref<320000xi32, #tpu.memory_space<hbm>> -> memref<40xi32, #tpu.memory_space<hbm>>
        tpu.wait_dma2 semaphore(%arg27 : memref<!tpu.dma_semaphore, #tpu.memory_space<semaphore_mem>>) src(%dma_wait3A_241 : memref<40xi32, #tpu.memory_space<hbm>>) dst(%arg11 : memref<40xi32, #tpu.memory_space<vmem>>)
        %dma_wait3A_242 = tpu.memref_slice %arg4[%add3A_239] : memref<320000xi32, #tpu.memory_space<hbm>> -> memref<40xi32, #tpu.memory_space<hbm>>
        %dma_wait3A_243 = tpu.memref_slice %arg4[%add3A_239] : memref<320000xi32, #tpu.memory_space<hbm>> -> memref<40xi32, #tpu.memory_space<hbm>>
        tpu.wait_dma2 semaphore(%arg27 : memref<!tpu.dma_semaphore, #tpu.memory_space<semaphore_mem>>) src(%dma_wait3A_243 : memref<40xi32, #tpu.memory_space<hbm>>) dst(%arg15 : memref<40xi32, #tpu.memory_space<vmem>>)
        %mul3A_244 = arith.constant 128 : i32
        %mul3A_245 = arith.muli %add3A_239, %mul3A_244 : i32
        %dma_wait3A_246 = tpu.memref_slice %arg5[%mul3A_245] : memref<40960000xbf16, #tpu.memory_space<hbm>> -> memref<5120xbf16, #tpu.memory_space<hbm>>
        %dma_wait3A_247 = tpu.memref_slice %arg5[%mul3A_245] : memref<40960000xbf16, #tpu.memory_space<hbm>> -> memref<5120xbf16, #tpu.memory_space<hbm>>
        tpu.wait_dma2 semaphore(%arg27 : memref<!tpu.dma_semaphore, #tpu.memory_space<semaphore_mem>>) src(%dma_wait3A_247 : memref<5120xbf16, #tpu.memory_space<hbm>>) dst(%arg19 : memref<5120xbf16, #tpu.memory_space<vmem>>)
        %dma_start3A_248 = arith.constant 0 : i32
        %dma_start3A_249 = arith.constant 0 : i32
        %dma_start3A_250 = tpu.memref_slice %arg2[%dma_start3A_248, %dma_start3A_249] : memref<10000x128xf32, #tpu.memory_space<hbm>> -> memref<10000x128xf32, #tpu.memory_space<hbm>>
        tpu.enqueue_indirect_dma source(%dma_start3A_250 : memref<10000x128xf32, #tpu.memory_space<hbm>>) target(%arg23 : memref<40x128xf32, #tpu.memory_space<vmem>>) offsets(%arg11 : memref<40xi32, #tpu.memory_space<vmem>>) semaphore(%arg31 : memref<!tpu.dma_semaphore, #tpu.memory_space<semaphore_mem>>)
      } else {
      }
      %dma_wait3A_156 = arith.constant 0 : i32
      %dma_wait3A_157 = arith.constant 0 : i32
      %dma_wait3A_158 = tpu.memref_slice %arg2[%dma_wait3A_156, %dma_wait3A_157] : memref<10000x128xf32, #tpu.memory_space<hbm>> -> memref<10000x128xf32, #tpu.memory_space<hbm>>
      tpu.wait_indirect_dma semaphore(%arg30 : memref<!tpu.dma_semaphore, #tpu.memory_space<semaphore_mem>>) src(%dma_wait3A_158 : memref<10000x128xf32, #tpu.memory_space<hbm>>) dst(%arg22 : memref<40x128xf32, #tpu.memory_space<vmem>>)
      %scan3A_159 = arith.constant 0 : i32
      %scan3A_160 = arith.constant 40 : i32
      %scan3A_161 = arith.addi %scan3A_159, %scan3A_160 : i32
      %scan3A_162 = arith.constant 1 : i32
      scf.for %scan3A_235 = %scan3A_159 to %scan3A_161 step %scan3A_162  : i32 {
        %mul3A_236 = arith.constant 1 : i32
        %mul3A_237 = arith.muli %scan3A_235, %mul3A_236 : i32
        %add3A_238 = arith.constant 0 : i32
        %add3A_239 = arith.addi %add3A_238, %mul3A_237 : i32
        %mul3A_240 = arith.constant 128 : i32
        %mul3A_241 = arith.muli %add3A_239, %mul3A_240 : i32
        %add3A_242 = arith.constant 0 : i32
        %add3A_243 = arith.addi %mul3A_241, %add3A_242 : i32
        %get3A = arith.index_cast %add3A_243 : i32 to index
        %get3A_244 = tpu.vector_load %arg18[%get3A] {strides = array<i32>} : memref<5120xbf16, #tpu.memory_space<vmem>>, vector<32xbf16>,
        %unpack3A = tpu.unpack_subelements %get3A_244, 0 {pack_format = #tpu.pack_format<interleaved>} : vector<32xbf16> -> vector<16xf32>
        %unpack3A_245 = tpu.unpack_subelements %get3A_244, 1 {pack_format = #tpu.pack_format<interleaved>} : vector<32xbf16> -> vector<16xf32>
        %get3A_246 = arith.index_cast %add3A_239 : i32 to index
        %get3A_247 = arith.constant 0 : index
        %get3A_248 = tpu.vector_load %arg22[%get3A_246, %get3A_247] {strides = array<i32>} : memref<40x128xf32, #tpu.memory_space<vmem>>, vector<16xf32>,
        %mul3A_249 = arith.mulf %get3A_248, %unpack3A : vector<16xf32>
        %swap3A = arith.index_cast %add3A_239 : i32 to index
        %swap3A_250 = arith.constant 0 : index
        %swap3A_251 = tpu.vector_load %arg22[%swap3A, %swap3A_250] {strides = array<i32>} : memref<40x128xf32, #tpu.memory_space<vmem>>, vector<16xf32>,
        tpu.vector_store %arg22[%swap3A, %swap3A_250], %mul3A_249 {strides = array<i32>} : memref<40x128xf32, #tpu.memory_space<vmem>>, vector<16xf32>,
        %get3A_252 = arith.index_cast %add3A_239 : i32 to index
        %get3A_253 = arith.constant 16 : index
        %get3A_254 = tpu.vector_load %arg22[%get3A_252, %get3A_253] {strides = array<i32>} : memref<40x128xf32, #tpu.memory_space<vmem>>, vector<16xf32>,
        %mul3A_255 = arith.mulf %get3A_254, %unpack3A_245 : vector<16xf32>
        %swap3A_256 = arith.index_cast %add3A_239 : i32 to index
        %swap3A_257 = arith.constant 16 : index
        %swap3A_258 = tpu.vector_load %arg22[%swap3A_256, %swap3A_257] {strides = array<i32>} : memref<40x128xf32, #tpu.memory_space<vmem>>, vector<16xf32>,
        tpu.vector_store %arg22[%swap3A_256, %swap3A_257], %mul3A_255 {strides = array<i32>} : memref<40x128xf32, #tpu.memory_space<vmem>>, vector<16xf32>,
        %add3A_259 = arith.constant 32 : i32
        %add3A_260 = arith.addi %mul3A_241, %add3A_259 : i32
        %get3A_261 = arith.index_cast %add3A_260 : i32 to index
        %get3A_262 = tpu.vector_load %arg18[%get3A_261] {strides = array<i32>} : memref<5120xbf16, #tpu.memory_space<vmem>>, vector<32xbf16>,
        %unpack3A_263 = tpu.unpack_subelements %get3A_262, 0 {pack_format = #tpu.pack_format<interleaved>} : vector<32xbf16> -> vector<16xf32>
        %unpack3A_264 = tpu.unpack_subelements %get3A_262, 1 {pack_format = #tpu.pack_format<interleaved>} : vector<32xbf16> -> vector<16xf32>
        %get3A_265 = arith.index_cast %add3A_239 : i32 to index
        %get3A_266 = arith.constant 32 : index
        %get3A_267 = tpu.vector_load %arg22[%get3A_265, %get3A_266] {strides = array<i32>} : memref<40x128xf32, #tpu.memory_space<vmem>>, vector<16xf32>,
        %mul3A_268 = arith.mulf %get3A_267, %unpack3A_263 : vector<16xf32>
        %swap3A_269 = arith.index_cast %add3A_239 : i32 to index
        %swap3A_270 = arith.constant 32 : index
        %swap3A_271 = tpu.vector_load %arg22[%swap3A_269, %swap3A_270] {strides = array<i32>} : memref<40x128xf32, #tpu.memory_space<vmem>>, vector<16xf32>,
        tpu.vector_store %arg22[%swap3A_269, %swap3A_270], %mul3A_268 {strides = array<i32>} : memref<40x128xf32, #tpu.memory_space<vmem>>, vector<16xf32>,
        %get3A_272 = arith.index_cast %add3A_239 : i32 to index
        %get3A_273 = arith.constant 48 : index
        %get3A_274 = tpu.vector_load %arg22[%get3A_272, %get3A_273] {strides = array<i32>} : memref<40x128xf32, #tpu.memory_space<vmem>>, vector<16xf32>,
        %mul3A_275 = arith.mulf %get3A_274, %unpack3A_264 : vector<16xf32>
        %swap3A_276 = arith.index_cast %add3A_239 : i32 to index
        %swap3A_277 = arith.constant 48 : index
        %swap3A_278 = tpu.vector_load %arg22[%swap3A_276, %swap3A_277] {strides = array<i32>} : memref<40x128xf32, #tpu.memory_space<vmem>>, vector<16xf32>,
        tpu.vector_store %arg22[%swap3A_276, %swap3A_277], %mul3A_275 {strides = array<i32>} : memref<40x128xf32, #tpu.memory_space<vmem>>, vector<16xf32>,
        %add3A_279 = arith.constant 64 : i32
        %add3A_280 = arith.addi %mul3A_241, %add3A_279 : i32
        %get3A_281 = arith.index_cast %add3A_280 : i32 to index
        %get3A_282 = tpu.vector_load %arg18[%get3A_281] {strides = array<i32>} : memref<5120xbf16, #tpu.memory_space<vmem>>, vector<32xbf16>,
        %unpack3A_283 = tpu.unpack_subelements %get3A_282, 0 {pack_format = #tpu.pack_format<interleaved>} : vector<32xbf16> -> vector<16xf32>
        %unpack3A_284 = tpu.unpack_subelements %get3A_282, 1 {pack_format = #tpu.pack_format<interleaved>} : vector<32xbf16> -> vector<16xf32>
        %get3A_285 = arith.index_cast %add3A_239 : i32 to index
        %get3A_286 = arith.constant 64 : index
        %get3A_287 = tpu.vector_load %arg22[%get3A_285, %get3A_286] {strides = array<i32>} : memref<40x128xf32, #tpu.memory_space<vmem>>, vector<16xf32>,
        %mul3A_288 = arith.mulf %get3A_287, %unpack3A_283 : vector<16xf32>
        %swap3A_289 = arith.index_cast %add3A_239 : i32 to index
        %swap3A_290 = arith.constant 64 : index
        %swap3A_291 = tpu.vector_load %arg22[%swap3A_289, %swap3A_290] {strides = array<i32>} : memref<40x128xf32, #tpu.memory_space<vmem>>, vector<16xf32>,
        tpu.vector_store %arg22[%swap3A_289, %swap3A_290], %mul3A_288 {strides = array<i32>} : memref<40x128xf32, #tpu.memory_space<vmem>>, vector<16xf32>,
        %get3A_292 = arith.index_cast %add3A_239 : i32 to index
        %get3A_293 = arith.constant 80 : index
        %get3A_294 = tpu.vector_load %arg22[%get3A_292, %get3A_293] {strides = array<i32>} : memref<40x128xf32, #tpu.memory_space<vmem>>, vector<16xf32>,
        %mul3A_295 = arith.mulf %get3A_294, %unpack3A_284 : vector<16xf32>
        %swap3A_296 = arith.index_cast %add3A_239 : i32 to index
        %swap3A_297 = arith.constant 80 : index
        %swap3A_298 = tpu.vector_load %arg22[%swap3A_296, %swap3A_297] {strides = array<i32>} : memref<40x128xf32, #tpu.memory_space<vmem>>, vector<16xf32>,
        tpu.vector_store %arg22[%swap3A_296, %swap3A_297], %mul3A_295 {strides = array<i32>} : memref<40x128xf32, #tpu.memory_space<vmem>>, vector<16xf32>,
        %add3A_299 = arith.constant 96 : i32
        %add3A_300 = arith.addi %mul3A_241, %add3A_299 : i32
        %get3A_301 = arith.index_cast %add3A_300 : i32 to index
        %get3A_302 = tpu.vector_load %arg18[%get3A_301] {strides = array<i32>} : memref<5120xbf16, #tpu.memory_space<vmem>>, vector<32xbf16>,
        %unpack3A_303 = tpu.unpack_subelements %get3A_302, 0 {pack_format = #tpu.pack_format<interleaved>} : vector<32xbf16> -> vector<16xf32>
        %unpack3A_304 = tpu.unpack_subelements %get3A_302, 1 {pack_format = #tpu.pack_format<interleaved>} : vector<32xbf16> -> vector<16xf32>
        %get3A_305 = arith.index_cast %add3A_239 : i32 to index
        %get3A_306 = arith.constant 96 : index
        %get3A_307 = tpu.vector_load %arg22[%get3A_305, %get3A_306] {strides = array<i32>} : memref<40x128xf32, #tpu.memory_space<vmem>>, vector<16xf32>,
        %mul3A_308 = arith.mulf %get3A_307, %unpack3A_303 : vector<16xf32>
        %swap3A_309 = arith.index_cast %add3A_239 : i32 to index
        %swap3A_310 = arith.constant 96 : index
        %swap3A_311 = tpu.vector_load %arg22[%swap3A_309, %swap3A_310] {strides = array<i32>} : memref<40x128xf32, #tpu.memory_space<vmem>>, vector<16xf32>,
        tpu.vector_store %arg22[%swap3A_309, %swap3A_310], %mul3A_308 {strides = array<i32>} : memref<40x128xf32, #tpu.memory_space<vmem>>, vector<16xf32>,
        %get3A_312 = arith.index_cast %add3A_239 : i32 to index
        %get3A_313 = arith.constant 112 : index
        %get3A_314 = tpu.vector_load %arg22[%get3A_312, %get3A_313] {strides = array<i32>} : memref<40x128xf32, #tpu.memory_space<vmem>>, vector<16xf32>,
        %mul3A_315 = arith.mulf %get3A_314, %unpack3A_304 : vector<16xf32>
        %swap3A_316 = arith.index_cast %add3A_239 : i32 to index
        %swap3A_317 = arith.constant 112 : index
        %swap3A_318 = tpu.vector_load %arg22[%swap3A_316, %swap3A_317] {strides = array<i32>} : memref<40x128xf32, #tpu.memory_space<vmem>>, vector<16xf32>,
        tpu.vector_store %arg22[%swap3A_316, %swap3A_317], %mul3A_315 {strides = array<i32>} : memref<40x128xf32, #tpu.memory_space<vmem>>, vector<16xf32>,
      }
      %scan3A_163 = arith.constant 40 : i32
      %dma_start3A_164 = arith.constant 0 : i32
      %dma_start3A_165 = arith.constant 0 : i32
      %dma_start3A_166 = tpu.memref_slice %arg8[%dma_start3A_164, %dma_start3A_165] : memref<10240x128xf32, #tpu.memory_space<vmem_shared>> -> memref<10240x128xf32, #tpu.memory_space<vmem_shared>>
      tpu.enqueue_indirect_dma source(%arg22 : memref<40x128xf32, #tpu.memory_space<vmem>>) target(%dma_start3A_166 : memref<10240x128xf32, #tpu.memory_space<vmem_shared>>) offsets(%arg14 : memref<40xi32, #tpu.memory_space<vmem>>) semaphore(%arg34 : memref<!tpu.dma_semaphore, #tpu.memory_space<semaphore_mem>>) {add = true}
      %mul3A_167 = arith.constant 4 : i32
      %mul3A_168 = arith.muli %add3A_102, %mul3A_167 : i32
      %add3A_169 = arith.constant 2 : i32
      %add3A_170 = arith.addi %mul3A_168, %add3A_169 : i32
      %ge3A_171 = arith.constant 2 : i32
      %ge3A_172 = arith.cmpi sge, %add3A_170, %ge3A_171 : i32
      %convert_element_type3A_173 = arith.extui %ge3A_172 : i1 to i32
      %cond3A_174 = arith.constant 0 : i32
      %cond3A_175 = arith.cmpi ne, %convert_element_type3A_173, %cond3A_174 : i32
      scf.if %cond3A_175 {
        %dma_wait3A_235 = arith.constant 0 : i32
        %dma_wait3A_236 = arith.constant 0 : i32
        %dma_wait3A_237 = tpu.memref_slice %arg8[%dma_wait3A_235, %dma_wait3A_236] : memref<10240x128xf32, #tpu.memory_space<vmem_shared>> -> memref<10240x128xf32, #tpu.memory_space<vmem_shared>>
        tpu.wait_indirect_dma semaphore(%arg33 : memref<!tpu.dma_semaphore, #tpu.memory_space<semaphore_mem>>) src(%arg21 : memref<40x128xf32, #tpu.memory_space<vmem>>) dst(%dma_wait3A_237 : memref<10240x128xf32, #tpu.memory_space<vmem_shared>>)
      } else {
      }
      %add3A_176 = arith.constant 2 : i32
      %add3A_177 = arith.addi %add3A_170, %add3A_176 : i32
      %le3A_178 = arith.constant 249 : i32
      %le3A_179 = arith.cmpi sle, %add3A_177, %le3A_178 : i32
      %convert_element_type3A_180 = arith.extui %le3A_179 : i1 to i32
      %cond3A_181 = arith.constant 0 : i32
      %cond3A_182 = arith.cmpi ne, %convert_element_type3A_180, %cond3A_181 : i32
      scf.if %cond3A_182 {
        %add3A_235 = arith.constant 2 : i32
        %add3A_236 = arith.addi %add3A_170, %add3A_235 : i32
        %mul3A_237 = arith.constant 40 : i32
        %mul3A_238 = arith.muli %add3A_236, %mul3A_237 : i32
        %add3A_239 = arith.addi %mul3A_6, %mul3A_238 : i32
        %dma_start3A_240 = tpu.memref_slice %arg3[%add3A_239] : memref<320000xi32, #tpu.memory_space<hbm>> -> memref<40xi32, #tpu.memory_space<hbm>>
        %dma_start3A_241 = tpu.memref_slice %arg3[%add3A_239] : memref<320000xi32, #tpu.memory_space<hbm>> -> memref<40xi32, #tpu.memory_space<hbm>>
        tpu.enqueue_dma source(%dma_start3A_241 : memref<40xi32, #tpu.memory_space<hbm>>) target(%arg9 : memref<40xi32, #tpu.memory_space<vmem>>) target_semaphore(%arg25 : memref<!tpu.dma_semaphore, #tpu.memory_space<semaphore_mem>>)
        %dma_start3A_242 = tpu.memref_slice %arg4[%add3A_239] : memref<320000xi32, #tpu.memory_space<hbm>> -> memref<40xi32, #tpu.memory_space<hbm>>
        %dma_start3A_243 = tpu.memref_slice %arg4[%add3A_239] : memref<320000xi32, #tpu.memory_space<hbm>> -> memref<40xi32, #tpu.memory_space<hbm>>
        tpu.enqueue_dma source(%dma_start3A_243 : memref<40xi32, #tpu.memory_space<hbm>>) target(%arg13 : memref<40xi32, #tpu.memory_space<vmem>>) target_semaphore(%arg25 : memref<!tpu.dma_semaphore, #tpu.memory_space<semaphore_mem>>)
        %mul3A_244 = arith.constant 128 : i32
        %mul3A_245 = arith.muli %add3A_239, %mul3A_244 : i32
        %dma_start3A_246 = tpu.memref_slice %arg5[%mul3A_245] : memref<40960000xbf16, #tpu.memory_space<hbm>> -> memref<5120xbf16, #tpu.memory_space<hbm>>
        %dma_start3A_247 = tpu.memref_slice %arg5[%mul3A_245] : memref<40960000xbf16, #tpu.memory_space<hbm>> -> memref<5120xbf16, #tpu.memory_space<hbm>>
        tpu.enqueue_dma source(%dma_start3A_247 : memref<5120xbf16, #tpu.memory_space<hbm>>) target(%arg17 : memref<5120xbf16, #tpu.memory_space<vmem>>) target_semaphore(%arg25 : memref<!tpu.dma_semaphore, #tpu.memory_space<semaphore_mem>>)
      } else {
      }
      %add3A_183 = arith.constant 1 : i32
      %add3A_184 = arith.addi %add3A_170, %add3A_183 : i32
      %le3A_185 = arith.constant 249 : i32
      %le3A_186 = arith.cmpi sle, %add3A_184, %le3A_185 : i32
      %convert_element_type3A_187 = arith.extui %le3A_186 : i1 to i32
      %cond3A_188 = arith.constant 0 : i32
      %cond3A_189 = arith.cmpi ne, %convert_element_type3A_187, %cond3A_188 : i32
      scf.if %cond3A_189 {
        %add3A_235 = arith.constant 1 : i32
        %add3A_236 = arith.addi %add3A_170, %add3A_235 : i32
        %mul3A_237 = arith.constant 40 : i32
        %mul3A_238 = arith.muli %add3A_236, %mul3A_237 : i32
        %add3A_239 = arith.addi %mul3A_6, %mul3A_238 : i32
        %dma_wait3A_240 = tpu.memref_slice %arg3[%add3A_239] : memref<320000xi32, #tpu.memory_space<hbm>> -> memref<40xi32, #tpu.memory_space<hbm>>
        %dma_wait3A_241 = tpu.memref_slice %arg3[%add3A_239] : memref<320000xi32, #tpu.memory_space<hbm>> -> memref<40xi32, #tpu.memory_space<hbm>>
        tpu.wait_dma2 semaphore(%arg28 : memref<!tpu.dma_semaphore, #tpu.memory_space<semaphore_mem>>) src(%dma_wait3A_241 : memref<40xi32, #tpu.memory_space<hbm>>) dst(%arg12 : memref<40xi32, #tpu.memory_space<vmem>>)
        %dma_wait3A_242 = tpu.memref_slice %arg4[%add3A_239] : memref<320000xi32, #tpu.memory_space<hbm>> -> memref<40xi32, #tpu.memory_space<hbm>>
        %dma_wait3A_243 = tpu.memref_slice %arg4[%add3A_239] : memref<320000xi32, #tpu.memory_space<hbm>> -> memref<40xi32, #tpu.memory_space<hbm>>
        tpu.wait_dma2 semaphore(%arg28 : memref<!tpu.dma_semaphore, #tpu.memory_space<semaphore_mem>>) src(%dma_wait3A_243 : memref<40xi32, #tpu.memory_space<hbm>>) dst(%arg16 : memref<40xi32, #tpu.memory_space<vmem>>)
        %mul3A_244 = arith.constant 128 : i32
        %mul3A_245 = arith.muli %add3A_239, %mul3A_244 : i32
        %dma_wait3A_246 = tpu.memref_slice %arg5[%mul3A_245] : memref<40960000xbf16, #tpu.memory_space<hbm>> -> memref<5120xbf16, #tpu.memory_space<hbm>>
        %dma_wait3A_247 = tpu.memref_slice %arg5[%mul3A_245] : memref<40960000xbf16, #tpu.memory_space<hbm>> -> memref<5120xbf16, #tpu.memory_space<hbm>>
        tpu.wait_dma2 semaphore(%arg28 : memref<!tpu.dma_semaphore, #tpu.memory_space<semaphore_mem>>) src(%dma_wait3A_247 : memref<5120xbf16, #tpu.memory_space<hbm>>) dst(%arg20 : memref<5120xbf16, #tpu.memory_space<vmem>>)
        %dma_start3A_248 = arith.constant 0 : i32
        %dma_start3A_249 = arith.constant 0 : i32
        %dma_start3A_250 = tpu.memref_slice %arg2[%dma_start3A_248, %dma_start3A_249] : memref<10000x128xf32, #tpu.memory_space<hbm>> -> memref<10000x128xf32, #tpu.memory_space<hbm>>
        tpu.enqueue_indirect_dma source(%dma_start3A_250 : memref<10000x128xf32, #tpu.memory_space<hbm>>) target(%arg24 : memref<40x128xf32, #tpu.memory_space<vmem>>) offsets(%arg12 : memref<40xi32, #tpu.memory_space<vmem>>) semaphore(%arg32 : memref<!tpu.dma_semaphore, #tpu.memory_space<semaphore_mem>>)
      } else {
      }
      %dma_wait3A_190 = arith.constant 0 : i32
      %dma_wait3A_191 = arith.constant 0 : i32
      %dma_wait3A_192 = tpu.memref_slice %arg2[%dma_wait3A_190, %dma_wait3A_191] : memref<10000x128xf32, #tpu.memory_space<hbm>> -> memref<10000x128xf32, #tpu.memory_space<hbm>>
      tpu.wait_indirect_dma semaphore(%arg31 : memref<!tpu.dma_semaphore, #tpu.memory_space<semaphore_mem>>) src(%dma_wait3A_192 : memref<10000x128xf32, #tpu.memory_space<hbm>>) dst(%arg23 : memref<40x128xf32, #tpu.memory_space<vmem>>)
      %scan3A_193 = arith.constant 0 : i32
      %scan3A_194 = arith.constant 40 : i32
      %scan3A_195 = arith.addi %scan3A_193, %scan3A_194 : i32
      %scan3A_196 = arith.constant 1 : i32
      scf.for %scan3A_235 = %scan3A_193 to %scan3A_195 step %scan3A_196  : i32 {
        %mul3A_236 = arith.constant 1 : i32
        %mul3A_237 = arith.muli %scan3A_235, %mul3A_236 : i32
        %add3A_238 = arith.constant 0 : i32
        %add3A_239 = arith.addi %add3A_238, %mul3A_237 : i32
        %mul3A_240 = arith.constant 128 : i32
        %mul3A_241 = arith.muli %add3A_239, %mul3A_240 : i32
        %add3A_242 = arith.constant 0 : i32
        %add3A_243 = arith.addi %mul3A_241, %add3A_242 : i32
        %get3A = arith.index_cast %add3A_243 : i32 to index
        %get3A_244 = tpu.vector_load %arg19[%get3A] {strides = array<i32>} : memref<5120xbf16, #tpu.memory_space<vmem>>, vector<32xbf16>,
        %unpack3A = tpu.unpack_subelements %get3A_244, 0 {pack_format = #tpu.pack_format<interleaved>} : vector<32xbf16> -> vector<16xf32>
        %unpack3A_245 = tpu.unpack_subelements %get3A_244, 1 {pack_format = #tpu.pack_format<interleaved>} : vector<32xbf16> -> vector<16xf32>
        %get3A_246 = arith.index_cast %add3A_239 : i32 to index
        %get3A_247 = arith.constant 0 : index
        %get3A_248 = tpu.vector_load %arg23[%get3A_246, %get3A_247] {strides = array<i32>} : memref<40x128xf32, #tpu.memory_space<vmem>>, vector<16xf32>,
        %mul3A_249 = arith.mulf %get3A_248, %unpack3A : vector<16xf32>
        %swap3A = arith.index_cast %add3A_239 : i32 to index
        %swap3A_250 = arith.constant 0 : index
        %swap3A_251 = tpu.vector_load %arg23[%swap3A, %swap3A_250] {strides = array<i32>} : memref<40x128xf32, #tpu.memory_space<vmem>>, vector<16xf32>,
        tpu.vector_store %arg23[%swap3A, %swap3A_250], %mul3A_249 {strides = array<i32>} : memref<40x128xf32, #tpu.memory_space<vmem>>, vector<16xf32>,
        %get3A_252 = arith.index_cast %add3A_239 : i32 to index
        %get3A_253 = arith.constant 16 : index
        %get3A_254 = tpu.vector_load %arg23[%get3A_252, %get3A_253] {strides = array<i32>} : memref<40x128xf32, #tpu.memory_space<vmem>>, vector<16xf32>,
        %mul3A_255 = arith.mulf %get3A_254, %unpack3A_245 : vector<16xf32>
        %swap3A_256 = arith.index_cast %add3A_239 : i32 to index
        %swap3A_257 = arith.constant 16 : index
        %swap3A_258 = tpu.vector_load %arg23[%swap3A_256, %swap3A_257] {strides = array<i32>} : memref<40x128xf32, #tpu.memory_space<vmem>>, vector<16xf32>,
        tpu.vector_store %arg23[%swap3A_256, %swap3A_257], %mul3A_255 {strides = array<i32>} : memref<40x128xf32, #tpu.memory_space<vmem>>, vector<16xf32>,
        %add3A_259 = arith.constant 32 : i32
        %add3A_260 = arith.addi %mul3A_241, %add3A_259 : i32
        %get3A_261 = arith.index_cast %add3A_260 : i32 to index
        %get3A_262 = tpu.vector_load %arg19[%get3A_261] {strides = array<i32>} : memref<5120xbf16, #tpu.memory_space<vmem>>, vector<32xbf16>,
        %unpack3A_263 = tpu.unpack_subelements %get3A_262, 0 {pack_format = #tpu.pack_format<interleaved>} : vector<32xbf16> -> vector<16xf32>
        %unpack3A_264 = tpu.unpack_subelements %get3A_262, 1 {pack_format = #tpu.pack_format<interleaved>} : vector<32xbf16> -> vector<16xf32>
        %get3A_265 = arith.index_cast %add3A_239 : i32 to index
        %get3A_266 = arith.constant 32 : index
        %get3A_267 = tpu.vector_load %arg23[%get3A_265, %get3A_266] {strides = array<i32>} : memref<40x128xf32, #tpu.memory_space<vmem>>, vector<16xf32>,
        %mul3A_268 = arith.mulf %get3A_267, %unpack3A_263 : vector<16xf32>
        %swap3A_269 = arith.index_cast %add3A_239 : i32 to index
        %swap3A_270 = arith.constant 32 : index
        %swap3A_271 = tpu.vector_load %arg23[%swap3A_269, %swap3A_270] {strides = array<i32>} : memref<40x128xf32, #tpu.memory_space<vmem>>, vector<16xf32>,
        tpu.vector_store %arg23[%swap3A_269, %swap3A_270], %mul3A_268 {strides = array<i32>} : memref<40x128xf32, #tpu.memory_space<vmem>>, vector<16xf32>,
        %get3A_272 = arith.index_cast %add3A_239 : i32 to index
        %get3A_273 = arith.constant 48 : index
        %get3A_274 = tpu.vector_load %arg23[%get3A_272, %get3A_273] {strides = array<i32>} : memref<40x128xf32, #tpu.memory_space<vmem>>, vector<16xf32>,
        %mul3A_275 = arith.mulf %get3A_274, %unpack3A_264 : vector<16xf32>
        %swap3A_276 = arith.index_cast %add3A_239 : i32 to index
        %swap3A_277 = arith.constant 48 : index
        %swap3A_278 = tpu.vector_load %arg23[%swap3A_276, %swap3A_277] {strides = array<i32>} : memref<40x128xf32, #tpu.memory_space<vmem>>, vector<16xf32>,
        tpu.vector_store %arg23[%swap3A_276, %swap3A_277], %mul3A_275 {strides = array<i32>} : memref<40x128xf32, #tpu.memory_space<vmem>>, vector<16xf32>,
        %add3A_279 = arith.constant 64 : i32
        %add3A_280 = arith.addi %mul3A_241, %add3A_279 : i32
        %get3A_281 = arith.index_cast %add3A_280 : i32 to index
        %get3A_282 = tpu.vector_load %arg19[%get3A_281] {strides = array<i32>} : memref<5120xbf16, #tpu.memory_space<vmem>>, vector<32xbf16>,
        %unpack3A_283 = tpu.unpack_subelements %get3A_282, 0 {pack_format = #tpu.pack_format<interleaved>} : vector<32xbf16> -> vector<16xf32>
        %unpack3A_284 = tpu.unpack_subelements %get3A_282, 1 {pack_format = #tpu.pack_format<interleaved>} : vector<32xbf16> -> vector<16xf32>
        %get3A_285 = arith.index_cast %add3A_239 : i32 to index
        %get3A_286 = arith.constant 64 : index
        %get3A_287 = tpu.vector_load %arg23[%get3A_285, %get3A_286] {strides = array<i32>} : memref<40x128xf32, #tpu.memory_space<vmem>>, vector<16xf32>,
        %mul3A_288 = arith.mulf %get3A_287, %unpack3A_283 : vector<16xf32>
        %swap3A_289 = arith.index_cast %add3A_239 : i32 to index
        %swap3A_290 = arith.constant 64 : index
        %swap3A_291 = tpu.vector_load %arg23[%swap3A_289, %swap3A_290] {strides = array<i32>} : memref<40x128xf32, #tpu.memory_space<vmem>>, vector<16xf32>,
        tpu.vector_store %arg23[%swap3A_289, %swap3A_290], %mul3A_288 {strides = array<i32>} : memref<40x128xf32, #tpu.memory_space<vmem>>, vector<16xf32>,
        %get3A_292 = arith.index_cast %add3A_239 : i32 to index
        %get3A_293 = arith.constant 80 : index
        %get3A_294 = tpu.vector_load %arg23[%get3A_292, %get3A_293] {strides = array<i32>} : memref<40x128xf32, #tpu.memory_space<vmem>>, vector<16xf32>,
        %mul3A_295 = arith.mulf %get3A_294, %unpack3A_284 : vector<16xf32>
        %swap3A_296 = arith.index_cast %add3A_239 : i32 to index
        %swap3A_297 = arith.constant 80 : index
        %swap3A_298 = tpu.vector_load %arg23[%swap3A_296, %swap3A_297] {strides = array<i32>} : memref<40x128xf32, #tpu.memory_space<vmem>>, vector<16xf32>,
        tpu.vector_store %arg23[%swap3A_296, %swap3A_297], %mul3A_295 {strides = array<i32>} : memref<40x128xf32, #tpu.memory_space<vmem>>, vector<16xf32>,
        %add3A_299 = arith.constant 96 : i32
        %add3A_300 = arith.addi %mul3A_241, %add3A_299 : i32
        %get3A_301 = arith.index_cast %add3A_300 : i32 to index
        %get3A_302 = tpu.vector_load %arg19[%get3A_301] {strides = array<i32>} : memref<5120xbf16, #tpu.memory_space<vmem>>, vector<32xbf16>,
        %unpack3A_303 = tpu.unpack_subelements %get3A_302, 0 {pack_format = #tpu.pack_format<interleaved>} : vector<32xbf16> -> vector<16xf32>
        %unpack3A_304 = tpu.unpack_subelements %get3A_302, 1 {pack_format = #tpu.pack_format<interleaved>} : vector<32xbf16> -> vector<16xf32>
        %get3A_305 = arith.index_cast %add3A_239 : i32 to index
        %get3A_306 = arith.constant 96 : index
        %get3A_307 = tpu.vector_load %arg23[%get3A_305, %get3A_306] {strides = array<i32>} : memref<40x128xf32, #tpu.memory_space<vmem>>, vector<16xf32>,
        %mul3A_308 = arith.mulf %get3A_307, %unpack3A_303 : vector<16xf32>
        %swap3A_309 = arith.index_cast %add3A_239 : i32 to index
        %swap3A_310 = arith.constant 96 : index
        %swap3A_311 = tpu.vector_load %arg23[%swap3A_309, %swap3A_310] {strides = array<i32>} : memref<40x128xf32, #tpu.memory_space<vmem>>, vector<16xf32>,
        tpu.vector_store %arg23[%swap3A_309, %swap3A_310], %mul3A_308 {strides = array<i32>} : memref<40x128xf32, #tpu.memory_space<vmem>>, vector<16xf32>,
        %get3A_312 = arith.index_cast %add3A_239 : i32 to index
        %get3A_313 = arith.constant 112 : index
        %get3A_314 = tpu.vector_load %arg23[%get3A_312, %get3A_313] {strides = array<i32>} : memref<40x128xf32, #tpu.memory_space<vmem>>, vector<16xf32>,
        %mul3A_315 = arith.mulf %get3A_314, %unpack3A_304 : vector<16xf32>
        %swap3A_316 = arith.index_cast %add3A_239 : i32 to index
        %swap3A_317 = arith.constant 112 : index
        %swap3A_318 = tpu.vector_load %arg23[%swap3A_316, %swap3A_317] {strides = array<i32>} : memref<40x128xf32, #tpu.memory_space<vmem>>, vector<16xf32>,
        tpu.vector_store %arg23[%swap3A_316, %swap3A_317], %mul3A_315 {strides = array<i32>} : memref<40x128xf32, #tpu.memory_space<vmem>>, vector<16xf32>,
      }
      %scan3A_197 = arith.constant 40 : i32
      %dma_start3A_198 = arith.constant 0 : i32
      %dma_start3A_199 = arith.constant 0 : i32
      %dma_start3A_200 = tpu.memref_slice %arg8[%dma_start3A_198, %dma_start3A_199] : memref<10240x128xf32, #tpu.memory_space<vmem_shared>> -> memref<10240x128xf32, #tpu.memory_space<vmem_shared>>
      tpu.enqueue_indirect_dma source(%arg23 : memref<40x128xf32, #tpu.memory_space<vmem>>) target(%dma_start3A_200 : memref<10240x128xf32, #tpu.memory_space<vmem_shared>>) offsets(%arg15 : memref<40xi32, #tpu.memory_space<vmem>>) semaphore(%arg35 : memref<!tpu.dma_semaphore, #tpu.memory_space<semaphore_mem>>) {add = true}
      %mul3A_201 = arith.constant 4 : i32
      %mul3A_202 = arith.muli %add3A_102, %mul3A_201 : i32
      %add3A_203 = arith.constant 3 : i32
      %add3A_204 = arith.addi %mul3A_202, %add3A_203 : i32
      %ge3A_205 = arith.constant 2 : i32
      %ge3A_206 = arith.cmpi sge, %add3A_204, %ge3A_205 : i32
      %convert_element_type3A_207 = arith.extui %ge3A_206 : i1 to i32
      %cond3A_208 = arith.constant 0 : i32
      %cond3A_209 = arith.cmpi ne, %convert_element_type3A_207, %cond3A_208 : i32
      scf.if %cond3A_209 {
        %dma_wait3A_235 = arith.constant 0 : i32
        %dma_wait3A_236 = arith.constant 0 : i32
        %dma_wait3A_237 = tpu.memref_slice %arg8[%dma_wait3A_235, %dma_wait3A_236] : memref<10240x128xf32, #tpu.memory_space<vmem_shared>> -> memref<10240x128xf32, #tpu.memory_space<vmem_shared>>
        tpu.wait_indirect_dma semaphore(%arg34 : memref<!tpu.dma_semaphore, #tpu.memory_space<semaphore_mem>>) src(%arg22 : memref<40x128xf32, #tpu.memory_space<vmem>>) dst(%dma_wait3A_237 : memref<10240x128xf32, #tpu.memory_space<vmem_shared>>)
      } else {
      }
      %add3A_210 = arith.constant 2 : i32
      %add3A_211 = arith.addi %add3A_204, %add3A_210 : i32
      %le3A_212 = arith.constant 249 : i32
      %le3A_213 = arith.cmpi sle, %add3A_211, %le3A_212 : i32
      %convert_element_type3A_214 = arith.extui %le3A_213 : i1 to i32
      %cond3A_215 = arith.constant 0 : i32
      %cond3A_216 = arith.cmpi ne, %convert_element_type3A_214, %cond3A_215 : i32
      scf.if %cond3A_216 {
        %add3A_235 = arith.constant 2 : i32
        %add3A_236 = arith.addi %add3A_204, %add3A_235 : i32
        %mul3A_237 = arith.constant 40 : i32
        %mul3A_238 = arith.muli %add3A_236, %mul3A_237 : i32
        %add3A_239 = arith.addi %mul3A_6, %mul3A_238 : i32
        %dma_start3A_240 = tpu.memref_slice %arg3[%add3A_239] : memref<320000xi32, #tpu.memory_space<hbm>> -> memref<40xi32, #tpu.memory_space<hbm>>
        %dma_start3A_241 = tpu.memref_slice %arg3[%add3A_239] : memref<320000xi32, #tpu.memory_space<hbm>> -> memref<40xi32, #tpu.memory_space<hbm>>
        tpu.enqueue_dma source(%dma_start3A_241 : memref<40xi32, #tpu.memory_space<hbm>>) target(%arg10 : memref<40xi32, #tpu.memory_space<vmem>>) target_semaphore(%arg26 : memref<!tpu.dma_semaphore, #tpu.memory_space<semaphore_mem>>)
        %dma_start3A_242 = tpu.memref_slice %arg4[%add3A_239] : memref<320000xi32, #tpu.memory_space<hbm>> -> memref<40xi32, #tpu.memory_space<hbm>>
        %dma_start3A_243 = tpu.memref_slice %arg4[%add3A_239] : memref<320000xi32, #tpu.memory_space<hbm>> -> memref<40xi32, #tpu.memory_space<hbm>>
        tpu.enqueue_dma source(%dma_start3A_243 : memref<40xi32, #tpu.memory_space<hbm>>) target(%arg14 : memref<40xi32, #tpu.memory_space<vmem>>) target_semaphore(%arg26 : memref<!tpu.dma_semaphore, #tpu.memory_space<semaphore_mem>>)
        %mul3A_244 = arith.constant 128 : i32
        %mul3A_245 = arith.muli %add3A_239, %mul3A_244 : i32
        %dma_start3A_246 = tpu.memref_slice %arg5[%mul3A_245] : memref<40960000xbf16, #tpu.memory_space<hbm>> -> memref<5120xbf16, #tpu.memory_space<hbm>>
        %dma_start3A_247 = tpu.memref_slice %arg5[%mul3A_245] : memref<40960000xbf16, #tpu.memory_space<hbm>> -> memref<5120xbf16, #tpu.memory_space<hbm>>
        tpu.enqueue_dma source(%dma_start3A_247 : memref<5120xbf16, #tpu.memory_space<hbm>>) target(%arg18 : memref<5120xbf16, #tpu.memory_space<vmem>>) target_semaphore(%arg26 : memref<!tpu.dma_semaphore, #tpu.memory_space<semaphore_mem>>)
      } else {
      }
      %add3A_217 = arith.constant 1 : i32
      %add3A_218 = arith.addi %add3A_204, %add3A_217 : i32
      %le3A_219 = arith.constant 249 : i32
      %le3A_220 = arith.cmpi sle, %add3A_218, %le3A_219 : i32
      %convert_element_type3A_221 = arith.extui %le3A_220 : i1 to i32
      %cond3A_222 = arith.constant 0 : i32
      %cond3A_223 = arith.cmpi ne, %convert_element_type3A_221, %cond3A_222 : i32
      scf.if %cond3A_223 {
        %add3A_235 = arith.constant 1 : i32
        %add3A_236 = arith.addi %add3A_204, %add3A_235 : i32
        %mul3A_237 = arith.constant 40 : i32
        %mul3A_238 = arith.muli %add3A_236, %mul3A_237 : i32
        %add3A_239 = arith.addi %mul3A_6, %mul3A_238 : i32
        %dma_wait3A_240 = tpu.memref_slice %arg3[%add3A_239] : memref<320000xi32, #tpu.memory_space<hbm>> -> memref<40xi32, #tpu.memory_space<hbm>>
        %dma_wait3A_241 = tpu.memref_slice %arg3[%add3A_239] : memref<320000xi32, #tpu.memory_space<hbm>> -> memref<40xi32, #tpu.memory_space<hbm>>
        tpu.wait_dma2 semaphore(%arg25 : memref<!tpu.dma_semaphore, #tpu.memory_space<semaphore_mem>>) src(%dma_wait3A_241 : memref<40xi32, #tpu.memory_space<hbm>>) dst(%arg9 : memref<40xi32, #tpu.memory_space<vmem>>)
        %dma_wait3A_242 = tpu.memref_slice %arg4[%add3A_239] : memref<320000xi32, #tpu.memory_space<hbm>> -> memref<40xi32, #tpu.memory_space<hbm>>
        %dma_wait3A_243 = tpu.memref_slice %arg4[%add3A_239] : memref<320000xi32, #tpu.memory_space<hbm>> -> memref<40xi32, #tpu.memory_space<hbm>>
        tpu.wait_dma2 semaphore(%arg25 : memref<!tpu.dma_semaphore, #tpu.memory_space<semaphore_mem>>) src(%dma_wait3A_243 : memref<40xi32, #tpu.memory_space<hbm>>) dst(%arg13 : memref<40xi32, #tpu.memory_space<vmem>>)
        %mul3A_244 = arith.constant 128 : i32
        %mul3A_245 = arith.muli %add3A_239, %mul3A_244 : i32
        %dma_wait3A_246 = tpu.memref_slice %arg5[%mul3A_245] : memref<40960000xbf16, #tpu.memory_space<hbm>> -> memref<5120xbf16, #tpu.memory_space<hbm>>
        %dma_wait3A_247 = tpu.memref_slice %arg5[%mul3A_245] : memref<40960000xbf16, #tpu.memory_space<hbm>> -> memref<5120xbf16, #tpu.memory_space<hbm>>
        tpu.wait_dma2 semaphore(%arg25 : memref<!tpu.dma_semaphore, #tpu.memory_space<semaphore_mem>>) src(%dma_wait3A_247 : memref<5120xbf16, #tpu.memory_space<hbm>>) dst(%arg17 : memref<5120xbf16, #tpu.memory_space<vmem>>)
        %dma_start3A_248 = arith.constant 0 : i32
        %dma_start3A_249 = arith.constant 0 : i32
        %dma_start3A_250 = tpu.memref_slice %arg2[%dma_start3A_248, %dma_start3A_249] : memref<10000x128xf32, #tpu.memory_space<hbm>> -> memref<10000x128xf32, #tpu.memory_space<hbm>>
        tpu.enqueue_indirect_dma source(%dma_start3A_250 : memref<10000x128xf32, #tpu.memory_space<hbm>>) target(%arg21 : memref<40x128xf32, #tpu.memory_space<vmem>>) offsets(%arg9 : memref<40xi32, #tpu.memory_space<vmem>>) semaphore(%arg29 : memref<!tpu.dma_semaphore, #tpu.memory_space<semaphore_mem>>)
      } else {
      }
      %dma_wait3A_224 = arith.constant 0 : i32
      %dma_wait3A_225 = arith.constant 0 : i32
      %dma_wait3A_226 = tpu.memref_slice %arg2[%dma_wait3A_224, %dma_wait3A_225] : memref<10000x128xf32, #tpu.memory_space<hbm>> -> memref<10000x128xf32, #tpu.memory_space<hbm>>
      tpu.wait_indirect_dma semaphore(%arg32 : memref<!tpu.dma_semaphore, #tpu.memory_space<semaphore_mem>>) src(%dma_wait3A_226 : memref<10000x128xf32, #tpu.memory_space<hbm>>) dst(%arg24 : memref<40x128xf32, #tpu.memory_space<vmem>>)
      %scan3A_227 = arith.constant 0 : i32
      %scan3A_228 = arith.constant 40 : i32
      %scan3A_229 = arith.addi %scan3A_227, %scan3A_228 : i32
      %scan3A_230 = arith.constant 1 : i32
      scf.for %scan3A_235 = %scan3A_227 to %scan3A_229 step %scan3A_230  : i32 {
        %mul3A_236 = arith.constant 1 : i32
        %mul3A_237 = arith.muli %scan3A_235, %mul3A_236 : i32
        %add3A_238 = arith.constant 0 : i32
        %add3A_239 = arith.addi %add3A_238, %mul3A_237 : i32
        %mul3A_240 = arith.constant 128 : i32
        %mul3A_241 = arith.muli %add3A_239, %mul3A_240 : i32
        %add3A_242 = arith.constant 0 : i32
        %add3A_243 = arith.addi %mul3A_241, %add3A_242 : i32
        %get3A = arith.index_cast %add3A_243 : i32 to index
        %get3A_244 = tpu.vector_load %arg20[%get3A] {strides = array<i32>} : memref<5120xbf16, #tpu.memory_space<vmem>>, vector<32xbf16>,
        %unpack3A = tpu.unpack_subelements %get3A_244, 0 {pack_format = #tpu.pack_format<interleaved>} : vector<32xbf16> -> vector<16xf32>
        %unpack3A_245 = tpu.unpack_subelements %get3A_244, 1 {pack_format = #tpu.pack_format<interleaved>} : vector<32xbf16> -> vector<16xf32>
        %get3A_246 = arith.index_cast %add3A_239 : i32 to index
        %get3A_247 = arith.constant 0 : index
        %get3A_248 = tpu.vector_load %arg24[%get3A_246, %get3A_247] {strides = array<i32>} : memref<40x128xf32, #tpu.memory_space<vmem>>, vector<16xf32>,
        %mul3A_249 = arith.mulf %get3A_248, %unpack3A : vector<16xf32>
        %swap3A = arith.index_cast %add3A_239 : i32 to index
        %swap3A_250 = arith.constant 0 : index
        %swap3A_251 = tpu.vector_load %arg24[%swap3A, %swap3A_250] {strides = array<i32>} : memref<40x128xf32, #tpu.memory_space<vmem>>, vector<16xf32>,
        tpu.vector_store %arg24[%swap3A, %swap3A_250], %mul3A_249 {strides = array<i32>} : memref<40x128xf32, #tpu.memory_space<vmem>>, vector<16xf32>,
        %get3A_252 = arith.index_cast %add3A_239 : i32 to index
        %get3A_253 = arith.constant 16 : index
        %get3A_254 = tpu.vector_load %arg24[%get3A_252, %get3A_253] {strides = array<i32>} : memref<40x128xf32, #tpu.memory_space<vmem>>, vector<16xf32>,
        %mul3A_255 = arith.mulf %get3A_254, %unpack3A_245 : vector<16xf32>
        %swap3A_256 = arith.index_cast %add3A_239 : i32 to index
        %swap3A_257 = arith.constant 16 : index
        %swap3A_258 = tpu.vector_load %arg24[%swap3A_256, %swap3A_257] {strides = array<i32>} : memref<40x128xf32, #tpu.memory_space<vmem>>, vector<16xf32>,
        tpu.vector_store %arg24[%swap3A_256, %swap3A_257], %mul3A_255 {strides = array<i32>} : memref<40x128xf32, #tpu.memory_space<vmem>>, vector<16xf32>,
        %add3A_259 = arith.constant 32 : i32
        %add3A_260 = arith.addi %mul3A_241, %add3A_259 : i32
        %get3A_261 = arith.index_cast %add3A_260 : i32 to index
        %get3A_262 = tpu.vector_load %arg20[%get3A_261] {strides = array<i32>} : memref<5120xbf16, #tpu.memory_space<vmem>>, vector<32xbf16>,
        %unpack3A_263 = tpu.unpack_subelements %get3A_262, 0 {pack_format = #tpu.pack_format<interleaved>} : vector<32xbf16> -> vector<16xf32>
        %unpack3A_264 = tpu.unpack_subelements %get3A_262, 1 {pack_format = #tpu.pack_format<interleaved>} : vector<32xbf16> -> vector<16xf32>
        %get3A_265 = arith.index_cast %add3A_239 : i32 to index
        %get3A_266 = arith.constant 32 : index
        %get3A_267 = tpu.vector_load %arg24[%get3A_265, %get3A_266] {strides = array<i32>} : memref<40x128xf32, #tpu.memory_space<vmem>>, vector<16xf32>,
        %mul3A_268 = arith.mulf %get3A_267, %unpack3A_263 : vector<16xf32>
        %swap3A_269 = arith.index_cast %add3A_239 : i32 to index
        %swap3A_270 = arith.constant 32 : index
        %swap3A_271 = tpu.vector_load %arg24[%swap3A_269, %swap3A_270] {strides = array<i32>} : memref<40x128xf32, #tpu.memory_space<vmem>>, vector<16xf32>,
        tpu.vector_store %arg24[%swap3A_269, %swap3A_270], %mul3A_268 {strides = array<i32>} : memref<40x128xf32, #tpu.memory_space<vmem>>, vector<16xf32>,
        %get3A_272 = arith.index_cast %add3A_239 : i32 to index
        %get3A_273 = arith.constant 48 : index
        %get3A_274 = tpu.vector_load %arg24[%get3A_272, %get3A_273] {strides = array<i32>} : memref<40x128xf32, #tpu.memory_space<vmem>>, vector<16xf32>,
        %mul3A_275 = arith.mulf %get3A_274, %unpack3A_264 : vector<16xf32>
        %swap3A_276 = arith.index_cast %add3A_239 : i32 to index
        %swap3A_277 = arith.constant 48 : index
        %swap3A_278 = tpu.vector_load %arg24[%swap3A_276, %swap3A_277] {strides = array<i32>} : memref<40x128xf32, #tpu.memory_space<vmem>>, vector<16xf32>,
        tpu.vector_store %arg24[%swap3A_276, %swap3A_277], %mul3A_275 {strides = array<i32>} : memref<40x128xf32, #tpu.memory_space<vmem>>, vector<16xf32>,
        %add3A_279 = arith.constant 64 : i32
        %add3A_280 = arith.addi %mul3A_241, %add3A_279 : i32
        %get3A_281 = arith.index_cast %add3A_280 : i32 to index
        %get3A_282 = tpu.vector_load %arg20[%get3A_281] {strides = array<i32>} : memref<5120xbf16, #tpu.memory_space<vmem>>, vector<32xbf16>,
        %unpack3A_283 = tpu.unpack_subelements %get3A_282, 0 {pack_format = #tpu.pack_format<interleaved>} : vector<32xbf16> -> vector<16xf32>
        %unpack3A_284 = tpu.unpack_subelements %get3A_282, 1 {pack_format = #tpu.pack_format<interleaved>} : vector<32xbf16> -> vector<16xf32>
        %get3A_285 = arith.index_cast %add3A_239 : i32 to index
        %get3A_286 = arith.constant 64 : index
        %get3A_287 = tpu.vector_load %arg24[%get3A_285, %get3A_286] {strides = array<i32>} : memref<40x128xf32, #tpu.memory_space<vmem>>, vector<16xf32>,
        %mul3A_288 = arith.mulf %get3A_287, %unpack3A_283 : vector<16xf32>
        %swap3A_289 = arith.index_cast %add3A_239 : i32 to index
        %swap3A_290 = arith.constant 64 : index
        %swap3A_291 = tpu.vector_load %arg24[%swap3A_289, %swap3A_290] {strides = array<i32>} : memref<40x128xf32, #tpu.memory_space<vmem>>, vector<16xf32>,
        tpu.vector_store %arg24[%swap3A_289, %swap3A_290], %mul3A_288 {strides = array<i32>} : memref<40x128xf32, #tpu.memory_space<vmem>>, vector<16xf32>,
        %get3A_292 = arith.index_cast %add3A_239 : i32 to index
        %get3A_293 = arith.constant 80 : index
        %get3A_294 = tpu.vector_load %arg24[%get3A_292, %get3A_293] {strides = array<i32>} : memref<40x128xf32, #tpu.memory_space<vmem>>, vector<16xf32>,
        %mul3A_295 = arith.mulf %get3A_294, %unpack3A_284 : vector<16xf32>
        %swap3A_296 = arith.index_cast %add3A_239 : i32 to index
        %swap3A_297 = arith.constant 80 : index
        %swap3A_298 = tpu.vector_load %arg24[%swap3A_296, %swap3A_297] {strides = array<i32>} : memref<40x128xf32, #tpu.memory_space<vmem>>, vector<16xf32>,
        tpu.vector_store %arg24[%swap3A_296, %swap3A_297], %mul3A_295 {strides = array<i32>} : memref<40x128xf32, #tpu.memory_space<vmem>>, vector<16xf32>,
        %add3A_299 = arith.constant 96 : i32
        %add3A_300 = arith.addi %mul3A_241, %add3A_299 : i32
        %get3A_301 = arith.index_cast %add3A_300 : i32 to index
        %get3A_302 = tpu.vector_load %arg20[%get3A_301] {strides = array<i32>} : memref<5120xbf16, #tpu.memory_space<vmem>>, vector<32xbf16>,
        %unpack3A_303 = tpu.unpack_subelements %get3A_302, 0 {pack_format = #tpu.pack_format<interleaved>} : vector<32xbf16> -> vector<16xf32>
        %unpack3A_304 = tpu.unpack_subelements %get3A_302, 1 {pack_format = #tpu.pack_format<interleaved>} : vector<32xbf16> -> vector<16xf32>
        %get3A_305 = arith.index_cast %add3A_239 : i32 to index
        %get3A_306 = arith.constant 96 : index
        %get3A_307 = tpu.vector_load %arg24[%get3A_305, %get3A_306] {strides = array<i32>} : memref<40x128xf32, #tpu.memory_space<vmem>>, vector<16xf32>,
        %mul3A_308 = arith.mulf %get3A_307, %unpack3A_303 : vector<16xf32>
        %swap3A_309 = arith.index_cast %add3A_239 : i32 to index
        %swap3A_310 = arith.constant 96 : index
        %swap3A_311 = tpu.vector_load %arg24[%swap3A_309, %swap3A_310] {strides = array<i32>} : memref<40x128xf32, #tpu.memory_space<vmem>>, vector<16xf32>,
        tpu.vector_store %arg24[%swap3A_309, %swap3A_310], %mul3A_308 {strides = array<i32>} : memref<40x128xf32, #tpu.memory_space<vmem>>, vector<16xf32>,
        %get3A_312 = arith.index_cast %add3A_239 : i32 to index
        %get3A_313 = arith.constant 112 : index
        %get3A_314 = tpu.vector_load %arg24[%get3A_312, %get3A_313] {strides = array<i32>} : memref<40x128xf32, #tpu.memory_space<vmem>>, vector<16xf32>,
        %mul3A_315 = arith.mulf %get3A_314, %unpack3A_304 : vector<16xf32>
        %swap3A_316 = arith.index_cast %add3A_239 : i32 to index
        %swap3A_317 = arith.constant 112 : index
        %swap3A_318 = tpu.vector_load %arg24[%swap3A_316, %swap3A_317] {strides = array<i32>} : memref<40x128xf32, #tpu.memory_space<vmem>>, vector<16xf32>,
        tpu.vector_store %arg24[%swap3A_316, %swap3A_317], %mul3A_315 {strides = array<i32>} : memref<40x128xf32, #tpu.memory_space<vmem>>, vector<16xf32>,
      }
      %scan3A_231 = arith.constant 40 : i32
      %dma_start3A_232 = arith.constant 0 : i32
      %dma_start3A_233 = arith.constant 0 : i32
      %dma_start3A_234 = tpu.memref_slice %arg8[%dma_start3A_232, %dma_start3A_233] : memref<10240x128xf32, #tpu.memory_space<vmem_shared>> -> memref<10240x128xf32, #tpu.memory_space<vmem_shared>>
      tpu.enqueue_indirect_dma source(%arg24 : memref<40x128xf32, #tpu.memory_space<vmem>>) target(%dma_start3A_234 : memref<10240x128xf32, #tpu.memory_space<vmem_shared>>) offsets(%arg16 : memref<40xi32, #tpu.memory_space<vmem>>) semaphore(%arg36 : memref<!tpu.dma_semaphore, #tpu.memory_space<semaphore_mem>>) {add = true}
    }
    %scan3A_45 = arith.constant 62 : i32
    %dma_wait3A_46 = arith.constant 0 : i32
    %dma_wait3A_47 = arith.constant 0 : i32
    %dma_wait3A_48 = tpu.memref_slice %arg8[%dma_wait3A_46, %dma_wait3A_47] : memref<10240x128xf32, #tpu.memory_space<vmem_shared>> -> memref<10240x128xf32, #tpu.memory_space<vmem_shared>>
    tpu.wait_indirect_dma semaphore(%arg35 : memref<!tpu.dma_semaphore, #tpu.memory_space<semaphore_mem>>) src(%arg23 : memref<40x128xf32, #tpu.memory_space<vmem>>) dst(%dma_wait3A_48 : memref<10240x128xf32, #tpu.memory_space<vmem_shared>>)
    %add3A_49 = arith.constant 9960 : i32
    %add3A_50 = arith.addi %mul3A_6, %add3A_49 : i32
    %dma_wait3A_51 = tpu.memref_slice %arg3[%add3A_50] : memref<320000xi32, #tpu.memory_space<hbm>> -> memref<40xi32, #tpu.memory_space<hbm>>
    %dma_wait3A_52 = tpu.memref_slice %arg3[%add3A_50] : memref<320000xi32, #tpu.memory_space<hbm>> -> memref<40xi32, #tpu.memory_space<hbm>>
    tpu.wait_dma2 semaphore(%arg26 : memref<!tpu.dma_semaphore, #tpu.memory_space<semaphore_mem>>) src(%dma_wait3A_52 : memref<40xi32, #tpu.memory_space<hbm>>) dst(%arg10 : memref<40xi32, #tpu.memory_space<vmem>>)
    %dma_wait3A_53 = tpu.memref_slice %arg4[%add3A_50] : memref<320000xi32, #tpu.memory_space<hbm>> -> memref<40xi32, #tpu.memory_space<hbm>>
    %dma_wait3A_54 = tpu.memref_slice %arg4[%add3A_50] : memref<320000xi32, #tpu.memory_space<hbm>> -> memref<40xi32, #tpu.memory_space<hbm>>
    tpu.wait_dma2 semaphore(%arg26 : memref<!tpu.dma_semaphore, #tpu.memory_space<semaphore_mem>>) src(%dma_wait3A_54 : memref<40xi32, #tpu.memory_space<hbm>>) dst(%arg14 : memref<40xi32, #tpu.memory_space<vmem>>)
    %mul3A_55 = arith.constant 128 : i32
    %mul3A_56 = arith.muli %add3A_50, %mul3A_55 : i32
    %dma_wait3A_57 = tpu.memref_slice %arg5[%mul3A_56] : memref<40960000xbf16, #tpu.memory_space<hbm>> -> memref<5120xbf16, #tpu.memory_space<hbm>>
    %dma_wait3A_58 = tpu.memref_slice %arg5[%mul3A_56] : memref<40960000xbf16, #tpu.memory_space<hbm>> -> memref<5120xbf16, #tpu.memory_space<hbm>>
    tpu.wait_dma2 semaphore(%arg26 : memref<!tpu.dma_semaphore, #tpu.memory_space<semaphore_mem>>) src(%dma_wait3A_58 : memref<5120xbf16, #tpu.memory_space<hbm>>) dst(%arg18 : memref<5120xbf16, #tpu.memory_space<vmem>>)
    %dma_start3A_59 = arith.constant 0 : i32
    %dma_start3A_60 = arith.constant 0 : i32
    %dma_start3A_61 = tpu.memref_slice %arg2[%dma_start3A_59, %dma_start3A_60] : memref<10000x128xf32, #tpu.memory_space<hbm>> -> memref<10000x128xf32, #tpu.memory_space<hbm>>
    tpu.enqueue_indirect_dma source(%dma_start3A_61 : memref<10000x128xf32, #tpu.memory_space<hbm>>) target(%arg22 : memref<40x128xf32, #tpu.memory_space<vmem>>) offsets(%arg10 : memref<40xi32, #tpu.memory_space<vmem>>) semaphore(%arg30 : memref<!tpu.dma_semaphore, #tpu.memory_space<semaphore_mem>>)
    %dma_wait3A_62 = arith.constant 0 : i32
    %dma_wait3A_63 = arith.constant 0 : i32
    %dma_wait3A_64 = tpu.memref_slice %arg2[%dma_wait3A_62, %dma_wait3A_63] : memref<10000x128xf32, #tpu.memory_space<hbm>> -> memref<10000x128xf32, #tpu.memory_space<hbm>>
    tpu.wait_indirect_dma semaphore(%arg29 : memref<!tpu.dma_semaphore, #tpu.memory_space<semaphore_mem>>) src(%dma_wait3A_64 : memref<10000x128xf32, #tpu.memory_space<hbm>>) dst(%arg21 : memref<40x128xf32, #tpu.memory_space<vmem>>)
    %scan3A_65 = arith.constant 0 : i32
    %scan3A_66 = arith.constant 40 : i32
    %scan3A_67 = arith.addi %scan3A_65, %scan3A_66 : i32
    %scan3A_68 = arith.constant 1 : i32
    scf.for %scan3A_98 = %scan3A_65 to %scan3A_67 step %scan3A_68  : i32 {
      %mul3A_99 = arith.constant 1 : i32
      %mul3A_100 = arith.muli %scan3A_98, %mul3A_99 : i32
      %add3A_101 = arith.constant 0 : i32
      %add3A_102 = arith.addi %add3A_101, %mul3A_100 : i32
      %mul3A_103 = arith.constant 128 : i32
      %mul3A_104 = arith.muli %add3A_102, %mul3A_103 : i32
      %add3A_105 = arith.constant 0 : i32
      %add3A_106 = arith.addi %mul3A_104, %add3A_105 : i32
      %get3A = arith.index_cast %add3A_106 : i32 to index
      %get3A_107 = tpu.vector_load %arg17[%get3A] {strides = array<i32>} : memref<5120xbf16, #tpu.memory_space<vmem>>, vector<32xbf16>,
      %unpack3A = tpu.unpack_subelements %get3A_107, 0 {pack_format = #tpu.pack_format<interleaved>} : vector<32xbf16> -> vector<16xf32>
      %unpack3A_108 = tpu.unpack_subelements %get3A_107, 1 {pack_format = #tpu.pack_format<interleaved>} : vector<32xbf16> -> vector<16xf32>
      %get3A_109 = arith.index_cast %add3A_102 : i32 to index
      %get3A_110 = arith.constant 0 : index
      %get3A_111 = tpu.vector_load %arg21[%get3A_109, %get3A_110] {strides = array<i32>} : memref<40x128xf32, #tpu.memory_space<vmem>>, vector<16xf32>,
      %mul3A_112 = arith.mulf %get3A_111, %unpack3A : vector<16xf32>
      %swap3A = arith.index_cast %add3A_102 : i32 to index
      %swap3A_113 = arith.constant 0 : index
      %swap3A_114 = tpu.vector_load %arg21[%swap3A, %swap3A_113] {strides = array<i32>} : memref<40x128xf32, #tpu.memory_space<vmem>>, vector<16xf32>,
      tpu.vector_store %arg21[%swap3A, %swap3A_113], %mul3A_112 {strides = array<i32>} : memref<40x128xf32, #tpu.memory_space<vmem>>, vector<16xf32>,
      %get3A_115 = arith.index_cast %add3A_102 : i32 to index
      %get3A_116 = arith.constant 16 : index
      %get3A_117 = tpu.vector_load %arg21[%get3A_115, %get3A_116] {strides = array<i32>} : memref<40x128xf32, #tpu.memory_space<vmem>>, vector<16xf32>,
      %mul3A_118 = arith.mulf %get3A_117, %unpack3A_108 : vector<16xf32>
      %swap3A_119 = arith.index_cast %add3A_102 : i32 to index
      %swap3A_120 = arith.constant 16 : index
      %swap3A_121 = tpu.vector_load %arg21[%swap3A_119, %swap3A_120] {strides = array<i32>} : memref<40x128xf32, #tpu.memory_space<vmem>>, vector<16xf32>,
      tpu.vector_store %arg21[%swap3A_119, %swap3A_120], %mul3A_118 {strides = array<i32>} : memref<40x128xf32, #tpu.memory_space<vmem>>, vector<16xf32>,
      %add3A_122 = arith.constant 32 : i32
      %add3A_123 = arith.addi %mul3A_104, %add3A_122 : i32
      %get3A_124 = arith.index_cast %add3A_123 : i32 to index
      %get3A_125 = tpu.vector_load %arg17[%get3A_124] {strides = array<i32>} : memref<5120xbf16, #tpu.memory_space<vmem>>, vector<32xbf16>,
      %unpack3A_126 = tpu.unpack_subelements %get3A_125, 0 {pack_format = #tpu.pack_format<interleaved>} : vector<32xbf16> -> vector<16xf32>
      %unpack3A_127 = tpu.unpack_subelements %get3A_125, 1 {pack_format = #tpu.pack_format<interleaved>} : vector<32xbf16> -> vector<16xf32>
      %get3A_128 = arith.index_cast %add3A_102 : i32 to index
      %get3A_129 = arith.constant 32 : index
      %get3A_130 = tpu.vector_load %arg21[%get3A_128, %get3A_129] {strides = array<i32>} : memref<40x128xf32, #tpu.memory_space<vmem>>, vector<16xf32>,
      %mul3A_131 = arith.mulf %get3A_130, %unpack3A_126 : vector<16xf32>
      %swap3A_132 = arith.index_cast %add3A_102 : i32 to index
      %swap3A_133 = arith.constant 32 : index
      %swap3A_134 = tpu.vector_load %arg21[%swap3A_132, %swap3A_133] {strides = array<i32>} : memref<40x128xf32, #tpu.memory_space<vmem>>, vector<16xf32>,
      tpu.vector_store %arg21[%swap3A_132, %swap3A_133], %mul3A_131 {strides = array<i32>} : memref<40x128xf32, #tpu.memory_space<vmem>>, vector<16xf32>,
      %get3A_135 = arith.index_cast %add3A_102 : i32 to index
      %get3A_136 = arith.constant 48 : index
      %get3A_137 = tpu.vector_load %arg21[%get3A_135, %get3A_136] {strides = array<i32>} : memref<40x128xf32, #tpu.memory_space<vmem>>, vector<16xf32>,
      %mul3A_138 = arith.mulf %get3A_137, %unpack3A_127 : vector<16xf32>
      %swap3A_139 = arith.index_cast %add3A_102 : i32 to index
      %swap3A_140 = arith.constant 48 : index
      %swap3A_141 = tpu.vector_load %arg21[%swap3A_139, %swap3A_140] {strides = array<i32>} : memref<40x128xf32, #tpu.memory_space<vmem>>, vector<16xf32>,
      tpu.vector_store %arg21[%swap3A_139, %swap3A_140], %mul3A_138 {strides = array<i32>} : memref<40x128xf32, #tpu.memory_space<vmem>>, vector<16xf32>,
      %add3A_142 = arith.constant 64 : i32
      %add3A_143 = arith.addi %mul3A_104, %add3A_142 : i32
      %get3A_144 = arith.index_cast %add3A_143 : i32 to index
      %get3A_145 = tpu.vector_load %arg17[%get3A_144] {strides = array<i32>} : memref<5120xbf16, #tpu.memory_space<vmem>>, vector<32xbf16>,
      %unpack3A_146 = tpu.unpack_subelements %get3A_145, 0 {pack_format = #tpu.pack_format<interleaved>} : vector<32xbf16> -> vector<16xf32>
      %unpack3A_147 = tpu.unpack_subelements %get3A_145, 1 {pack_format = #tpu.pack_format<interleaved>} : vector<32xbf16> -> vector<16xf32>
      %get3A_148 = arith.index_cast %add3A_102 : i32 to index
      %get3A_149 = arith.constant 64 : index
      %get3A_150 = tpu.vector_load %arg21[%get3A_148, %get3A_149] {strides = array<i32>} : memref<40x128xf32, #tpu.memory_space<vmem>>, vector<16xf32>,
      %mul3A_151 = arith.mulf %get3A_150, %unpack3A_146 : vector<16xf32>
      %swap3A_152 = arith.index_cast %add3A_102 : i32 to index
      %swap3A_153 = arith.constant 64 : index
      %swap3A_154 = tpu.vector_load %arg21[%swap3A_152, %swap3A_153] {strides = array<i32>} : memref<40x128xf32, #tpu.memory_space<vmem>>, vector<16xf32>,
      tpu.vector_store %arg21[%swap3A_152, %swap3A_153], %mul3A_151 {strides = array<i32>} : memref<40x128xf32, #tpu.memory_space<vmem>>, vector<16xf32>,
      %get3A_155 = arith.index_cast %add3A_102 : i32 to index
      %get3A_156 = arith.constant 80 : index
      %get3A_157 = tpu.vector_load %arg21[%get3A_155, %get3A_156] {strides = array<i32>} : memref<40x128xf32, #tpu.memory_space<vmem>>, vector<16xf32>,
      %mul3A_158 = arith.mulf %get3A_157, %unpack3A_147 : vector<16xf32>
      %swap3A_159 = arith.index_cast %add3A_102 : i32 to index
      %swap3A_160 = arith.constant 80 : index
      %swap3A_161 = tpu.vector_load %arg21[%swap3A_159, %swap3A_160] {strides = array<i32>} : memref<40x128xf32, #tpu.memory_space<vmem>>, vector<16xf32>,
      tpu.vector_store %arg21[%swap3A_159, %swap3A_160], %mul3A_158 {strides = array<i32>} : memref<40x128xf32, #tpu.memory_space<vmem>>, vector<16xf32>,
      %add3A_162 = arith.constant 96 : i32
      %add3A_163 = arith.addi %mul3A_104, %add3A_162 : i32
      %get3A_164 = arith.index_cast %add3A_163 : i32 to index
      %get3A_165 = tpu.vector_load %arg17[%get3A_164] {strides = array<i32>} : memref<5120xbf16, #tpu.memory_space<vmem>>, vector<32xbf16>,
      %unpack3A_166 = tpu.unpack_subelements %get3A_165, 0 {pack_format = #tpu.pack_format<interleaved>} : vector<32xbf16> -> vector<16xf32>
      %unpack3A_167 = tpu.unpack_subelements %get3A_165, 1 {pack_format = #tpu.pack_format<interleaved>} : vector<32xbf16> -> vector<16xf32>
      %get3A_168 = arith.index_cast %add3A_102 : i32 to index
      %get3A_169 = arith.constant 96 : index
      %get3A_170 = tpu.vector_load %arg21[%get3A_168, %get3A_169] {strides = array<i32>} : memref<40x128xf32, #tpu.memory_space<vmem>>, vector<16xf32>,
      %mul3A_171 = arith.mulf %get3A_170, %unpack3A_166 : vector<16xf32>
      %swap3A_172 = arith.index_cast %add3A_102 : i32 to index
      %swap3A_173 = arith.constant 96 : index
      %swap3A_174 = tpu.vector_load %arg21[%swap3A_172, %swap3A_173] {strides = array<i32>} : memref<40x128xf32, #tpu.memory_space<vmem>>, vector<16xf32>,
      tpu.vector_store %arg21[%swap3A_172, %swap3A_173], %mul3A_171 {strides = array<i32>} : memref<40x128xf32, #tpu.memory_space<vmem>>, vector<16xf32>,
      %get3A_175 = arith.index_cast %add3A_102 : i32 to index
      %get3A_176 = arith.constant 112 : index
      %get3A_177 = tpu.vector_load %arg21[%get3A_175, %get3A_176] {strides = array<i32>} : memref<40x128xf32, #tpu.memory_space<vmem>>, vector<16xf32>,
      %mul3A_178 = arith.mulf %get3A_177, %unpack3A_167 : vector<16xf32>
      %swap3A_179 = arith.index_cast %add3A_102 : i32 to index
      %swap3A_180 = arith.constant 112 : index
      %swap3A_181 = tpu.vector_load %arg21[%swap3A_179, %swap3A_180] {strides = array<i32>} : memref<40x128xf32, #tpu.memory_space<vmem>>, vector<16xf32>,
      tpu.vector_store %arg21[%swap3A_179, %swap3A_180], %mul3A_178 {strides = array<i32>} : memref<40x128xf32, #tpu.memory_space<vmem>>, vector<16xf32>,
    }
    %scan3A_69 = arith.constant 40 : i32
    %dma_start3A_70 = arith.constant 0 : i32
    %dma_start3A_71 = arith.constant 0 : i32
    %dma_start3A_72 = tpu.memref_slice %arg8[%dma_start3A_70, %dma_start3A_71] : memref<10240x128xf32, #tpu.memory_space<vmem_shared>> -> memref<10240x128xf32, #tpu.memory_space<vmem_shared>>
    tpu.enqueue_indirect_dma source(%arg21 : memref<40x128xf32, #tpu.memory_space<vmem>>) target(%dma_start3A_72 : memref<10240x128xf32, #tpu.memory_space<vmem_shared>>) offsets(%arg13 : memref<40xi32, #tpu.memory_space<vmem>>) semaphore(%arg33 : memref<!tpu.dma_semaphore, #tpu.memory_space<semaphore_mem>>) {add = true}
    %dma_wait3A_73 = arith.constant 0 : i32
    %dma_wait3A_74 = arith.constant 0 : i32
    %dma_wait3A_75 = tpu.memref_slice %arg8[%dma_wait3A_73, %dma_wait3A_74] : memref<10240x128xf32, #tpu.memory_space<vmem_shared>> -> memref<10240x128xf32, #tpu.memory_space<vmem_shared>>
    tpu.wait_indirect_dma semaphore(%arg36 : memref<!tpu.dma_semaphore, #tpu.memory_space<semaphore_mem>>) src(%arg24 : memref<40x128xf32, #tpu.memory_space<vmem>>) dst(%dma_wait3A_75 : memref<10240x128xf32, #tpu.memory_space<vmem_shared>>)
    %dma_wait3A_76 = arith.constant 0 : i32
    %dma_wait3A_77 = arith.constant 0 : i32
    %dma_wait3A_78 = tpu.memref_slice %arg2[%dma_wait3A_76, %dma_wait3A_77] : memref<10000x128xf32, #tpu.memory_space<hbm>> -> memref<10000x128xf32, #tpu.memory_space<hbm>>
    tpu.wait_indirect_dma semaphore(%arg30 : memref<!tpu.dma_semaphore, #tpu.memory_space<semaphore_mem>>) src(%dma_wait3A_78 : memref<10000x128xf32, #tpu.memory_space<hbm>>) dst(%arg22 : memref<40x128xf32, #tpu.memory_space<vmem>>)
    %scan3A_79 = arith.constant 0 : i32
    %scan3A_80 = arith.constant 40 : i32
    %scan3A_81 = arith.addi %scan3A_79, %scan3A_80 : i32
    %scan3A_82 = arith.constant 1 : i32
    scf.for %scan3A_98 = %scan3A_79 to %scan3A_81 step %scan3A_82  : i32 {
      %mul3A_99 = arith.constant 1 : i32
      %mul3A_100 = arith.muli %scan3A_98, %mul3A_99 : i32
      %add3A_101 = arith.constant 0 : i32
      %add3A_102 = arith.addi %add3A_101, %mul3A_100 : i32
      %mul3A_103 = arith.constant 128 : i32
      %mul3A_104 = arith.muli %add3A_102, %mul3A_103 : i32
      %add3A_105 = arith.constant 0 : i32
      %add3A_106 = arith.addi %mul3A_104, %add3A_105 : i32
      %get3A = arith.index_cast %add3A_106 : i32 to index
      %get3A_107 = tpu.vector_load %arg18[%get3A] {strides = array<i32>} : memref<5120xbf16, #tpu.memory_space<vmem>>, vector<32xbf16>,
      %unpack3A = tpu.unpack_subelements %get3A_107, 0 {pack_format = #tpu.pack_format<interleaved>} : vector<32xbf16> -> vector<16xf32>
      %unpack3A_108 = tpu.unpack_subelements %get3A_107, 1 {pack_format = #tpu.pack_format<interleaved>} : vector<32xbf16> -> vector<16xf32>
      %get3A_109 = arith.index_cast %add3A_102 : i32 to index
      %get3A_110 = arith.constant 0 : index
      %get3A_111 = tpu.vector_load %arg22[%get3A_109, %get3A_110] {strides = array<i32>} : memref<40x128xf32, #tpu.memory_space<vmem>>, vector<16xf32>,
      %mul3A_112 = arith.mulf %get3A_111, %unpack3A : vector<16xf32>
      %swap3A = arith.index_cast %add3A_102 : i32 to index
      %swap3A_113 = arith.constant 0 : index
      %swap3A_114 = tpu.vector_load %arg22[%swap3A, %swap3A_113] {strides = array<i32>} : memref<40x128xf32, #tpu.memory_space<vmem>>, vector<16xf32>,
      tpu.vector_store %arg22[%swap3A, %swap3A_113], %mul3A_112 {strides = array<i32>} : memref<40x128xf32, #tpu.memory_space<vmem>>, vector<16xf32>,
      %get3A_115 = arith.index_cast %add3A_102 : i32 to index
      %get3A_116 = arith.constant 16 : index
      %get3A_117 = tpu.vector_load %arg22[%get3A_115, %get3A_116] {strides = array<i32>} : memref<40x128xf32, #tpu.memory_space<vmem>>, vector<16xf32>,
      %mul3A_118 = arith.mulf %get3A_117, %unpack3A_108 : vector<16xf32>
      %swap3A_119 = arith.index_cast %add3A_102 : i32 to index
      %swap3A_120 = arith.constant 16 : index
      %swap3A_121 = tpu.vector_load %arg22[%swap3A_119, %swap3A_120] {strides = array<i32>} : memref<40x128xf32, #tpu.memory_space<vmem>>, vector<16xf32>,
      tpu.vector_store %arg22[%swap3A_119, %swap3A_120], %mul3A_118 {strides = array<i32>} : memref<40x128xf32, #tpu.memory_space<vmem>>, vector<16xf32>,
      %add3A_122 = arith.constant 32 : i32
      %add3A_123 = arith.addi %mul3A_104, %add3A_122 : i32
      %get3A_124 = arith.index_cast %add3A_123 : i32 to index
      %get3A_125 = tpu.vector_load %arg18[%get3A_124] {strides = array<i32>} : memref<5120xbf16, #tpu.memory_space<vmem>>, vector<32xbf16>,
      %unpack3A_126 = tpu.unpack_subelements %get3A_125, 0 {pack_format = #tpu.pack_format<interleaved>} : vector<32xbf16> -> vector<16xf32>
      %unpack3A_127 = tpu.unpack_subelements %get3A_125, 1 {pack_format = #tpu.pack_format<interleaved>} : vector<32xbf16> -> vector<16xf32>
      %get3A_128 = arith.index_cast %add3A_102 : i32 to index
      %get3A_129 = arith.constant 32 : index
      %get3A_130 = tpu.vector_load %arg22[%get3A_128, %get3A_129] {strides = array<i32>} : memref<40x128xf32, #tpu.memory_space<vmem>>, vector<16xf32>,
      %mul3A_131 = arith.mulf %get3A_130, %unpack3A_126 : vector<16xf32>
      %swap3A_132 = arith.index_cast %add3A_102 : i32 to index
      %swap3A_133 = arith.constant 32 : index
      %swap3A_134 = tpu.vector_load %arg22[%swap3A_132, %swap3A_133] {strides = array<i32>} : memref<40x128xf32, #tpu.memory_space<vmem>>, vector<16xf32>,
      tpu.vector_store %arg22[%swap3A_132, %swap3A_133], %mul3A_131 {strides = array<i32>} : memref<40x128xf32, #tpu.memory_space<vmem>>, vector<16xf32>,
      %get3A_135 = arith.index_cast %add3A_102 : i32 to index
      %get3A_136 = arith.constant 48 : index
      %get3A_137 = tpu.vector_load %arg22[%get3A_135, %get3A_136] {strides = array<i32>} : memref<40x128xf32, #tpu.memory_space<vmem>>, vector<16xf32>,
      %mul3A_138 = arith.mulf %get3A_137, %unpack3A_127 : vector<16xf32>
      %swap3A_139 = arith.index_cast %add3A_102 : i32 to index
      %swap3A_140 = arith.constant 48 : index
      %swap3A_141 = tpu.vector_load %arg22[%swap3A_139, %swap3A_140] {strides = array<i32>} : memref<40x128xf32, #tpu.memory_space<vmem>>, vector<16xf32>,
      tpu.vector_store %arg22[%swap3A_139, %swap3A_140], %mul3A_138 {strides = array<i32>} : memref<40x128xf32, #tpu.memory_space<vmem>>, vector<16xf32>,
      %add3A_142 = arith.constant 64 : i32
      %add3A_143 = arith.addi %mul3A_104, %add3A_142 : i32
      %get3A_144 = arith.index_cast %add3A_143 : i32 to index
      %get3A_145 = tpu.vector_load %arg18[%get3A_144] {strides = array<i32>} : memref<5120xbf16, #tpu.memory_space<vmem>>, vector<32xbf16>,
      %unpack3A_146 = tpu.unpack_subelements %get3A_145, 0 {pack_format = #tpu.pack_format<interleaved>} : vector<32xbf16> -> vector<16xf32>
      %unpack3A_147 = tpu.unpack_subelements %get3A_145, 1 {pack_format = #tpu.pack_format<interleaved>} : vector<32xbf16> -> vector<16xf32>
      %get3A_148 = arith.index_cast %add3A_102 : i32 to index
      %get3A_149 = arith.constant 64 : index
      %get3A_150 = tpu.vector_load %arg22[%get3A_148, %get3A_149] {strides = array<i32>} : memref<40x128xf32, #tpu.memory_space<vmem>>, vector<16xf32>,
      %mul3A_151 = arith.mulf %get3A_150, %unpack3A_146 : vector<16xf32>
      %swap3A_152 = arith.index_cast %add3A_102 : i32 to index
      %swap3A_153 = arith.constant 64 : index
      %swap3A_154 = tpu.vector_load %arg22[%swap3A_152, %swap3A_153] {strides = array<i32>} : memref<40x128xf32, #tpu.memory_space<vmem>>, vector<16xf32>,
      tpu.vector_store %arg22[%swap3A_152, %swap3A_153], %mul3A_151 {strides = array<i32>} : memref<40x128xf32, #tpu.memory_space<vmem>>, vector<16xf32>,
      %get3A_155 = arith.index_cast %add3A_102 : i32 to index
      %get3A_156 = arith.constant 80 : index
      %get3A_157 = tpu.vector_load %arg22[%get3A_155, %get3A_156] {strides = array<i32>} : memref<40x128xf32, #tpu.memory_space<vmem>>, vector<16xf32>,
      %mul3A_158 = arith.mulf %get3A_157, %unpack3A_147 : vector<16xf32>
      %swap3A_159 = arith.index_cast %add3A_102 : i32 to index
      %swap3A_160 = arith.constant 80 : index
      %swap3A_161 = tpu.vector_load %arg22[%swap3A_159, %swap3A_160] {strides = array<i32>} : memref<40x128xf32, #tpu.memory_space<vmem>>, vector<16xf32>,
      tpu.vector_store %arg22[%swap3A_159, %swap3A_160], %mul3A_158 {strides = array<i32>} : memref<40x128xf32, #tpu.memory_space<vmem>>, vector<16xf32>,
      %add3A_162 = arith.constant 96 : i32
      %add3A_163 = arith.addi %mul3A_104, %add3A_162 : i32
      %get3A_164 = arith.index_cast %add3A_163 : i32 to index
      %get3A_165 = tpu.vector_load %arg18[%get3A_164] {strides = array<i32>} : memref<5120xbf16, #tpu.memory_space<vmem>>, vector<32xbf16>,
      %unpack3A_166 = tpu.unpack_subelements %get3A_165, 0 {pack_format = #tpu.pack_format<interleaved>} : vector<32xbf16> -> vector<16xf32>
      %unpack3A_167 = tpu.unpack_subelements %get3A_165, 1 {pack_format = #tpu.pack_format<interleaved>} : vector<32xbf16> -> vector<16xf32>
      %get3A_168 = arith.index_cast %add3A_102 : i32 to index
      %get3A_169 = arith.constant 96 : index
      %get3A_170 = tpu.vector_load %arg22[%get3A_168, %get3A_169] {strides = array<i32>} : memref<40x128xf32, #tpu.memory_space<vmem>>, vector<16xf32>,
      %mul3A_171 = arith.mulf %get3A_170, %unpack3A_166 : vector<16xf32>
      %swap3A_172 = arith.index_cast %add3A_102 : i32 to index
      %swap3A_173 = arith.constant 96 : index
      %swap3A_174 = tpu.vector_load %arg22[%swap3A_172, %swap3A_173] {strides = array<i32>} : memref<40x128xf32, #tpu.memory_space<vmem>>, vector<16xf32>,
      tpu.vector_store %arg22[%swap3A_172, %swap3A_173], %mul3A_171 {strides = array<i32>} : memref<40x128xf32, #tpu.memory_space<vmem>>, vector<16xf32>,
      %get3A_175 = arith.index_cast %add3A_102 : i32 to index
      %get3A_176 = arith.constant 112 : index
      %get3A_177 = tpu.vector_load %arg22[%get3A_175, %get3A_176] {strides = array<i32>} : memref<40x128xf32, #tpu.memory_space<vmem>>, vector<16xf32>,
      %mul3A_178 = arith.mulf %get3A_177, %unpack3A_167 : vector<16xf32>
      %swap3A_179 = arith.index_cast %add3A_102 : i32 to index
      %swap3A_180 = arith.constant 112 : index
      %swap3A_181 = tpu.vector_load %arg22[%swap3A_179, %swap3A_180] {strides = array<i32>} : memref<40x128xf32, #tpu.memory_space<vmem>>, vector<16xf32>,
      tpu.vector_store %arg22[%swap3A_179, %swap3A_180], %mul3A_178 {strides = array<i32>} : memref<40x128xf32, #tpu.memory_space<vmem>>, vector<16xf32>,
    }
    %scan3A_83 = arith.constant 40 : i32
    %dma_start3A_84 = arith.constant 0 : i32
    %dma_start3A_85 = arith.constant 0 : i32
    %dma_start3A_86 = tpu.memref_slice %arg8[%dma_start3A_84, %dma_start3A_85] : memref<10240x128xf32, #tpu.memory_space<vmem_shared>> -> memref<10240x128xf32, #tpu.memory_space<vmem_shared>>
    tpu.enqueue_indirect_dma source(%arg22 : memref<40x128xf32, #tpu.memory_space<vmem>>) target(%dma_start3A_86 : memref<10240x128xf32, #tpu.memory_space<vmem_shared>>) offsets(%arg14 : memref<40xi32, #tpu.memory_space<vmem>>) semaphore(%arg34 : memref<!tpu.dma_semaphore, #tpu.memory_space<semaphore_mem>>) {add = true}
    %dma_wait3A_87 = arith.constant 0 : i32
    %dma_wait3A_88 = arith.constant 0 : i32
    %dma_wait3A_89 = tpu.memref_slice %arg8[%dma_wait3A_87, %dma_wait3A_88] : memref<10240x128xf32, #tpu.memory_space<vmem_shared>> -> memref<10240x128xf32, #tpu.memory_space<vmem_shared>>
    tpu.wait_indirect_dma semaphore(%arg33 : memref<!tpu.dma_semaphore, #tpu.memory_space<semaphore_mem>>) src(%arg21 : memref<40x128xf32, #tpu.memory_space<vmem>>) dst(%dma_wait3A_89 : memref<10240x128xf32, #tpu.memory_space<vmem_shared>>)
    %dma_wait3A_90 = arith.constant 0 : i32
    %dma_wait3A_91 = arith.constant 0 : i32
    %dma_wait3A_92 = tpu.memref_slice %arg8[%dma_wait3A_90, %dma_wait3A_91] : memref<10240x128xf32, #tpu.memory_space<vmem_shared>> -> memref<10240x128xf32, #tpu.memory_space<vmem_shared>>
    tpu.wait_indirect_dma semaphore(%arg34 : memref<!tpu.dma_semaphore, #tpu.memory_space<semaphore_mem>>) src(%arg22 : memref<40x128xf32, #tpu.memory_space<vmem>>) dst(%dma_wait3A_92 : memref<10240x128xf32, #tpu.memory_space<vmem_shared>>)
    %barrier3A_93 = arith.constant 0 : index
    tpu.barrier barrier_id(%barrier3A_93)
    %mul3A_94 = arith.constant 640 : i32
    %mul3A_95 = arith.muli %arg1, %mul3A_94 : i32
    %mul3A_96 = arith.constant 640 : i32
    %mul3A_97 = arith.muli %arg1, %mul3A_96 : i32
    "tpu.region"() ({
      %run_scoped3A = tpu.sem_alloc : memref<!tpu.dma_semaphore, #tpu.memory_space<semaphore_mem>>
      %dma_start3A_98 = arith.constant 0 : i32
      %dma_start3A_99 = tpu.memref_slice %arg7[%arg0, %mul3A_97, %dma_start3A_98] : memref<2x10240x128xf32, #tpu.memory_space<hbm>> -> memref<1x640x128xf32, #tpu.memory_space<hbm>>
      %dma_start3A_100 = tpu.memref_squeeze %dma_start3A_99 : memref<1x640x128xf32, #tpu.memory_space<hbm>> -> memref<640x128xf32, #tpu.memory_space<hbm>>
      %dma_start3A_101 = arith.constant 0 : i32
      %dma_start3A_102 = tpu.memref_slice %arg8[%mul3A_95, %dma_start3A_101] : memref<10240x128xf32, #tpu.memory_space<vmem_shared>> -> memref<640x128xf32, #tpu.memory_space<vmem_shared>>
      tpu.enqueue_dma source(%dma_start3A_102 : memref<640x128xf32, #tpu.memory_space<vmem_shared>>) target(%dma_start3A_100 : memref<640x128xf32, #tpu.memory_space<hbm>>) target_semaphore(%run_scoped3A : memref<!tpu.dma_semaphore, #tpu.memory_space<semaphore_mem>>)
      %dma_wait3A_103 = arith.constant 0 : i32
      %dma_wait3A_104 = tpu.memref_slice %arg7[%arg0, %mul3A_97, %dma_wait3A_103] : memref<2x10240x128xf32, #tpu.memory_space<hbm>> -> memref<1x640x128xf32, #tpu.memory_space<hbm>>
      %dma_wait3A_105 = tpu.memref_squeeze %dma_wait3A_104 : memref<1x640x128xf32, #tpu.memory_space<hbm>> -> memref<640x128xf32, #tpu.memory_space<hbm>>
      %dma_wait3A_106 = arith.constant 0 : i32
      %dma_wait3A_107 = tpu.memref_slice %arg8[%mul3A_95, %dma_wait3A_106] : memref<10240x128xf32, #tpu.memory_space<vmem_shared>> -> memref<640x128xf32, #tpu.memory_space<vmem_shared>>
      tpu.wait_dma2 semaphore(%run_scoped3A : memref<!tpu.dma_semaphore, #tpu.memory_space<semaphore_mem>>) src(%dma_wait3A_107 : memref<640x128xf32, #tpu.memory_space<vmem_shared>>) dst(%dma_wait3A_105 : memref<640x128xf32, #tpu.memory_space<hbm>>)
      tpu.yield
    }) : () -> ()
    return
  }
}

module attributes {stable_mosaic.version = 14 : i64} {
  func.func @_coeff_body(%arg0: i32, %arg1: memref<16x12800xf32, #tpu.memory_space<vmem>>, %arg2: memref<1x12800xf32, #tpu.memory_space<vmem>>, %arg3: memref<16x128xf32, #tpu.memory_space<vmem>>, %arg4: memref<12800x128xbf16, #tpu.memory_space<vmem>>) attributes {dimension_semantics = [#tpu.dimension_semantics<arbitrary>], iteration_bounds = array<i64: 25>, scalar_prefetch = 0 : i64, scratch_operands = 0 : i64, tpu.core_type = #tpu.core_type<tc>, window_params = [{transform_indices = @transform_0, window_bounds = array<i64: 16, 12800>}, {transform_indices = @transform_1, window_bounds = array<i64: 1, 12800>}, {pipeline_mode = #tpu.pipeline_mode<synchronous>, transform_indices = @transform_2, window_bounds = array<i64: 16, 128>}, {transform_indices = @transform_3, window_bounds = array<i64: 12800, 128>}]} {
    %get3A = arith.constant 0 : index
    %get3A_0 = arith.constant 0 : index
    %get3A_1 = vector.load %arg1[%get3A, %get3A_0] : memref<16x12800xf32, #tpu.memory_space<vmem>>, vector<16x12800xf32>
    %get3A_2 = arith.constant 0 : index
    %get3A_3 = arith.constant 0 : index
    %get3A_4 = vector.load %arg2[%get3A_2, %get3A_3] : memref<1x12800xf32, #tpu.memory_space<vmem>>, vector<1x12800xf32>
    %mul3A = vector.broadcast %get3A_4 : vector<1x12800xf32> to vector<16x12800xf32>
    %mul3A_5 = arith.mulf %get3A_1, %mul3A : vector<16x12800xf32>
    %get3A_6 = arith.constant 0 : index
    %get3A_7 = arith.constant 0 : index
    %get3A_8 = vector.load %arg3[%get3A_6, %get3A_7] : memref<16x128xf32, #tpu.memory_space<vmem>>, vector<16x128xf32>
    %dot_general3A = arith.constant dense<0.000000e+00> : vector<12800x128xf32>
    %dot_general3A_9 = tpu.matmul %mul3A_5, %get3A_8, %dot_general3A {dimension_numbers = #tpu.dot_dimension_numbers<[0], [0], [1], [1], [0, 1, 1, 1], [], []>, transpose_lhs_hint = false} : vector<16x12800xf32>, vector<16x128xf32>, vector<12800x128xf32> -> vector<12800x128xf32>
    %convert_element_type3A = arith.truncf %dot_general3A_9 : vector<12800x128xf32> to vector<12800x128xbf16>
    %swap3A = arith.constant 0 : index
    %swap3A_10 = arith.constant 0 : index
    %swap3A_11 = vector.load %arg4[%swap3A, %swap3A_10] : memref<12800x128xbf16, #tpu.memory_space<vmem>>, vector<12800x128xbf16>
    tpu.vector_store %arg4[%swap3A, %swap3A_10], %convert_element_type3A {strides = array<i32>} : memref<12800x128xbf16, #tpu.memory_space<vmem>>, vector<12800x128xbf16>,
    return
  }
  func.func @transform_0(%arg0: i32) -> (i32, i32) {
    %c0_i32 = arith.constant 0 : i32
    %c0_i32_0 = arith.constant 0 : i32
    return %c0_i32, %arg0 : i32, i32
  }
  func.func @transform_1(%arg0: i32) -> (i32, i32) {
    %c0_i32 = arith.constant 0 : i32
    %c0_i32_0 = arith.constant 0 : i32
    return %c0_i32, %arg0 : i32, i32
  }
  func.func @transform_2(%arg0: i32) -> (i32, i32) {
    %c0_i32 = arith.constant 0 : i32
    %c0_i32_0 = arith.constant 0 : i32
    %c0_i32_1 = arith.constant 0 : i32
    return %c0_i32, %c0_i32_0 : i32, i32
  }
  func.func @transform_3(%arg0: i32) -> (i32, i32) {
    %c0_i32 = arith.constant 0 : i32
    %c0_i32_0 = arith.constant 0 : i32
    return %arg0, %c0_i32 : i32, i32
  }
}

module attributes {stable_mosaic.version = 14 : i64} {
  func.func @_proj_body(%arg0: i32, %arg1: memref<1000x128xf32, #tpu.memory_space<vmem>>, %arg2: memref<1000x10xf32, #tpu.memory_space<vmem>>, %arg3: memref<128x10x128xf32, #tpu.memory_space<vmem>>, %arg4: memref<128x10x128xf32, #tpu.memory_space<vmem>>, %arg5: memref<1000x128xf32, #tpu.memory_space<vmem>>, %arg6: memref<1000x128xf32, #tpu.memory_space<vmem>>) attributes {dimension_semantics = [#tpu.dimension_semantics<arbitrary>], iteration_bounds = array<i64: 10>, scalar_prefetch = 0 : i64, scratch_operands = 0 : i64, tpu.core_type = #tpu.core_type<tc>, window_params = [{transform_indices = @transform_0, window_bounds = array<i64: 1000, 128>}, {transform_indices = @transform_1, window_bounds = array<i64: 1000, 10>}, {pipeline_mode = #tpu.pipeline_mode<synchronous>, transform_indices = @transform_2, window_bounds = array<i64: 128, 10, 128>}, {pipeline_mode = #tpu.pipeline_mode<synchronous>, transform_indices = @transform_3, window_bounds = array<i64: 128, 10, 128>}, {transform_indices = @transform_4, window_bounds = array<i64: 1000, 128>}, {transform_indices = @transform_5, window_bounds = array<i64: 1000, 128>}]} {
    %get3A = arith.constant 0 : index
    %get3A_0 = arith.constant 0 : index
    %get3A_1 = vector.load %arg1[%get3A, %get3A_0] : memref<1000x128xf32, #tpu.memory_space<vmem>>, vector<1000x128xf32>
    %get3A_2 = arith.constant 0 : index
    %get3A_3 = arith.constant 0 : index
    %get3A_4 = vector.load %arg2[%get3A_2, %get3A_3] : memref<1000x10xf32, #tpu.memory_space<vmem>>, vector<1000x10xf32>
    %broadcast_in_dim3A = arith.constant 0.000000e+00 : f32
    %broadcast_in_dim3A_5 = vector.broadcast %broadcast_in_dim3A : f32 to vector<1000x128xf32>
    %broadcast_in_dim3A_6 = arith.constant 0.000000e+00 : f32
    %broadcast_in_dim3A_7 = vector.broadcast %broadcast_in_dim3A_6 : f32 to vector<1000x128xf32>
    %slice3A = vector.extract_strided_slice %get3A_4 {offsets = [0, 0], sizes = [1000, 1], strides = [1, 1]} : vector<1000x10xf32> to vector<1000x1xf32>
    %get3A_8 = arith.constant 0 : index
    %get3A_9 = arith.constant 0 : index
    %get3A_10 = arith.constant 0 : index
    %get3A_11 = vector.load %arg3[%get3A_8, %get3A_9, %get3A_10] : memref<128x10x128xf32, #tpu.memory_space<vmem>>, vector<128x1x128xf32>
    %get3A_12 = vector.shape_cast %get3A_11 : vector<128x1x128xf32> to vector<128x128xf32>
    %dot_general3A = arith.constant dense<0.000000e+00> : vector<1000x128xf32>
    %dot_general3A_13 = tpu.matmul %get3A_1, %get3A_12, %dot_general3A {dimension_numbers = #tpu.dot_dimension_numbers<[1], [0], [0], [1], [0, 0, 1, 1], [], []>, transpose_lhs_hint = false} : vector<1000x128xf32>, vector<128x128xf32>, vector<1000x128xf32> -> vector<1000x128xf32>
    %mul3A = vector.broadcast %slice3A : vector<1000x1xf32> to vector<1000x128xf32>
    %mul3A_14 = arith.mulf %mul3A, %dot_general3A_13 : vector<1000x128xf32>
    %add3A = arith.addf %broadcast_in_dim3A_5, %mul3A_14 : vector<1000x128xf32>
    %get3A_15 = arith.constant 0 : index
    %get3A_16 = arith.constant 0 : index
    %get3A_17 = arith.constant 0 : index
    %get3A_18 = vector.load %arg4[%get3A_15, %get3A_16, %get3A_17] : memref<128x10x128xf32, #tpu.memory_space<vmem>>, vector<128x1x128xf32>
    %get3A_19 = vector.shape_cast %get3A_18 : vector<128x1x128xf32> to vector<128x128xf32>
    %dot_general3A_20 = arith.constant dense<0.000000e+00> : vector<1000x128xf32>
    %dot_general3A_21 = tpu.matmul %get3A_1, %get3A_19, %dot_general3A_20 {dimension_numbers = #tpu.dot_dimension_numbers<[1], [0], [0], [1], [0, 0, 1, 1], [], []>, transpose_lhs_hint = false} : vector<1000x128xf32>, vector<128x128xf32>, vector<1000x128xf32> -> vector<1000x128xf32>
    %mul3A_22 = vector.broadcast %slice3A : vector<1000x1xf32> to vector<1000x128xf32>
    %mul3A_23 = arith.mulf %mul3A_22, %dot_general3A_21 : vector<1000x128xf32>
    %add3A_24 = arith.addf %broadcast_in_dim3A_7, %mul3A_23 : vector<1000x128xf32>
    %slice3A_25 = vector.extract_strided_slice %get3A_4 {offsets = [0, 1], sizes = [1000, 1], strides = [1, 1]} : vector<1000x10xf32> to vector<1000x1xf32>
    %get3A_26 = arith.constant 0 : index
    %get3A_27 = arith.constant 1 : index
    %get3A_28 = arith.constant 0 : index
    %get3A_29 = vector.load %arg3[%get3A_26, %get3A_27, %get3A_28] : memref<128x10x128xf32, #tpu.memory_space<vmem>>, vector<128x1x128xf32>
    %get3A_30 = vector.shape_cast %get3A_29 : vector<128x1x128xf32> to vector<128x128xf32>
    %dot_general3A_31 = arith.constant dense<0.000000e+00> : vector<1000x128xf32>
    %dot_general3A_32 = tpu.matmul %get3A_1, %get3A_30, %dot_general3A_31 {dimension_numbers = #tpu.dot_dimension_numbers<[1], [0], [0], [1], [0, 0, 1, 1], [], []>, transpose_lhs_hint = false} : vector<1000x128xf32>, vector<128x128xf32>, vector<1000x128xf32> -> vector<1000x128xf32>
    %mul3A_33 = vector.broadcast %slice3A_25 : vector<1000x1xf32> to vector<1000x128xf32>
    %mul3A_34 = arith.mulf %mul3A_33, %dot_general3A_32 : vector<1000x128xf32>
    %add3A_35 = arith.addf %add3A, %mul3A_34 : vector<1000x128xf32>
    %get3A_36 = arith.constant 0 : index
    %get3A_37 = arith.constant 1 : index
    %get3A_38 = arith.constant 0 : index
    %get3A_39 = vector.load %arg4[%get3A_36, %get3A_37, %get3A_38] : memref<128x10x128xf32, #tpu.memory_space<vmem>>, vector<128x1x128xf32>
    %get3A_40 = vector.shape_cast %get3A_39 : vector<128x1x128xf32> to vector<128x128xf32>
    %dot_general3A_41 = arith.constant dense<0.000000e+00> : vector<1000x128xf32>
    %dot_general3A_42 = tpu.matmul %get3A_1, %get3A_40, %dot_general3A_41 {dimension_numbers = #tpu.dot_dimension_numbers<[1], [0], [0], [1], [0, 0, 1, 1], [], []>, transpose_lhs_hint = false} : vector<1000x128xf32>, vector<128x128xf32>, vector<1000x128xf32> -> vector<1000x128xf32>
    %mul3A_43 = vector.broadcast %slice3A_25 : vector<1000x1xf32> to vector<1000x128xf32>
    %mul3A_44 = arith.mulf %mul3A_43, %dot_general3A_42 : vector<1000x128xf32>
    %add3A_45 = arith.addf %add3A_24, %mul3A_44 : vector<1000x128xf32>
    %slice3A_46 = vector.extract_strided_slice %get3A_4 {offsets = [0, 2], sizes = [1000, 1], strides = [1, 1]} : vector<1000x10xf32> to vector<1000x1xf32>
    %get3A_47 = arith.constant 0 : index
    %get3A_48 = arith.constant 2 : index
    %get3A_49 = arith.constant 0 : index
    %get3A_50 = vector.load %arg3[%get3A_47, %get3A_48, %get3A_49] : memref<128x10x128xf32, #tpu.memory_space<vmem>>, vector<128x1x128xf32>
    %get3A_51 = vector.shape_cast %get3A_50 : vector<128x1x128xf32> to vector<128x128xf32>
    %dot_general3A_52 = arith.constant dense<0.000000e+00> : vector<1000x128xf32>
    %dot_general3A_53 = tpu.matmul %get3A_1, %get3A_51, %dot_general3A_52 {dimension_numbers = #tpu.dot_dimension_numbers<[1], [0], [0], [1], [0, 0, 1, 1], [], []>, transpose_lhs_hint = false} : vector<1000x128xf32>, vector<128x128xf32>, vector<1000x128xf32> -> vector<1000x128xf32>
    %mul3A_54 = vector.broadcast %slice3A_46 : vector<1000x1xf32> to vector<1000x128xf32>
    %mul3A_55 = arith.mulf %mul3A_54, %dot_general3A_53 : vector<1000x128xf32>
    %add3A_56 = arith.addf %add3A_35, %mul3A_55 : vector<1000x128xf32>
    %get3A_57 = arith.constant 0 : index
    %get3A_58 = arith.constant 2 : index
    %get3A_59 = arith.constant 0 : index
    %get3A_60 = vector.load %arg4[%get3A_57, %get3A_58, %get3A_59] : memref<128x10x128xf32, #tpu.memory_space<vmem>>, vector<128x1x128xf32>
    %get3A_61 = vector.shape_cast %get3A_60 : vector<128x1x128xf32> to vector<128x128xf32>
    %dot_general3A_62 = arith.constant dense<0.000000e+00> : vector<1000x128xf32>
    %dot_general3A_63 = tpu.matmul %get3A_1, %get3A_61, %dot_general3A_62 {dimension_numbers = #tpu.dot_dimension_numbers<[1], [0], [0], [1], [0, 0, 1, 1], [], []>, transpose_lhs_hint = false} : vector<1000x128xf32>, vector<128x128xf32>, vector<1000x128xf32> -> vector<1000x128xf32>
    %mul3A_64 = vector.broadcast %slice3A_46 : vector<1000x1xf32> to vector<1000x128xf32>
    %mul3A_65 = arith.mulf %mul3A_64, %dot_general3A_63 : vector<1000x128xf32>
    %add3A_66 = arith.addf %add3A_45, %mul3A_65 : vector<1000x128xf32>
    %slice3A_67 = vector.extract_strided_slice %get3A_4 {offsets = [0, 3], sizes = [1000, 1], strides = [1, 1]} : vector<1000x10xf32> to vector<1000x1xf32>
    %get3A_68 = arith.constant 0 : index
    %get3A_69 = arith.constant 3 : index
    %get3A_70 = arith.constant 0 : index
    %get3A_71 = vector.load %arg3[%get3A_68, %get3A_69, %get3A_70] : memref<128x10x128xf32, #tpu.memory_space<vmem>>, vector<128x1x128xf32>
    %get3A_72 = vector.shape_cast %get3A_71 : vector<128x1x128xf32> to vector<128x128xf32>
    %dot_general3A_73 = arith.constant dense<0.000000e+00> : vector<1000x128xf32>
    %dot_general3A_74 = tpu.matmul %get3A_1, %get3A_72, %dot_general3A_73 {dimension_numbers = #tpu.dot_dimension_numbers<[1], [0], [0], [1], [0, 0, 1, 1], [], []>, transpose_lhs_hint = false} : vector<1000x128xf32>, vector<128x128xf32>, vector<1000x128xf32> -> vector<1000x128xf32>
    %mul3A_75 = vector.broadcast %slice3A_67 : vector<1000x1xf32> to vector<1000x128xf32>
    %mul3A_76 = arith.mulf %mul3A_75, %dot_general3A_74 : vector<1000x128xf32>
    %add3A_77 = arith.addf %add3A_56, %mul3A_76 : vector<1000x128xf32>
    %get3A_78 = arith.constant 0 : index
    %get3A_79 = arith.constant 3 : index
    %get3A_80 = arith.constant 0 : index
    %get3A_81 = vector.load %arg4[%get3A_78, %get3A_79, %get3A_80] : memref<128x10x128xf32, #tpu.memory_space<vmem>>, vector<128x1x128xf32>
    %get3A_82 = vector.shape_cast %get3A_81 : vector<128x1x128xf32> to vector<128x128xf32>
    %dot_general3A_83 = arith.constant dense<0.000000e+00> : vector<1000x128xf32>
    %dot_general3A_84 = tpu.matmul %get3A_1, %get3A_82, %dot_general3A_83 {dimension_numbers = #tpu.dot_dimension_numbers<[1], [0], [0], [1], [0, 0, 1, 1], [], []>, transpose_lhs_hint = false} : vector<1000x128xf32>, vector<128x128xf32>, vector<1000x128xf32> -> vector<1000x128xf32>
    %mul3A_85 = vector.broadcast %slice3A_67 : vector<1000x1xf32> to vector<1000x128xf32>
    %mul3A_86 = arith.mulf %mul3A_85, %dot_general3A_84 : vector<1000x128xf32>
    %add3A_87 = arith.addf %add3A_66, %mul3A_86 : vector<1000x128xf32>
    %slice3A_88 = vector.extract_strided_slice %get3A_4 {offsets = [0, 4], sizes = [1000, 1], strides = [1, 1]} : vector<1000x10xf32> to vector<1000x1xf32>
    %get3A_89 = arith.constant 0 : index
    %get3A_90 = arith.constant 4 : index
    %get3A_91 = arith.constant 0 : index
    %get3A_92 = vector.load %arg3[%get3A_89, %get3A_90, %get3A_91] : memref<128x10x128xf32, #tpu.memory_space<vmem>>, vector<128x1x128xf32>
    %get3A_93 = vector.shape_cast %get3A_92 : vector<128x1x128xf32> to vector<128x128xf32>
    %dot_general3A_94 = arith.constant dense<0.000000e+00> : vector<1000x128xf32>
    %dot_general3A_95 = tpu.matmul %get3A_1, %get3A_93, %dot_general3A_94 {dimension_numbers = #tpu.dot_dimension_numbers<[1], [0], [0], [1], [0, 0, 1, 1], [], []>, transpose_lhs_hint = false} : vector<1000x128xf32>, vector<128x128xf32>, vector<1000x128xf32> -> vector<1000x128xf32>
    %mul3A_96 = vector.broadcast %slice3A_88 : vector<1000x1xf32> to vector<1000x128xf32>
    %mul3A_97 = arith.mulf %mul3A_96, %dot_general3A_95 : vector<1000x128xf32>
    %add3A_98 = arith.addf %add3A_77, %mul3A_97 : vector<1000x128xf32>
    %get3A_99 = arith.constant 0 : index
    %get3A_100 = arith.constant 4 : index
    %get3A_101 = arith.constant 0 : index
    %get3A_102 = vector.load %arg4[%get3A_99, %get3A_100, %get3A_101] : memref<128x10x128xf32, #tpu.memory_space<vmem>>, vector<128x1x128xf32>
    %get3A_103 = vector.shape_cast %get3A_102 : vector<128x1x128xf32> to vector<128x128xf32>
    %dot_general3A_104 = arith.constant dense<0.000000e+00> : vector<1000x128xf32>
    %dot_general3A_105 = tpu.matmul %get3A_1, %get3A_103, %dot_general3A_104 {dimension_numbers = #tpu.dot_dimension_numbers<[1], [0], [0], [1], [0, 0, 1, 1], [], []>, transpose_lhs_hint = false} : vector<1000x128xf32>, vector<128x128xf32>, vector<1000x128xf32> -> vector<1000x128xf32>
    %mul3A_106 = vector.broadcast %slice3A_88 : vector<1000x1xf32> to vector<1000x128xf32>
    %mul3A_107 = arith.mulf %mul3A_106, %dot_general3A_105 : vector<1000x128xf32>
    %add3A_108 = arith.addf %add3A_87, %mul3A_107 : vector<1000x128xf32>
    %slice3A_109 = vector.extract_strided_slice %get3A_4 {offsets = [0, 5], sizes = [1000, 1], strides = [1, 1]} : vector<1000x10xf32> to vector<1000x1xf32>
    %get3A_110 = arith.constant 0 : index
    %get3A_111 = arith.constant 5 : index
    %get3A_112 = arith.constant 0 : index
    %get3A_113 = vector.load %arg3[%get3A_110, %get3A_111, %get3A_112] : memref<128x10x128xf32, #tpu.memory_space<vmem>>, vector<128x1x128xf32>
    %get3A_114 = vector.shape_cast %get3A_113 : vector<128x1x128xf32> to vector<128x128xf32>
    %dot_general3A_115 = arith.constant dense<0.000000e+00> : vector<1000x128xf32>
    %dot_general3A_116 = tpu.matmul %get3A_1, %get3A_114, %dot_general3A_115 {dimension_numbers = #tpu.dot_dimension_numbers<[1], [0], [0], [1], [0, 0, 1, 1], [], []>, transpose_lhs_hint = false} : vector<1000x128xf32>, vector<128x128xf32>, vector<1000x128xf32> -> vector<1000x128xf32>
    %mul3A_117 = vector.broadcast %slice3A_109 : vector<1000x1xf32> to vector<1000x128xf32>
    %mul3A_118 = arith.mulf %mul3A_117, %dot_general3A_116 : vector<1000x128xf32>
    %add3A_119 = arith.addf %add3A_98, %mul3A_118 : vector<1000x128xf32>
    %get3A_120 = arith.constant 0 : index
    %get3A_121 = arith.constant 5 : index
    %get3A_122 = arith.constant 0 : index
    %get3A_123 = vector.load %arg4[%get3A_120, %get3A_121, %get3A_122] : memref<128x10x128xf32, #tpu.memory_space<vmem>>, vector<128x1x128xf32>
    %get3A_124 = vector.shape_cast %get3A_123 : vector<128x1x128xf32> to vector<128x128xf32>
    %dot_general3A_125 = arith.constant dense<0.000000e+00> : vector<1000x128xf32>
    %dot_general3A_126 = tpu.matmul %get3A_1, %get3A_124, %dot_general3A_125 {dimension_numbers = #tpu.dot_dimension_numbers<[1], [0], [0], [1], [0, 0, 1, 1], [], []>, transpose_lhs_hint = false} : vector<1000x128xf32>, vector<128x128xf32>, vector<1000x128xf32> -> vector<1000x128xf32>
    %mul3A_127 = vector.broadcast %slice3A_109 : vector<1000x1xf32> to vector<1000x128xf32>
    %mul3A_128 = arith.mulf %mul3A_127, %dot_general3A_126 : vector<1000x128xf32>
    %add3A_129 = arith.addf %add3A_108, %mul3A_128 : vector<1000x128xf32>
    %slice3A_130 = vector.extract_strided_slice %get3A_4 {offsets = [0, 6], sizes = [1000, 1], strides = [1, 1]} : vector<1000x10xf32> to vector<1000x1xf32>
    %get3A_131 = arith.constant 0 : index
    %get3A_132 = arith.constant 6 : index
    %get3A_133 = arith.constant 0 : index
    %get3A_134 = vector.load %arg3[%get3A_131, %get3A_132, %get3A_133] : memref<128x10x128xf32, #tpu.memory_space<vmem>>, vector<128x1x128xf32>
    %get3A_135 = vector.shape_cast %get3A_134 : vector<128x1x128xf32> to vector<128x128xf32>
    %dot_general3A_136 = arith.constant dense<0.000000e+00> : vector<1000x128xf32>
    %dot_general3A_137 = tpu.matmul %get3A_1, %get3A_135, %dot_general3A_136 {dimension_numbers = #tpu.dot_dimension_numbers<[1], [0], [0], [1], [0, 0, 1, 1], [], []>, transpose_lhs_hint = false} : vector<1000x128xf32>, vector<128x128xf32>, vector<1000x128xf32> -> vector<1000x128xf32>
    %mul3A_138 = vector.broadcast %slice3A_130 : vector<1000x1xf32> to vector<1000x128xf32>
    %mul3A_139 = arith.mulf %mul3A_138, %dot_general3A_137 : vector<1000x128xf32>
    %add3A_140 = arith.addf %add3A_119, %mul3A_139 : vector<1000x128xf32>
    %get3A_141 = arith.constant 0 : index
    %get3A_142 = arith.constant 6 : index
    %get3A_143 = arith.constant 0 : index
    %get3A_144 = vector.load %arg4[%get3A_141, %get3A_142, %get3A_143] : memref<128x10x128xf32, #tpu.memory_space<vmem>>, vector<128x1x128xf32>
    %get3A_145 = vector.shape_cast %get3A_144 : vector<128x1x128xf32> to vector<128x128xf32>
    %dot_general3A_146 = arith.constant dense<0.000000e+00> : vector<1000x128xf32>
    %dot_general3A_147 = tpu.matmul %get3A_1, %get3A_145, %dot_general3A_146 {dimension_numbers = #tpu.dot_dimension_numbers<[1], [0], [0], [1], [0, 0, 1, 1], [], []>, transpose_lhs_hint = false} : vector<1000x128xf32>, vector<128x128xf32>, vector<1000x128xf32> -> vector<1000x128xf32>
    %mul3A_148 = vector.broadcast %slice3A_130 : vector<1000x1xf32> to vector<1000x128xf32>
    %mul3A_149 = arith.mulf %mul3A_148, %dot_general3A_147 : vector<1000x128xf32>
    %add3A_150 = arith.addf %add3A_129, %mul3A_149 : vector<1000x128xf32>
    %slice3A_151 = vector.extract_strided_slice %get3A_4 {offsets = [0, 7], sizes = [1000, 1], strides = [1, 1]} : vector<1000x10xf32> to vector<1000x1xf32>
    %get3A_152 = arith.constant 0 : index
    %get3A_153 = arith.constant 7 : index
    %get3A_154 = arith.constant 0 : index
    %get3A_155 = vector.load %arg3[%get3A_152, %get3A_153, %get3A_154] : memref<128x10x128xf32, #tpu.memory_space<vmem>>, vector<128x1x128xf32>
    %get3A_156 = vector.shape_cast %get3A_155 : vector<128x1x128xf32> to vector<128x128xf32>
    %dot_general3A_157 = arith.constant dense<0.000000e+00> : vector<1000x128xf32>
    %dot_general3A_158 = tpu.matmul %get3A_1, %get3A_156, %dot_general3A_157 {dimension_numbers = #tpu.dot_dimension_numbers<[1], [0], [0], [1], [0, 0, 1, 1], [], []>, transpose_lhs_hint = false} : vector<1000x128xf32>, vector<128x128xf32>, vector<1000x128xf32> -> vector<1000x128xf32>
    %mul3A_159 = vector.broadcast %slice3A_151 : vector<1000x1xf32> to vector<1000x128xf32>
    %mul3A_160 = arith.mulf %mul3A_159, %dot_general3A_158 : vector<1000x128xf32>
    %add3A_161 = arith.addf %add3A_140, %mul3A_160 : vector<1000x128xf32>
    %get3A_162 = arith.constant 0 : index
    %get3A_163 = arith.constant 7 : index
    %get3A_164 = arith.constant 0 : index
    %get3A_165 = vector.load %arg4[%get3A_162, %get3A_163, %get3A_164] : memref<128x10x128xf32, #tpu.memory_space<vmem>>, vector<128x1x128xf32>
    %get3A_166 = vector.shape_cast %get3A_165 : vector<128x1x128xf32> to vector<128x128xf32>
    %dot_general3A_167 = arith.constant dense<0.000000e+00> : vector<1000x128xf32>
    %dot_general3A_168 = tpu.matmul %get3A_1, %get3A_166, %dot_general3A_167 {dimension_numbers = #tpu.dot_dimension_numbers<[1], [0], [0], [1], [0, 0, 1, 1], [], []>, transpose_lhs_hint = false} : vector<1000x128xf32>, vector<128x128xf32>, vector<1000x128xf32> -> vector<1000x128xf32>
    %mul3A_169 = vector.broadcast %slice3A_151 : vector<1000x1xf32> to vector<1000x128xf32>
    %mul3A_170 = arith.mulf %mul3A_169, %dot_general3A_168 : vector<1000x128xf32>
    %add3A_171 = arith.addf %add3A_150, %mul3A_170 : vector<1000x128xf32>
    %slice3A_172 = vector.extract_strided_slice %get3A_4 {offsets = [0, 8], sizes = [1000, 1], strides = [1, 1]} : vector<1000x10xf32> to vector<1000x1xf32>
    %get3A_173 = arith.constant 0 : index
    %get3A_174 = arith.constant 8 : index
    %get3A_175 = arith.constant 0 : index
    %get3A_176 = vector.load %arg3[%get3A_173, %get3A_174, %get3A_175] : memref<128x10x128xf32, #tpu.memory_space<vmem>>, vector<128x1x128xf32>
    %get3A_177 = vector.shape_cast %get3A_176 : vector<128x1x128xf32> to vector<128x128xf32>
    %dot_general3A_178 = arith.constant dense<0.000000e+00> : vector<1000x128xf32>
    %dot_general3A_179 = tpu.matmul %get3A_1, %get3A_177, %dot_general3A_178 {dimension_numbers = #tpu.dot_dimension_numbers<[1], [0], [0], [1], [0, 0, 1, 1], [], []>, transpose_lhs_hint = false} : vector<1000x128xf32>, vector<128x128xf32>, vector<1000x128xf32> -> vector<1000x128xf32>
    %mul3A_180 = vector.broadcast %slice3A_172 : vector<1000x1xf32> to vector<1000x128xf32>
    %mul3A_181 = arith.mulf %mul3A_180, %dot_general3A_179 : vector<1000x128xf32>
    %add3A_182 = arith.addf %add3A_161, %mul3A_181 : vector<1000x128xf32>
    %get3A_183 = arith.constant 0 : index
    %get3A_184 = arith.constant 8 : index
    %get3A_185 = arith.constant 0 : index
    %get3A_186 = vector.load %arg4[%get3A_183, %get3A_184, %get3A_185] : memref<128x10x128xf32, #tpu.memory_space<vmem>>, vector<128x1x128xf32>
    %get3A_187 = vector.shape_cast %get3A_186 : vector<128x1x128xf32> to vector<128x128xf32>
    %dot_general3A_188 = arith.constant dense<0.000000e+00> : vector<1000x128xf32>
    %dot_general3A_189 = tpu.matmul %get3A_1, %get3A_187, %dot_general3A_188 {dimension_numbers = #tpu.dot_dimension_numbers<[1], [0], [0], [1], [0, 0, 1, 1], [], []>, transpose_lhs_hint = false} : vector<1000x128xf32>, vector<128x128xf32>, vector<1000x128xf32> -> vector<1000x128xf32>
    %mul3A_190 = vector.broadcast %slice3A_172 : vector<1000x1xf32> to vector<1000x128xf32>
    %mul3A_191 = arith.mulf %mul3A_190, %dot_general3A_189 : vector<1000x128xf32>
    %add3A_192 = arith.addf %add3A_171, %mul3A_191 : vector<1000x128xf32>
    %slice3A_193 = vector.extract_strided_slice %get3A_4 {offsets = [0, 9], sizes = [1000, 1], strides = [1, 1]} : vector<1000x10xf32> to vector<1000x1xf32>
    %get3A_194 = arith.constant 0 : index
    %get3A_195 = arith.constant 9 : index
    %get3A_196 = arith.constant 0 : index
    %get3A_197 = vector.load %arg3[%get3A_194, %get3A_195, %get3A_196] : memref<128x10x128xf32, #tpu.memory_space<vmem>>, vector<128x1x128xf32>
    %get3A_198 = vector.shape_cast %get3A_197 : vector<128x1x128xf32> to vector<128x128xf32>
    %dot_general3A_199 = arith.constant dense<0.000000e+00> : vector<1000x128xf32>
    %dot_general3A_200 = tpu.matmul %get3A_1, %get3A_198, %dot_general3A_199 {dimension_numbers = #tpu.dot_dimension_numbers<[1], [0], [0], [1], [0, 0, 1, 1], [], []>, transpose_lhs_hint = false} : vector<1000x128xf32>, vector<128x128xf32>, vector<1000x128xf32> -> vector<1000x128xf32>
    %mul3A_201 = vector.broadcast %slice3A_193 : vector<1000x1xf32> to vector<1000x128xf32>
    %mul3A_202 = arith.mulf %mul3A_201, %dot_general3A_200 : vector<1000x128xf32>
    %add3A_203 = arith.addf %add3A_182, %mul3A_202 : vector<1000x128xf32>
    %get3A_204 = arith.constant 0 : index
    %get3A_205 = arith.constant 9 : index
    %get3A_206 = arith.constant 0 : index
    %get3A_207 = vector.load %arg4[%get3A_204, %get3A_205, %get3A_206] : memref<128x10x128xf32, #tpu.memory_space<vmem>>, vector<128x1x128xf32>
    %get3A_208 = vector.shape_cast %get3A_207 : vector<128x1x128xf32> to vector<128x128xf32>
    %dot_general3A_209 = arith.constant dense<0.000000e+00> : vector<1000x128xf32>
    %dot_general3A_210 = tpu.matmul %get3A_1, %get3A_208, %dot_general3A_209 {dimension_numbers = #tpu.dot_dimension_numbers<[1], [0], [0], [1], [0, 0, 1, 1], [], []>, transpose_lhs_hint = false} : vector<1000x128xf32>, vector<128x128xf32>, vector<1000x128xf32> -> vector<1000x128xf32>
    %mul3A_211 = vector.broadcast %slice3A_193 : vector<1000x1xf32> to vector<1000x128xf32>
    %mul3A_212 = arith.mulf %mul3A_211, %dot_general3A_210 : vector<1000x128xf32>
    %add3A_213 = arith.addf %add3A_192, %mul3A_212 : vector<1000x128xf32>
    %mul3A_214 = arith.constant 0.0279508494 : f32
    %mul3A_215 = vector.broadcast %mul3A_214 : f32 to vector<1000x128xf32>
    %mul3A_216 = arith.mulf %add3A_203, %mul3A_215 : vector<1000x128xf32>
    %swap3A = arith.constant 0 : index
    %swap3A_217 = arith.constant 0 : index
    %swap3A_218 = vector.load %arg5[%swap3A, %swap3A_217] : memref<1000x128xf32, #tpu.memory_space<vmem>>, vector<1000x128xf32>
    tpu.vector_store %arg5[%swap3A, %swap3A_217], %mul3A_216 {strides = array<i32>} : memref<1000x128xf32, #tpu.memory_space<vmem>>, vector<1000x128xf32>,
    %mul3A_219 = arith.constant 0.0279508494 : f32
    %mul3A_220 = vector.broadcast %mul3A_219 : f32 to vector<1000x128xf32>
    %mul3A_221 = arith.mulf %add3A_213, %mul3A_220 : vector<1000x128xf32>
    %swap3A_222 = arith.constant 0 : index
    %swap3A_223 = arith.constant 0 : index
    %swap3A_224 = vector.load %arg6[%swap3A_222, %swap3A_223] : memref<1000x128xf32, #tpu.memory_space<vmem>>, vector<1000x128xf32>
    tpu.vector_store %arg6[%swap3A_222, %swap3A_223], %mul3A_221 {strides = array<i32>} : memref<1000x128xf32, #tpu.memory_space<vmem>>, vector<1000x128xf32>,
    return
  }
  func.func @transform_0(%arg0: i32) -> (i32, i32) {
    %c0_i32 = arith.constant 0 : i32
    %c0_i32_0 = arith.constant 0 : i32
    return %arg0, %c0_i32 : i32, i32
  }
  func.func @transform_1(%arg0: i32) -> (i32, i32) {
    %c0_i32 = arith.constant 0 : i32
    %c0_i32_0 = arith.constant 0 : i32
    return %arg0, %c0_i32 : i32, i32
  }
  func.func @transform_2(%arg0: i32) -> (i32, i32, i32) {
    %c0_i32 = arith.constant 0 : i32
    %c0_i32_0 = arith.constant 0 : i32
    %c0_i32_1 = arith.constant 0 : i32
    %c0_i32_2 = arith.constant 0 : i32
    return %c0_i32, %c0_i32_0, %c0_i32_1 : i32, i32, i32
  }
  func.func @transform_3(%arg0: i32) -> (i32, i32, i32) {
    %c0_i32 = arith.constant 0 : i32
    %c0_i32_0 = arith.constant 0 : i32
    %c0_i32_1 = arith.constant 0 : i32
    %c0_i32_2 = arith.constant 0 : i32
    return %c0_i32, %c0_i32_0, %c0_i32_1 : i32, i32, i32
  }
  func.func @transform_4(%arg0: i32) -> (i32, i32) {
    %c0_i32 = arith.constant 0 : i32
    %c0_i32_0 = arith.constant 0 : i32
    return %arg0, %c0_i32 : i32, i32
  }
  func.func @transform_5(%arg0: i32) -> (i32, i32) {
    %c0_i32 = arith.constant 0 : i32
    %c0_i32_0 = arith.constant 0 : i32
    return %arg0, %c0_i32 : i32, i32
  }
}

module attributes {stable_mosaic.version = 14 : i64} {
  func.func @_final_body(%arg0: i32, %arg1: memref<2x1000x128xf32, #tpu.memory_space<vmem>>, %arg2: memref<1000x10xf32, #tpu.memory_space<vmem>>, %arg3: memref<128x10x128xf32, #tpu.memory_space<vmem>>, %arg4: memref<1000x128xf32, #tpu.memory_space<vmem>>, %arg5: memref<1000x128xf32, #tpu.memory_space<vmem>>) attributes {dimension_semantics = [#tpu.dimension_semantics<arbitrary>], iteration_bounds = array<i64: 10>, scalar_prefetch = 0 : i64, scratch_operands = 0 : i64, tpu.core_type = #tpu.core_type<tc>, window_params = [{transform_indices = @transform_0, window_bounds = array<i64: 2, 1000, 128>}, {transform_indices = @transform_1, window_bounds = array<i64: 1000, 10>}, {pipeline_mode = #tpu.pipeline_mode<synchronous>, transform_indices = @transform_2, window_bounds = array<i64: 128, 10, 128>}, {transform_indices = @transform_3, window_bounds = array<i64: 1000, 128>}, {transform_indices = @transform_4, window_bounds = array<i64: 1000, 128>}]} {
    %get3A = arith.constant 0 : index
    %get3A_0 = arith.constant 0 : index
    %get3A_1 = arith.constant 0 : index
    %get3A_2 = vector.load %arg1[%get3A, %get3A_0, %get3A_1] : memref<2x1000x128xf32, #tpu.memory_space<vmem>>, vector<1x1000x128xf32>
    %get3A_3 = vector.shape_cast %get3A_2 : vector<1x1000x128xf32> to vector<1000x128xf32>
    %get3A_4 = arith.constant 1 : index
    %get3A_5 = arith.constant 0 : index
    %get3A_6 = arith.constant 0 : index
    %get3A_7 = vector.load %arg1[%get3A_4, %get3A_5, %get3A_6] : memref<2x1000x128xf32, #tpu.memory_space<vmem>>, vector<1x1000x128xf32>
    %get3A_8 = vector.shape_cast %get3A_7 : vector<1x1000x128xf32> to vector<1000x128xf32>
    %add3A = arith.addf %get3A_3, %get3A_8 : vector<1000x128xf32>
    %get3A_9 = arith.constant 0 : index
    %get3A_10 = arith.constant 0 : index
    %get3A_11 = vector.load %arg2[%get3A_9, %get3A_10] : memref<1000x10xf32, #tpu.memory_space<vmem>>, vector<1000x10xf32>
    %broadcast_in_dim3A = arith.constant 0.000000e+00 : f32
    %broadcast_in_dim3A_12 = vector.broadcast %broadcast_in_dim3A : f32 to vector<1000x128xf32>
    %slice3A = vector.extract_strided_slice %get3A_11 {offsets = [0, 0], sizes = [1000, 1], strides = [1, 1]} : vector<1000x10xf32> to vector<1000x1xf32>
    %get3A_13 = arith.constant 0 : index
    %get3A_14 = arith.constant 0 : index
    %get3A_15 = arith.constant 0 : index
    %get3A_16 = vector.load %arg3[%get3A_13, %get3A_14, %get3A_15] : memref<128x10x128xf32, #tpu.memory_space<vmem>>, vector<128x1x128xf32>
    %get3A_17 = vector.shape_cast %get3A_16 : vector<128x1x128xf32> to vector<128x128xf32>
    %dot_general3A = arith.constant dense<0.000000e+00> : vector<1000x128xf32>
    %dot_general3A_18 = tpu.matmul %add3A, %get3A_17, %dot_general3A {dimension_numbers = #tpu.dot_dimension_numbers<[1], [0], [0], [1], [0, 0, 1, 1], [], []>, transpose_lhs_hint = false} : vector<1000x128xf32>, vector<128x128xf32>, vector<1000x128xf32> -> vector<1000x128xf32>
    %mul3A = vector.broadcast %slice3A : vector<1000x1xf32> to vector<1000x128xf32>
    %mul3A_19 = arith.mulf %mul3A, %dot_general3A_18 : vector<1000x128xf32>
    %add3A_20 = arith.addf %broadcast_in_dim3A_12, %mul3A_19 : vector<1000x128xf32>
    %slice3A_21 = vector.extract_strided_slice %get3A_11 {offsets = [0, 1], sizes = [1000, 1], strides = [1, 1]} : vector<1000x10xf32> to vector<1000x1xf32>
    %get3A_22 = arith.constant 0 : index
    %get3A_23 = arith.constant 1 : index
    %get3A_24 = arith.constant 0 : index
    %get3A_25 = vector.load %arg3[%get3A_22, %get3A_23, %get3A_24] : memref<128x10x128xf32, #tpu.memory_space<vmem>>, vector<128x1x128xf32>
    %get3A_26 = vector.shape_cast %get3A_25 : vector<128x1x128xf32> to vector<128x128xf32>
    %dot_general3A_27 = arith.constant dense<0.000000e+00> : vector<1000x128xf32>
    %dot_general3A_28 = tpu.matmul %add3A, %get3A_26, %dot_general3A_27 {dimension_numbers = #tpu.dot_dimension_numbers<[1], [0], [0], [1], [0, 0, 1, 1], [], []>, transpose_lhs_hint = false} : vector<1000x128xf32>, vector<128x128xf32>, vector<1000x128xf32> -> vector<1000x128xf32>
    %mul3A_29 = vector.broadcast %slice3A_21 : vector<1000x1xf32> to vector<1000x128xf32>
    %mul3A_30 = arith.mulf %mul3A_29, %dot_general3A_28 : vector<1000x128xf32>
    %add3A_31 = arith.addf %add3A_20, %mul3A_30 : vector<1000x128xf32>
    %slice3A_32 = vector.extract_strided_slice %get3A_11 {offsets = [0, 2], sizes = [1000, 1], strides = [1, 1]} : vector<1000x10xf32> to vector<1000x1xf32>
    %get3A_33 = arith.constant 0 : index
    %get3A_34 = arith.constant 2 : index
    %get3A_35 = arith.constant 0 : index
    %get3A_36 = vector.load %arg3[%get3A_33, %get3A_34, %get3A_35] : memref<128x10x128xf32, #tpu.memory_space<vmem>>, vector<128x1x128xf32>
    %get3A_37 = vector.shape_cast %get3A_36 : vector<128x1x128xf32> to vector<128x128xf32>
    %dot_general3A_38 = arith.constant dense<0.000000e+00> : vector<1000x128xf32>
    %dot_general3A_39 = tpu.matmul %add3A, %get3A_37, %dot_general3A_38 {dimension_numbers = #tpu.dot_dimension_numbers<[1], [0], [0], [1], [0, 0, 1, 1], [], []>, transpose_lhs_hint = false} : vector<1000x128xf32>, vector<128x128xf32>, vector<1000x128xf32> -> vector<1000x128xf32>
    %mul3A_40 = vector.broadcast %slice3A_32 : vector<1000x1xf32> to vector<1000x128xf32>
    %mul3A_41 = arith.mulf %mul3A_40, %dot_general3A_39 : vector<1000x128xf32>
    %add3A_42 = arith.addf %add3A_31, %mul3A_41 : vector<1000x128xf32>
    %slice3A_43 = vector.extract_strided_slice %get3A_11 {offsets = [0, 3], sizes = [1000, 1], strides = [1, 1]} : vector<1000x10xf32> to vector<1000x1xf32>
    %get3A_44 = arith.constant 0 : index
    %get3A_45 = arith.constant 3 : index
    %get3A_46 = arith.constant 0 : index
    %get3A_47 = vector.load %arg3[%get3A_44, %get3A_45, %get3A_46] : memref<128x10x128xf32, #tpu.memory_space<vmem>>, vector<128x1x128xf32>
    %get3A_48 = vector.shape_cast %get3A_47 : vector<128x1x128xf32> to vector<128x128xf32>
    %dot_general3A_49 = arith.constant dense<0.000000e+00> : vector<1000x128xf32>
    %dot_general3A_50 = tpu.matmul %add3A, %get3A_48, %dot_general3A_49 {dimension_numbers = #tpu.dot_dimension_numbers<[1], [0], [0], [1], [0, 0, 1, 1], [], []>, transpose_lhs_hint = false} : vector<1000x128xf32>, vector<128x128xf32>, vector<1000x128xf32> -> vector<1000x128xf32>
    %mul3A_51 = vector.broadcast %slice3A_43 : vector<1000x1xf32> to vector<1000x128xf32>
    %mul3A_52 = arith.mulf %mul3A_51, %dot_general3A_50 : vector<1000x128xf32>
    %add3A_53 = arith.addf %add3A_42, %mul3A_52 : vector<1000x128xf32>
    %slice3A_54 = vector.extract_strided_slice %get3A_11 {offsets = [0, 4], sizes = [1000, 1], strides = [1, 1]} : vector<1000x10xf32> to vector<1000x1xf32>
    %get3A_55 = arith.constant 0 : index
    %get3A_56 = arith.constant 4 : index
    %get3A_57 = arith.constant 0 : index
    %get3A_58 = vector.load %arg3[%get3A_55, %get3A_56, %get3A_57] : memref<128x10x128xf32, #tpu.memory_space<vmem>>, vector<128x1x128xf32>
    %get3A_59 = vector.shape_cast %get3A_58 : vector<128x1x128xf32> to vector<128x128xf32>
    %dot_general3A_60 = arith.constant dense<0.000000e+00> : vector<1000x128xf32>
    %dot_general3A_61 = tpu.matmul %add3A, %get3A_59, %dot_general3A_60 {dimension_numbers = #tpu.dot_dimension_numbers<[1], [0], [0], [1], [0, 0, 1, 1], [], []>, transpose_lhs_hint = false} : vector<1000x128xf32>, vector<128x128xf32>, vector<1000x128xf32> -> vector<1000x128xf32>
    %mul3A_62 = vector.broadcast %slice3A_54 : vector<1000x1xf32> to vector<1000x128xf32>
    %mul3A_63 = arith.mulf %mul3A_62, %dot_general3A_61 : vector<1000x128xf32>
    %add3A_64 = arith.addf %add3A_53, %mul3A_63 : vector<1000x128xf32>
    %slice3A_65 = vector.extract_strided_slice %get3A_11 {offsets = [0, 5], sizes = [1000, 1], strides = [1, 1]} : vector<1000x10xf32> to vector<1000x1xf32>
    %get3A_66 = arith.constant 0 : index
    %get3A_67 = arith.constant 5 : index
    %get3A_68 = arith.constant 0 : index
    %get3A_69 = vector.load %arg3[%get3A_66, %get3A_67, %get3A_68] : memref<128x10x128xf32, #tpu.memory_space<vmem>>, vector<128x1x128xf32>
    %get3A_70 = vector.shape_cast %get3A_69 : vector<128x1x128xf32> to vector<128x128xf32>
    %dot_general3A_71 = arith.constant dense<0.000000e+00> : vector<1000x128xf32>
    %dot_general3A_72 = tpu.matmul %add3A, %get3A_70, %dot_general3A_71 {dimension_numbers = #tpu.dot_dimension_numbers<[1], [0], [0], [1], [0, 0, 1, 1], [], []>, transpose_lhs_hint = false} : vector<1000x128xf32>, vector<128x128xf32>, vector<1000x128xf32> -> vector<1000x128xf32>
    %mul3A_73 = vector.broadcast %slice3A_65 : vector<1000x1xf32> to vector<1000x128xf32>
    %mul3A_74 = arith.mulf %mul3A_73, %dot_general3A_72 : vector<1000x128xf32>
    %add3A_75 = arith.addf %add3A_64, %mul3A_74 : vector<1000x128xf32>
    %slice3A_76 = vector.extract_strided_slice %get3A_11 {offsets = [0, 6], sizes = [1000, 1], strides = [1, 1]} : vector<1000x10xf32> to vector<1000x1xf32>
    %get3A_77 = arith.constant 0 : index
    %get3A_78 = arith.constant 6 : index
    %get3A_79 = arith.constant 0 : index
    %get3A_80 = vector.load %arg3[%get3A_77, %get3A_78, %get3A_79] : memref<128x10x128xf32, #tpu.memory_space<vmem>>, vector<128x1x128xf32>
    %get3A_81 = vector.shape_cast %get3A_80 : vector<128x1x128xf32> to vector<128x128xf32>
    %dot_general3A_82 = arith.constant dense<0.000000e+00> : vector<1000x128xf32>
    %dot_general3A_83 = tpu.matmul %add3A, %get3A_81, %dot_general3A_82 {dimension_numbers = #tpu.dot_dimension_numbers<[1], [0], [0], [1], [0, 0, 1, 1], [], []>, transpose_lhs_hint = false} : vector<1000x128xf32>, vector<128x128xf32>, vector<1000x128xf32> -> vector<1000x128xf32>
    %mul3A_84 = vector.broadcast %slice3A_76 : vector<1000x1xf32> to vector<1000x128xf32>
    %mul3A_85 = arith.mulf %mul3A_84, %dot_general3A_83 : vector<1000x128xf32>
    %add3A_86 = arith.addf %add3A_75, %mul3A_85 : vector<1000x128xf32>
    %slice3A_87 = vector.extract_strided_slice %get3A_11 {offsets = [0, 7], sizes = [1000, 1], strides = [1, 1]} : vector<1000x10xf32> to vector<1000x1xf32>
    %get3A_88 = arith.constant 0 : index
    %get3A_89 = arith.constant 7 : index
    %get3A_90 = arith.constant 0 : index
    %get3A_91 = vector.load %arg3[%get3A_88, %get3A_89, %get3A_90] : memref<128x10x128xf32, #tpu.memory_space<vmem>>, vector<128x1x128xf32>
    %get3A_92 = vector.shape_cast %get3A_91 : vector<128x1x128xf32> to vector<128x128xf32>
    %dot_general3A_93 = arith.constant dense<0.000000e+00> : vector<1000x128xf32>
    %dot_general3A_94 = tpu.matmul %add3A, %get3A_92, %dot_general3A_93 {dimension_numbers = #tpu.dot_dimension_numbers<[1], [0], [0], [1], [0, 0, 1, 1], [], []>, transpose_lhs_hint = false} : vector<1000x128xf32>, vector<128x128xf32>, vector<1000x128xf32> -> vector<1000x128xf32>
    %mul3A_95 = vector.broadcast %slice3A_87 : vector<1000x1xf32> to vector<1000x128xf32>
    %mul3A_96 = arith.mulf %mul3A_95, %dot_general3A_94 : vector<1000x128xf32>
    %add3A_97 = arith.addf %add3A_86, %mul3A_96 : vector<1000x128xf32>
    %slice3A_98 = vector.extract_strided_slice %get3A_11 {offsets = [0, 8], sizes = [1000, 1], strides = [1, 1]} : vector<1000x10xf32> to vector<1000x1xf32>
    %get3A_99 = arith.constant 0 : index
    %get3A_100 = arith.constant 8 : index
    %get3A_101 = arith.constant 0 : index
    %get3A_102 = vector.load %arg3[%get3A_99, %get3A_100, %get3A_101] : memref<128x10x128xf32, #tpu.memory_space<vmem>>, vector<128x1x128xf32>
    %get3A_103 = vector.shape_cast %get3A_102 : vector<128x1x128xf32> to vector<128x128xf32>
    %dot_general3A_104 = arith.constant dense<0.000000e+00> : vector<1000x128xf32>
    %dot_general3A_105 = tpu.matmul %add3A, %get3A_103, %dot_general3A_104 {dimension_numbers = #tpu.dot_dimension_numbers<[1], [0], [0], [1], [0, 0, 1, 1], [], []>, transpose_lhs_hint = false} : vector<1000x128xf32>, vector<128x128xf32>, vector<1000x128xf32> -> vector<1000x128xf32>
    %mul3A_106 = vector.broadcast %slice3A_98 : vector<1000x1xf32> to vector<1000x128xf32>
    %mul3A_107 = arith.mulf %mul3A_106, %dot_general3A_105 : vector<1000x128xf32>
    %add3A_108 = arith.addf %add3A_97, %mul3A_107 : vector<1000x128xf32>
    %slice3A_109 = vector.extract_strided_slice %get3A_11 {offsets = [0, 9], sizes = [1000, 1], strides = [1, 1]} : vector<1000x10xf32> to vector<1000x1xf32>
    %get3A_110 = arith.constant 0 : index
    %get3A_111 = arith.constant 9 : index
    %get3A_112 = arith.constant 0 : index
    %get3A_113 = vector.load %arg3[%get3A_110, %get3A_111, %get3A_112] : memref<128x10x128xf32, #tpu.memory_space<vmem>>, vector<128x1x128xf32>
    %get3A_114 = vector.shape_cast %get3A_113 : vector<128x1x128xf32> to vector<128x128xf32>
    %dot_general3A_115 = arith.constant dense<0.000000e+00> : vector<1000x128xf32>
    %dot_general3A_116 = tpu.matmul %add3A, %get3A_114, %dot_general3A_115 {dimension_numbers = #tpu.dot_dimension_numbers<[1], [0], [0], [1], [0, 0, 1, 1], [], []>, transpose_lhs_hint = false} : vector<1000x128xf32>, vector<128x128xf32>, vector<1000x128xf32> -> vector<1000x128xf32>
    %mul3A_117 = vector.broadcast %slice3A_109 : vector<1000x1xf32> to vector<1000x128xf32>
    %mul3A_118 = arith.mulf %mul3A_117, %dot_general3A_116 : vector<1000x128xf32>
    %add3A_119 = arith.addf %add3A_108, %mul3A_118 : vector<1000x128xf32>
    %get3A_120 = arith.constant 0 : index
    %get3A_121 = arith.constant 0 : index
    %get3A_122 = vector.load %arg4[%get3A_120, %get3A_121] : memref<1000x128xf32, #tpu.memory_space<vmem>>, vector<1000x128xf32>
    %mul3A_123 = arith.constant 0.00279508508 : f32
    %mul3A_124 = vector.broadcast %mul3A_123 : f32 to vector<1000x128xf32>
    %mul3A_125 = arith.mulf %add3A_119, %mul3A_124 : vector<1000x128xf32>
    %add3A_126 = arith.addf %get3A_122, %mul3A_125 : vector<1000x128xf32>
    %swap3A = arith.constant 0 : index
    %swap3A_127 = arith.constant 0 : index
    %swap3A_128 = vector.load %arg5[%swap3A, %swap3A_127] : memref<1000x128xf32, #tpu.memory_space<vmem>>, vector<1000x128xf32>
    tpu.vector_store %arg5[%swap3A, %swap3A_127], %add3A_126 {strides = array<i32>} : memref<1000x128xf32, #tpu.memory_space<vmem>>, vector<1000x128xf32>,
    return
  }
  func.func @transform_0(%arg0: i32) -> (i32, i32, i32) {
    %c0_i32 = arith.constant 0 : i32
    %c0_i32_0 = arith.constant 0 : i32
    %c0_i32_1 = arith.constant 0 : i32
    return %c0_i32, %arg0, %c0_i32_0 : i32, i32, i32
  }
  func.func @transform_1(%arg0: i32) -> (i32, i32) {
    %c0_i32 = arith.constant 0 : i32
    %c0_i32_0 = arith.constant 0 : i32
    return %arg0, %c0_i32 : i32, i32
  }
  func.func @transform_2(%arg0: i32) -> (i32, i32, i32) {
    %c0_i32 = arith.constant 0 : i32
    %c0_i32_0 = arith.constant 0 : i32
    %c0_i32_1 = arith.constant 0 : i32
    %c0_i32_2 = arith.constant 0 : i32
    return %c0_i32, %c0_i32_0, %c0_i32_1 : i32, i32, i32
  }
  func.func @transform_3(%arg0: i32) -> (i32, i32) {
    %c0_i32 = arith.constant 0 : i32
    %c0_i32_0 = arith.constant 0 : i32
    return %arg0, %c0_i32 : i32, i32
  }
  func.func @transform_4(%arg0: i32) -> (i32, i32) {
    %c0_i32 = arith.constant 0 : i32
    %c0_i32_0 = arith.constant 0 : i32
    return %arg0, %c0_i32 : i32, i32
  }
}

</mosaic_0001>

<sc_bundles>
// kernel: kernel.6.cloned.1.call-start
scs
__scs_entry_jumppad:
0x0: {  	(pc) =	sbr.rel $0x88, $3  }
0x1: {  	(tag) =	ssettag $0x0;
	lr =	simm.s32 $0x1  }
0x2: {  	[smem:$0x3F97] =	sst lr;
	_ =	strace $0xD0000000  }
0x3: {  	_ = 	snop  }
0x4: {  	_ = 	snop  }
0x5: {  	_ = 	snop  }
0x6: {  	_ = 	snop  }
0x7: {  	_ = 	snop  }
__scs_overlays_trampoline_lowered:
0x8: {  	[smem:$0x3FA6] =	sst s0  }
0x9: {  	[smem:$0x3FA7] =	sst s1  }
0xa: {  	[smem:$0x3FA8] =	sst s2  }
0xb: {  	[smem:$0x3FA9] =	sst s3  }
0xc: {  	[smem:$0x3FAA] =	sst s4  }
0xd: {  	[smem:$0x3FAB] =	sst s5  }
0xe: {  	[smem:$0x3FAC] =	sst s6  }
0xf: {  	[smem:$0x3FAD] =	sst s7  }
0x10: {  	[smem:$0x3FAE] =	sst s8  }
0x11: {  	[smem:$0x3FAF] =	sst s9;
	s0 =	simm.s32 @!p0 $0x0  }
0x12: {  	s1 =	sld [smem:$0x3F95];
	s0 =	simm.s32 @p0 $0x1  }
0x13: {  	[smem:$0x3FB0] =	sst s0;
	s0 =	simm.s32 @!p1 $0x0  }
0x14: {  	s2 =	sld [smem:$0x3F94];
	s0 =	simm.s32 @p1 $0x1  }
0x15: {  	[smem:$0x3FB1] =	sst s0;
	s0 =	simm.s32 @!p2 $0x0  }
0x16: {  	s3 =	sld [smem:$0x3FDB];
	s0 =	simm.s32 @p2 $0x1  }
0x17: {  	s4 =	simm.s32 $0x1BF5;
	[smem:$0x3FB3] =	sst s0  }
0x18: {  	s0 =	sld [smem:$0x3F96];
	_ =	swait.ge [sflag:s4], $0x0  }
0x19: {  	s7 =	sld [smem:$0x3F97]  }
0x1a: {  	s8 =	sadd.s32 $0xFFFFE003, lr  }
0x1b: {  	s9 =	sadd.s32 $0xFFFFFEF7, lr;
	s5 =	simm.s32 $0xFFFFFFFF;
	p2 =	slt.u32 s8, $0xFFFFF086  }
0x1c: {  	p1 =	slt.u32 s9, $0xF7A;
	s5 =	simm.s32 @!p2 $0x0  }
0x1d: {  	s5 =	simm.s32 @p1 $0x1;
	p0 =	seq.s32 s7, s2  }
0x1e: {  	s7 =	smul.u32 @!p0 $0xF7A, s2;
	p2 =	seq.s32 @!p0 s5, $0x0  }
0x1f: {  	s9 =	smul.u32 $0xF7A, s1;
	s8 =	simm.s32 @!p0 $0x1BF5;
	p2 =	por !p2, p0  }
0x20: {  	[sflag:s8] =	ssyncset.s32 @!p0 $0xFFFFF086;
	s6 =	sadd.s32 @!p0 s3, s7;
	s7 =	simm.s32 @!p0 $0x108  }
0x21: {  	s3 =	sadd.s32 s3, s9;
	s6 =	sadd.s32 @!p0 $0x88, s6;
	s7 =	simm.s32 @p2 $0x1082  }
0x22: {  	[simem:s7], [sflag:s8] =	dma.local @!p0 [hbm:s6], $0xF7A  }
0x23: {  	s9 =	sor.u32 $0xD0000000, s2;
	s6 =	simm.s32 $0x108;
	_ =	swait.ge @!p0 [sflag:s8], $0x0  }
0x24: {  	s3 =	sadd.s32 $0x88, s3;
	s6 =	simm.s32 @!p1 $0x1082;
	[sflag:s4] =	ssyncset.s32 $0xFFFFF086  }
0x25: {  	[simem:s6], [sflag:s4] =	dma.local [hbm:s3], $0xF7A  }
0x26: {  	[smem:$0x3F97] =	sst s1;
	(tag) =	ssettag s2;
	_ =	strace s9  }
0x27: {  	s1 =	sld [smem:$0x3FA7]  }
0x28: {  	s2 =	sld [smem:$0x3FA8]  }
0x29: {  	s4 =	sld [smem:$0x3FAA]  }
0x2a: {  	p0 =	seq.s32 s5, $0x0;
	s5 =	sld [smem:$0x3FAB]  }
0x2b: {  	s6 =	sld [smem:$0x3FAC]  }
0x2c: {  	s7 =	sld [smem:$0x3FAD]  }
0x2d: {  	s3 =	simm.s32 $0x108;
	s8 =	sld [smem:$0x3FAE]  }
0x2e: {  	s3 =	simm.s32 @!p0 $0x1082;
	s9 =	sld [smem:$0x3FAF]  }
0x2f: {  	lr =	sadd.s32 s0, s3;
	s0 =	sld [smem:$0x3FA6]  }
0x30: {  	s3 =	sld [smem:$0x3FA9]  }
0x31: {  	[smem:$0x3FB2] =	sst s10  }
0x32: {  	s10 =	sld [smem:$0x3FB0];
	_ =	sdelay $0x3  }
0x33: {  	p0 =	seq.s32 s10, $0x1;
	s10 =	sld [smem:$0x3FB2];
	_ =	sdelay $0x3  }
0x34: {  	[smem:$0x3FB2] =	sst s10  }
0x35: {  	s10 =	sld [smem:$0x3FB1];
	_ =	sdelay $0x3  }
0x36: {  	p1 =	seq.s32 s10, $0x1;
	s10 =	sld [smem:$0x3FB2];
	_ =	sdelay $0x3  }
0x37: {  	[smem:$0x3FB2] =	sst s10  }
0x38: {  	s10 =	sld [smem:$0x3FB3]  }
0x39: {  	_ = 	snop;
	(pc) =	sbr.ind lr, $3  }
0x3a: {  	_ = 	snop  }
0x3b: {  	_ = 	snop  }
0x3c: {  	p2 =	seq.s32 s10, $0x1;
	s10 =	sld [smem:$0x3FB2]  }
0x3d: {  	_ =	shalt  }
0x3e: {  	_ =	shalt  }
0x3f: {  	_ =	shalt  }
0x40: {  	_ =	shalt  }
0x41: {  	_ =	shalt  }
0x42: {  	_ =	shalt  }
0x43: {  	_ =	shalt  }
0x44: {  	_ =	shalt  }
0x45: {  	_ =	shalt  }
0x46: {  	_ =	shalt  }
0x47: {  	_ =	shalt  }
0x48: {  	_ =	shalt  }
0x49: {  	_ =	shalt  }
0x4a: {  	_ =	shalt  }
0x4b: {  	_ =	shalt  }
0x4c: {  	_ =	shalt  }
0x4d: {  	_ =	shalt  }
0x4e: {  	_ =	shalt  }
0x4f: {  	_ =	shalt  }
0x50: {  	_ =	shalt  }
0x51: {  	_ =	shalt  }
0x52: {  	_ =	shalt  }
0x53: {  	_ =	shalt  }
0x54: {  	_ =	shalt  }
0x55: {  	_ =	shalt  }
0x56: {  	_ =	shalt  }
0x57: {  	_ =	shalt  }
0x58: {  	_ =	shalt  }
0x59: {  	_ =	shalt  }
0x5a: {  	_ =	shalt  }
0x5b: {  	_ =	shalt  }
0x5c: {  	_ =	shalt  }
0x5d: {  	_ =	shalt  }
0x5e: {  	_ =	shalt  }
0x5f: {  	_ =	shalt  }
0x60: {  	_ =	shalt  }
0x61: {  	_ =	shalt  }
0x62: {  	_ =	shalt  }
0x63: {  	_ =	shalt  }
0x64: {  	_ =	shalt  }
0x65: {  	_ =	shalt  }
0x66: {  	_ =	shalt  }
0x67: {  	_ =	shalt  }
0x68: {  	_ =	shalt  }
0x69: {  	_ =	shalt  }
0x6a: {  	_ =	shalt  }
0x6b: {  	_ =	shalt  }
0x6c: {  	_ =	shalt  }
0x6d: {  	_ =	shalt  }
0x6e: {  	_ =	shalt  }
0x6f: {  	_ =	shalt  }
0x70: {  	_ =	shalt  }
0x71: {  	_ =	shalt  }
0x72: {  	_ =	shalt  }
0x73: {  	_ =	shalt  }
0x74: {  	_ =	shalt  }
0x75: {  	_ =	shalt  }
0x76: {  	_ =	shalt  }
0x77: {  	_ =	shalt  }
0x78: {  	_ =	shalt  }
0x79: {  	_ =	shalt  }
0x7a: {  	_ =	shalt  }
0x7b: {  	_ =	shalt  }
0x7c: {  	_ =	shalt  }
0x7d: {  	_ =	shalt  }
0x7e: {  	_ =	shalt  }
0x7f: {  	_ =	shalt  }
0x80: {  	_ =	shalt  }
0x81: {  	_ =	shalt  }
0x82: {  	_ =	shalt  }
0x83: {  	_ =	shalt  }
0x84: {  	_ =	shalt  }
0x85: {  	_ =	shalt  }
0x86: {  	_ =	shalt  }
0x87: {  	_ =	shalt  }
.Lfunc_end0:
.L_simem_size_0:
called_computation_lowered:
.L_overlay_start_0:
0x88: {  	s2 =	sld [smem:$0x3FD9]  }
0x89: {  	s3 =	sld [smem:$0x3FFE];
	_ =	sdelay $0x1  }
0x8a: {  	s1 =	srdreg.scid  }
0x8b: {  	s0 =	sand.u32 $0x1, s1  }
0x8c: {  	s17 =	sshll.u32 s0, $0xA;
	s2 =	sadd.s32 s3, s2  }
0x8d: {  	s2 =	sadd.s32 s2, s17  }
0x8e: {  	[smem:$0x3FBE] =	sst s2  }
0x8f: {  	_ = 	snop  }
0x90: {  	s2 =	sld [smem:$0x3FC7]  }
0x91: {  	s18 =	sld [smem:$0x3FC6]  }
0x92: {  	s4 =	sld [smem:$0x3FD0];
	(tm) =	ssettm $0x1  }
0x93: {  	s5 =	sld [smem:$0x3FFB];
	_ =	sdelay $0x3  }
0x94: {  	_ =	strace s5  }
0x95: {  	s5 =	sld [smem:$0x3FFC];
	_ =	sdelay $0x3  }
0x96: {  	_ =	strace s5  }
0x97: {  	s5 =	sld [smem:$0x3FFD];
	_ =	sdelay $0x3  }
0x98: {  	_ =	strace s5  }
0x99: {  	_ =	strace $0x8FFFFFFF  }
0x9a: {  	s19 =	sld [smem:$0x3FDB];
	_ =	sdelay $0x1  }
0x9b: {  	s6 =	simm.s32 $_scs_section_size  }
0x9c: {  	s7 =	simm.s32 $_size__tile_overlayer_lowered;
	s8 =	simm.s32 $_tile_overlayer_lowered  }
0x9d: {  	s22 =	simm.s32 $0x1BFF;
	s21 =	sshll.u32 s8, $0x1;
	s5 =	sadd.s32 s6, s19  }
0x9e: {  	s9 =	simm.s32 $0x0;
	s20 =	sshll.u32 s7, $0x1;
	s7 =	sadd.s32 s21, s5  }
0x9f: {  	[timem:s9], [sflag:s22] =	dma.local [hbm:s7], s20  }
0xa0: {  	_ =	swait.ge [sflag:s22], s20  }
0xa1: {  	s6 =	ssub.s32 $0x0, s20;
	[sflag:s22] =	ssyncset.done $0x0  }
0xa2: {  	[sflag:s22] =	ssyncadd.s32 s6;
	_ =	sdelay $0x1  }
0xa3: {  	s23 =	simm.s32 $0x1B8B  }
0xa4: {  	_ =	swait.ge [sflag:s23], $0x1  }
0xa5: {  	[sflag:s23] =	ssyncset.done $0x0  }
0xa6: {  	s25 =	simm.s32 $0x1B8E;
	s24 =	sld [smem:$0x3FFE];
	[sflag:s23] =	ssyncadd.s32 $0xFFFFFFFF  }
0xa7: {  	s26 =	simm.s32 $execute0_lowered;
	[smem:$0x3FD2] =	sst s25  }
0xa8: {  	s7 =	sshll.u32 s26, $0x1;
	_ =	strace $0x80000046;
	[dreg:$0x1] =	wrdreg $0xFFFFFFFF  }
0xa9: {  	s28 =	simm.s32 $_size_execute0_lowered;
	s5 =	sadd.s32 s5, s7;
	[dreg:$0x0] =	wrdreg $0x0  }
0xaa: {  	s7 =	sshll.u32 s28, $0x1;
	[dreg:$0x2] =	wrdreg s5  }
0xab: {  	[dreg:$0x3] =	wrdreg s7  }
0xac: {  	[dreg:$0x4] =	wrdreg $0xC0  }
0xad: {  	_ =	task [dreg:s9], $0x5FFFF  }
0xae: {  	[dreg:$0x1] =	wrdreg $0xFFFFFFFF  }
0xaf: {  	[dreg:$0x0] =	wrdreg $0x60  }
0xb0: {  	[dreg:$0x2] =	wrdreg s4  }
0xb1: {  	[dreg:$0x3] =	wrdreg s2  }
0xb2: {  	[dreg:$0x4] =	wrdreg s18  }
0xb3: {  	[dreg:$0x5] =	wrdreg s24  }
0xb4: {  	[dreg:$0x6] =	wrdreg $0x0  }
0xb5: {  	[dreg:$0x7] =	wrdreg $0x9  }
0xb6: {  	_ =	task.clear_ibuf [dreg:s9], $0x8FFFF;
	_ =	strace $0x90000046  }
0xb7: {  	s29 =	simm.s32 $0x9;
	_ =	strace $0x80000048  }
0xb8: {  	_ =	swait.ge [sflag:s29], $0x1  }
0xb9: {  	[sflag:s29] =	ssyncadd.s32 $0xFFFFFFFF  }
0xba: {  	_ =	strace $0x90000048  }
0xbb: {  	_ =	sfence  }
0xbc: {  	s30 =	sld [smem:$0x0];
	_ =	sdelay $0x2  }
0xbd: {  	s31 =	sshll.u32 s1, $0xD;
	s1 =	sshrl.u32 s1, $0x2  }
0xbe: {  	s3 =	sand.u32 $0x4000, s31;
	s1 =	sadd.s32 s1, s30  }
0xbf: {  	s0 =	sor.u32 s3, s0;
	s1 =	sshll.u32 s1, $0x11  }
0xc0: {  	s0 =	sor.u32 s1, s0  }
0xc1: {  	s0 =	sadd.s32 $0x8F2B, s0  }
0xc2: {  	[sflag:s0] =	ssyncadd.remote.s32 $0x1  }
0xc3: {  	_ =	sfence.sel $0xFFFF  }
0xc4: {  	[dreg:$0x0] =	wrdreg $0xFFFFFFFF;
	(pc) =	sbr.abs _section_cstart, $3  }
0xc5: {  	[dreg:$0x1] =	wrdreg $0xFFFFFFFF  }
0xc6: {  	_ =	task.clear_ibuf [dreg:s9], $0x2FFFF;
	_ =	strace $0x9FFFFFFF  }
0xc7: {  	(tm) =	ssettm $0x7FFFFFFF  }
tec
execute0_lowered:
.L_overlay_start_1:
0x0: {  	(tag) =	ssettag $0x1  }
0x1: {  	s1 =	rddreg [dreg:$0x0]  }
0x2: {  	s2 =	rddreg [dreg:$0x1]  }
0x3: {  	s3 =	rddreg [dreg:$0x2]  }
0x4: {  	s0 =	rddreg [dreg:$0x3];
	s12 =	stileid.u32  }
0x5: {  	s4 =	srdreg.scid;
	s5 =	rddreg [dreg:$0x4];
	s8 =	simm.s32 $0x0  }
0x6: {  	s28 =	simm.s32 $0x14280;
	s30 =	simm.s32 $0x1;
	s31 =	simm.s32 $0x28  }
0x7: {  	s29 =	simm.s32 $0x8;
	s6 =	smul.u32 $0x14000, s12;
	s4 =	sand.u32 $0x1, s4  }
0x8: {  	[smem:$0x7FF] =	sst s8;
	s10 =	sshll.u32 s12, $0x1;
	s11 =	smul.u32 $0x50000, s12  }
0x9: {  	s17 =	sshll.u32 s12, $0x6;
	s12 =	simm.s32 $0x2;
	s7 =	smul.u32 $0x140000, s4  }
0xa: {  	_ =	strace $0x80000047;
	s14 =	ssub.s32 $0x2, s4;
	s4 =	sor.u32 s4, s10  }
0xb: {  	s13 =	sshrl.u32 s6, $0x3;
	s15 =	sshrl.u32 s14, $0x1;
	s8 =	smul.u32 $0x2710, s4  }
0xc: {  	s16 =	sshrl.u32 s11, $0x2;
	s4 =	smul.u32 $0x13880, s4;
	s11 =	simm.s32 $0x1A800  }
0xd: {  	s6 =	sadd.s32 s6, s7;
	s7 =	sadd.s32 $0xA800, s0;
	s9 =	sadd.s32 s13, s0  }
0xe: {  	s10 =	sadd.s32 s16, s5;
	s13 =	simm.s32 $0x18000;
	s16 =	simm.s32 $0x0  }
0xf: {  	s6 =	sshrl.u32 s6, $0x3;
	s9 =	sadd.s32 $0x2A2A00, s9;
	s18 =	sshrl.u32 s8, $0x3  }
0x10: {  	s20 =	sadd.s32 $0x28, s8;
	s4 =	sadd.s32 s7, s4;
	s24 =	sadd.s32 $0xA0, s8  }
0x11: {  	s25 =	sadd.s32 $0xC8, s8;
	s0 =	sadd.s32 s6, s0;
	[dreg:$0x6] =	wrdreg s9  }
0x12: {  	s6 =	ssub.s32 s14, s15;
	s15 =	sor.u32 $0x1C0D, s17;
	[dreg:$0xa] =	wrdreg s4  }
0x13: {  	s19 =	sadd.s32 s2, s18;
	s9 =	sadd.s32 s3, s18;
	[dreg:$0xe] =	wrdreg s24  }
0x14: {  	s21 =	sshrl.u32 s20, $0x3;
	[dreg:$0xf] =	wrdreg s25;
	s24 =	simm.s32 $0x14200  }
0x15: {  	s14 =	simm.s32 $0x5;
	s25 =	simm.s32 $0xA;
	[dreg:$0x8] =	wrdreg s19  }
0x16: {  	[dreg:$0x9] =	wrdreg s9;
	s9 =	sshll.u32 s20, $0x3;
	s22 =	sadd.s32 s2, s21  }
0x17: {  	s4 =	sadd.s32 s3, s21;
	s0 =	sadd.s32 $0x2CAA00, s0;
	[dreg:$0x7] =	wrdreg s15  }
0x18: {  	s26 =	smax.u32 s6, $0x1;
	s20 =	simm.s32 $0x3;
	[dreg:$0xb] =	wrdreg s22  }
0x19: {  	s21 =	simm.s32 $0x6;
	s6 =	simm.s32 $0x9;
	[dreg:$0xc] =	wrdreg s4  }
0x1a: {  	s19 =	simm.s32 $0x7;
	s23 =	sadd.s32 s7, s9;
	[dreg:$0x10] =	wrdreg s0  }
0x1b: {  	[dreg:$0x11] =	wrdreg s26;
	s9 =	sshrl.u32 s10, $0x3;
	s10 =	simm.s32 $0xD  }
0x1c: {  	s26 =	simm.s32 $0x14080;
	s4 =	simm.s32 $0x16C00;
	[dreg:$0xd] =	wrdreg s23  }
0x1d: {  	s22 =	simm.s32 $0x4;
	s23 =	simm.s32 $0x14000;
	[dreg:$0x12] =	wrdreg s9  }
.LBB2_1:
0x1e: {  	[dreg:$0x13] =	wrdreg s16  }
0x1f: {  	s0 =	rddreg [dreg:$0x6]  }
0x20: {  	[spmem:s9], [sflag:s15] =	dma.local [hbm:s0], $0x2800  }
0x21: {  	_ =	swait.ge [sflag:s10], $0x2800  }
0x22: {  	[sflag:s10] =	ssyncset.done $0x0  }
0x23: {  	[sflag:s10] =	ssyncadd.s32 $0xFFFFD800  }
0x24: {  	[bflag:$0x0] =	sbarrier.arrive $0xFFFF  }
0x25: {  	s0 =	simm.s32 $0x0;
	s15 =	rddreg [dreg:$0x8]  }
0x26: {  	[tilespmem:s23], [sflag:$0x1] =	stream.linear.gather [hbm4b:s15+s0], $0x28, $0x38;
	[tilespmem:$0x1BC00] =	vst v63  }
0x27: {  	s16 =	rddreg [dreg:$0x9]  }
0x28: {  	[tilespmem:s24], [sflag:$0x1] =	stream.linear.gather [hbm4b:s16+s0], $0x28, $0x38;
	[tilespmem:$0x1BC00] =	vst v63  }
0x29: {  	s18 =	simm.s32 $0x14400;
	s17 =	rddreg [dreg:$0xa]  }
0x2a: {  	[tilespmem:s18], [sflag:$0x1] =	stream.linear.gather [hbm4b:s17+s0], $0xA00, $0x38;
	[tilespmem:$0x1BC00] =	vst v63  }
0x2b: {  	s15 =	rddreg [dreg:$0xb]  }
0x2c: {  	[tilespmem:s26], [sflag:$0x2] =	stream.linear.gather [hbm4b:s15+s0], $0x28, $0x38;
	[tilespmem:$0x1BC00] =	vst v63  }
0x2d: {  	s16 =	rddreg [dreg:$0xc]  }
0x2e: {  	[tilespmem:s28], [sflag:$0x2] =	stream.linear.gather [hbm4b:s16+s0], $0x28, $0x38;
	[tilespmem:$0x1BC00] =	vst v63  }
0x2f: {  	s17 =	rddreg [dreg:$0xd];
	s18 =	simm.s32 $0x14E00  }
0x30: {  	[tilespmem:s18], [sflag:$0x2] =	stream.linear.gather [hbm4b:s17+s0], $0xA00, $0x38;
	[tilespmem:$0x1BC00] =	vst v63  }
0x31: {  	_ =	swait.ge [sflag:s30], $0x28  }
0x32: {  	[sflag:s30] =	ssyncset.done $0x0  }
0x33: {  	[sflag:s30] =	ssyncadd.s32 $0xFFFFFFD8  }
0x34: {  	_ =	swait.ge [sflag:s30], $0x28  }
0x35: {  	[sflag:s30] =	ssyncset.done $0x0  }
0x36: {  	[sflag:s30] =	ssyncadd.s32 $0xFFFFFFD8  }
0x37: {  	_ =	swait.ge [sflag:s30], $0xA00  }
0x38: {  	[sflag:s30] =	ssyncset.done $0x0  }
0x39: {  	s17 =	simm.s32 $0x0;
	[sflag:s30] =	ssyncadd.s32 $0xFFFFF600  }
0x3a: {  	[tilespmem:s4], [sflag:$0x5] =	stream.indirect.gather [hbm4b:s1+s31], $0x80, s23, s31, $0xb8;
	[tilespmem:$0x1BC00] =	vst v63  }
.LBB2_2:
0x3b: {  	p0 =	seq.s32 s17, $0x0  }
0x3c: {  	s18 =	smul.u32 @!p0 $0xA0, s17;
	_ =	sdelay $0x1  }
0x3d: {  	s0 =	sadd.s32 @!p0 $0x50, s18  }
0x3e: {  	s9 =	simm.s32 @!p0 $0xB;
	s0 =	simm.s32 @p0 $0x50  }
0x3f: {  	s16 =	simm.s32 $0x0;
	_ =	swait.ge @!p0 [sflag:s9], $0x1400;
	s0 =	sadd.s32 s8, s0  }
0x40: {  	s10 =	simm.s32 $0x14100;
	[sflag:s9] =	ssyncset.done @!p0 $0x0;
	s15 =	sshrl.u32 s0, $0x3  }
0x41: {  	[sflag:s9] =	ssyncadd.s32 @!p0 $0xFFFFEC00;
	s0 =	sshll.u32 s0, $0x3;
	s9 =	sadd.s32 s2, s15  }
0x42: {  	[tilespmem:s10], [sflag:$0x3] =	stream.linear.gather [hbm4b:s9+s16], $0x28, $0x38;
	[tilespmem:$0x1BC00] =	vst v63  }
0x43: {  	s0 =	sand.u32 $0xFFFFF80, s0;
	s10 =	sadd.s32 s3, s15;
	s15 =	simm.s32 $0x14300  }
0x44: {  	[tilespmem:s15], [sflag:$0x3] =	stream.linear.gather [hbm4b:s10+s16], $0x28, $0x38;
	[tilespmem:$0x1BC00] =	vst v63  }
0x45: {  	s0 =	sadd.s32 s7, s0;
	s15 =	simm.s32 $0x15800  }
0x46: {  	[tilespmem:s15], [sflag:$0x3] =	stream.linear.gather [hbm4b:s0+s16], $0xA00, $0x38;
	[tilespmem:$0x1BC00] =	vst v63  }
0x47: {  	_ =	swait.ge [sflag:s12], $0x28  }
0x48: {  	[sflag:s12] =	ssyncset.done $0x0  }
0x49: {  	[sflag:s12] =	ssyncadd.s32 $0xFFFFFFD8  }
0x4a: {  	_ =	swait.ge [sflag:s12], $0x28  }
0x4b: {  	[sflag:s12] =	ssyncset.done $0x0  }
0x4c: {  	[sflag:s12] =	ssyncadd.s32 $0xFFFFFFD8  }
0x4d: {  	_ =	swait.ge [sflag:s12], $0xA00  }
0x4e: {  	[sflag:s12] =	ssyncset.done $0x0  }
0x4f: {  	[sflag:s12] =	ssyncadd.s32 $0xFFFFF600  }
0x50: {  	[tilespmem:s13], [sflag:$0x6] =	stream.indirect.gather [hbm4b:s1+s31], $0x80, s26, s31, $0xb8;
	[tilespmem:$0x1BC00] =	vst v63  }
0x51: {  	_ =	swait.ge [sflag:s14], $0x1400  }
0x52: {  	s9 =	sand.u32 $0x1F00, s16;
	[sflag:s14] =	ssyncset.done $0x0  }
0x53: {  	s0 =	sshrl.u32 s9, $0x1;
	[sflag:s14] =	ssyncadd.s32 $0xFFFFEC00  }
0x54: {  	s15 =	simm.s32 $0x16C40;
	v0 =	vld [tilespmem:s0+$0x14400]  }
0x55: {  	v1 =	vld [tilespmem:s15+$0xFFFFFFC0]  }
0x56: {  	v2 =	vld [tilespmem:s15+$0xFFFFFFD0];
	_ =	sdelay $0x2  }
0x57: {  	v3 =	vunpack.i.l.bf16.f32 v0  }
0x58: {  	v0 =	vunpack.i.u.bf16.f32 v0;
	v1 =	vmul.f32 v1, v3  }
0x59: {  	v0 =	vmul.f32 v2, v0  }
0x5a: {  	[tilespmem:s15+$0xFFFFFFC0] =	vst v1  }
0x5b: {  	s0 =	sadd.s32 $0x14400, s0;
	[tilespmem:s15+$0xFFFFFFD0] =	vst v0  }
0x5c: {  	v0 =	vld [tilespmem:s0+$0x20]  }
0x5d: {  	v1 =	vld [tilespmem:s15+$0xFFFFFFE0]  }
0x5e: {  	v2 =	vld [tilespmem:s15+$0xFFFFFFF0];
	_ =	sdelay $0x2  }
0x5f: {  	p1 =	por $0x0, $0x0;
	s0 =	simm.s32 $0x1;
	v3 =	vunpack.i.l.bf16.f32 v0  }
0x60: {  	s0 =	simm.s32 @!p1 $0x0;
	v0 =	vunpack.i.u.bf16.f32 v0;
	v1 =	vmul.f32 v1, v3  }
0x61: {  	s0 =	sadd.s32 $0x0, s0;
	v0 =	vmul.f32 v2, v0  }
0x62: {  	s10 =	sor.u32 $0x80, s0;
	[tilespmem:s15+$0xFFFFFFE0] =	vst v1  }
0x63: {  	s9 =	sshra.s32 s10, $0x1;
	[tilespmem:s15+$0xFFFFFFF0] =	vst v0  }
0x64: {  	v0 =	vld [tilespmem:s9+$0x14400]  }
0x65: {  	v1 =	vld [tilespmem:s15+$0x10]  }
0x66: {  	v2 =	vld [tilespmem:s15+$0x0];
	_ =	sdelay $0x2  }
0x67: {  	v3 =	vunpack.i.u.bf16.f32 v0  }
0x68: {  	v0 =	vunpack.i.l.bf16.f32 v0;
	v1 =	vmul.f32 v1, v3  }
0x69: {  	v0 =	vmul.f32 v2, v0  }
0x6a: {  	s0 =	sor.u32 $0xC0, s0;
	[tilespmem:s15+$0x10] =	vst v1  }
0x6b: {  	s0 =	sshra.s32 s0, $0x1;
	[tilespmem:s15+$0x0] =	vst v0  }
0x6c: {  	v0 =	vld [tilespmem:s0+$0x14400]  }
0x6d: {  	v1 =	vld [tilespmem:s15+$0x20]  }
0x6e: {  	v2 =	vld [tilespmem:s15+$0x30];
	_ =	sdelay $0x2  }
0x6f: {  	v3 =	vunpack.i.l.bf16.f32 v0  }
0x70: {  	v0 =	vunpack.i.u.bf16.f32 v0;
	v1 =	vmul.f32 v1, v3  }
0x71: {  	s9 =	simm.s32 $0x80;
	v0 =	vmul.f32 v2, v0  }
0x72: {  	s16 =	sand.u32 $0x1F00, s9;
	[tilespmem:s15+$0x20] =	vst v1  }
0x73: {  	s16 =	sshrl.u32 s16, $0x1;
	[tilespmem:s15+$0x30] =	vst v0  }
0x74: {  	s0 =	simm.s32 $0x16CC0;
	s15 =	simm.s32 $0x2;
	v0 =	vld [tilespmem:s16+$0x14400]  }
.LBB2_3:
0x75: {  	p2 =	sne.s32 s15, $0x27;
	v1 =	vld [tilespmem:s0+$0xFFFFFFC0]  }
0x76: {  	v2 =	vld [tilespmem:s0+$0xFFFFFFD0];
	_ =	sdelay $0x2  }
0x77: {  	v3 =	vunpack.i.l.bf16.f32 v0  }
0x78: {  	v0 =	vunpack.i.u.bf16.f32 v0;
	v1 =	vmul.f32 v1, v3  }
0x79: {  	v0 =	vmul.f32 v2, v0  }
0x7a: {  	[tilespmem:s0+$0xFFFFFFC0] =	vst v1  }
0x7b: {  	s16 =	sadd.s32 $0x14400, s16;
	[tilespmem:s0+$0xFFFFFFD0] =	vst v0  }
0x7c: {  	v0 =	vld [tilespmem:s16+$0x20]  }
0x7d: {  	v1 =	vld [tilespmem:s0+$0xFFFFFFE0]  }
0x7e: {  	v2 =	vld [tilespmem:s0+$0xFFFFFFF0];
	_ =	sdelay $0x2  }
0x7f: {  	p1 =	por !p1, !p1;
	s16 =	simm.s32 $0x1;
	v3 =	vunpack.i.l.bf16.f32 v0  }
0x80: {  	s16 =	simm.s32 @!p1 $0x0;
	v0 =	vunpack.i.u.bf16.f32 v0;
	v1 =	vmul.f32 v1, v3  }
0x81: {  	s16 =	sadd.s32 s16, s9;
	v0 =	vmul.f32 v2, v0  }
0x82: {  	s10 =	sor.u32 $0x80, s16;
	[tilespmem:s0+$0xFFFFFFE0] =	vst v1  }
0x83: {  	s10 =	sshra.s32 s10, $0x1;
	[tilespmem:s0+$0xFFFFFFF0] =	vst v0;
	v0 =	vld [tilespmem:s0+$0x10]  }
0x84: {  	v1 =	vld [tilespmem:s10+$0x14400]  }
0x85: {  	v2 =	vld [tilespmem:s0+$0x0];
	_ =	sdelay $0x3  }
0x86: {  	v3 =	vunpack.i.u.bf16.f32 v1;
	v1 =	vunpack.i.l.bf16.f32 v1  }
0x87: {  	v1 =	vmul.f32 v2, v1;
	v0 =	vmul.f32 v0, v3;
	_ =	sdelay $0x1  }
0x88: {  	s10 =	sor.u32 $0xC0, s16;
	[tilespmem:s0+$0x10] =	vst v0  }
0x89: {  	s10 =	sshra.s32 s10, $0x1;
	[tilespmem:s0+$0x0] =	vst v1;
	v0 =	vld [tilespmem:s0+$0x30]  }
0x8a: {  	v1 =	vld [tilespmem:s10+$0x14400]  }
0x8b: {  	v2 =	vld [tilespmem:s0+$0x20];
	_ =	sdelay $0x3  }
0x8c: {  	v3 =	vunpack.i.u.bf16.f32 v1;
	v1 =	vunpack.i.l.bf16.f32 v1  }
.Ltmp0:
0x8d: {  	v1 =	vmul.f32 v2, v1;
	v0 =	vmul.f32 v0, v3;
	(pc) =	sbr.rel @p2 .LBB2_3-.Ltmp0, $4  }
0x8e: {  	s9 =	sadd.s32 $0x80, s9  }
0x8f: {  	s10 =	sand.u32 $0x1F00, s9;
	[tilespmem:s0+$0x20] =	vst v1  }
0x90: {  	s16 =	sshrl.u32 s10, $0x1;
	[tilespmem:s0+$0x30] =	vst v0  }
0x91: {  	s15 =	sadd.s32 $0x1, s15;
	s0 =	sadd.s32 $0x80, s0;
	v0 =	vld [tilespmem:s16+$0x14400]  }
0x92: {  	v1 =	vld [tilespmem:s0+$0xFFFFFFC0]  }
0x93: {  	v2 =	vld [tilespmem:s0+$0xFFFFFFD0];
	_ =	sdelay $0x2  }
0x94: {  	v3 =	vunpack.i.l.bf16.f32 v0  }
0x95: {  	v0 =	vunpack.i.u.bf16.f32 v0;
	v1 =	vmul.f32 v1, v3  }
0x96: {  	v0 =	vmul.f32 v2, v0  }
0x97: {  	[tilespmem:s0+$0xFFFFFFC0] =	vst v1  }
0x98: {  	s10 =	sadd.s32 $0x14400, s16;
	[tilespmem:s0+$0xFFFFFFD0] =	vst v0  }
0x99: {  	v0 =	vld [tilespmem:s10+$0x20]  }
0x9a: {  	v1 =	vld [tilespmem:s0+$0xFFFFFFE0]  }
0x9b: {  	v2 =	vld [tilespmem:s0+$0xFFFFFFF0];
	_ =	sdelay $0x2  }
0x9c: {  	p1 =	por !p1, !p1;
	s10 =	simm.s32 $0x1;
	v3 =	vunpack.i.l.bf16.f32 v0  }
0x9d: {  	s10 =	simm.s32 @!p1 $0x0;
	v0 =	vunpack.i.u.bf16.f32 v0;
	v1 =	vmul.f32 v1, v3  }
0x9e: {  	s9 =	sadd.s32 s10, s9;
	v0 =	vmul.f32 v2, v0  }
0x9f: {  	s10 =	sor.u32 $0x80, s9;
	[tilespmem:s0+$0xFFFFFFE0] =	vst v1  }
0xa0: {  	s10 =	sshra.s32 s10, $0x1;
	[tilespmem:s0+$0xFFFFFFF0] =	vst v0  }
0xa1: {  	v0 =	vld [tilespmem:s10+$0x14400]  }
0xa2: {  	v1 =	vld [tilespmem:s0+$0x10]  }
0xa3: {  	v2 =	vld [tilespmem:s0+$0x0];
	_ =	sdelay $0x2  }
0xa4: {  	v3 =	vunpack.i.u.bf16.f32 v0  }
0xa5: {  	v0 =	vunpack.i.l.bf16.f32 v0;
	v1 =	vmul.f32 v1, v3  }
0xa6: {  	v0 =	vmul.f32 v2, v0  }
0xa7: {  	s9 =	sor.u32 $0xC0, s9;
	[tilespmem:s0+$0x10] =	vst v1  }
0xa8: {  	s9 =	sshra.s32 s9, $0x1;
	[tilespmem:s0+$0x0] =	vst v0  }
0xa9: {  	v0 =	vld [tilespmem:s9+$0x14400]  }
0xaa: {  	v1 =	vld [tilespmem:s0+$0x20]  }
0xab: {  	v2 =	vld [tilespmem:s0+$0x30];
	_ =	sdelay $0x2  }
0xac: {  	v3 =	vunpack.i.l.bf16.f32 v0  }
0xad: {  	v0 =	vunpack.i.u.bf16.f32 v0;
	v1 =	vmul.f32 v1, v3  }
0xae: {  	v0 =	vmul.f32 v2, v0  }
0xaf: {  	[tilespmem:s0+$0x20] =	vst v1  }
0xb0: {  	[tilespmem:s0+$0x30] =	vst v0;
	s0 =	sadd.s32 @!p0 $0x78, s18  }
0xb1: {  	[spmem:s5] =	stream.indirect.scatter.add.f32 [tilespmem:s4], [sflag:$0x9], $0x80, s24, s31, $0xb8;
	[tilespmem:$0x1BC00] =	vst v63  }
0xb2: {  	s9 =	simm.s32 @!p0 $0xC;
	s0 =	simm.s32 @p0 $0x78  }
0xb3: {  	s15 =	simm.s32 $0x0;
	_ =	swait.ge @!p0 [sflag:s9], $0x1400;
	s0 =	sadd.s32 s8, s0  }
0xb4: {  	s18 =	simm.s32 $0x14180;
	[sflag:s9] =	ssyncset.done @!p0 $0x0;
	s10 =	sshrl.u32 s0, $0x3  }
0xb5: {  	s0 =	sshll.u32 s0, $0x3;
	[sflag:s9] =	ssyncadd.s32 @!p0 $0xFFFFEC00;
	s16 =	sadd.s32 s2, s10  }
0xb6: {  	[tilespmem:s18], [sflag:$0x4] =	stream.linear.gather [hbm4b:s16+s15], $0x28, $0x38;
	[tilespmem:$0x1BC00] =	vst v63  }
0xb7: {  	s0 =	sand.u32 $0xFFFFFC0, s0;
	s16 =	sadd.s32 s3, s10;
	s18 =	simm.s32 $0x14380  }
0xb8: {  	[tilespmem:s18], [sflag:$0x4] =	stream.linear.gather [hbm4b:s16+s15], $0x28, $0x38;
	[tilespmem:$0x1BC00] =	vst v63  }
0xb9: {  	s0 =	sadd.s32 s7, s0;
	s10 =	simm.s32 $0x16200  }
0xba: {  	[tilespmem:s10], [sflag:$0x4] =	stream.linear.gather [hbm4b:s0+s15], $0xA00, $0x38;
	[tilespmem:$0x1BC00] =	vst v63  }
0xbb: {  	_ =	swait.ge [sflag:s20], $0x28  }
0xbc: {  	[sflag:s20] =	ssyncset.done $0x0  }
0xbd: {  	[sflag:s20] =	ssyncadd.s32 $0xFFFFFFD8  }
0xbe: {  	_ =	swait.ge [sflag:s20], $0x28  }
0xbf: {  	[sflag:s20] =	ssyncset.done $0x0  }
0xc0: {  	[sflag:s20] =	ssyncadd.s32 $0xFFFFFFD8  }
0xc1: {  	_ =	swait.ge [sflag:s20], $0xA00  }
0xc2: {  	[sflag:s20] =	ssyncset.done $0x0  }
0xc3: {  	s16 =	simm.s32 $0x14100;
	s18 =	simm.s32 $0x19400;
	[sflag:s20] =	ssyncadd.s32 $0xFFFFF600  }
0xc4: {  	[tilespmem:s18], [sflag:$0x7] =	stream.indirect.gather [hbm4b:s1+s31], $0x80, s16, s31, $0xb8;
	[tilespmem:$0x1BC00] =	vst v63  }
0xc5: {  	_ =	swait.ge [sflag:s21], $0x1400  }
0xc6: {  	s10 =	sand.u32 $0x1F00, s15;
	[sflag:s21] =	ssyncset.done $0x0  }
0xc7: {  	s0 =	sshrl.u32 s10, $0x1;
	[sflag:s21] =	ssyncadd.s32 $0xFFFFEC00  }
0xc8: {  	s15 =	simm.s32 $0x18040;
	v0 =	vld [tilespmem:s0+$0x14E00]  }
0xc9: {  	v1 =	vld [tilespmem:s15+$0xFFFFFFC0]  }
0xca: {  	v2 =	vld [tilespmem:s15+$0xFFFFFFD0];
	_ =	sdelay $0x2  }
0xcb: {  	v3 =	vunpack.i.l.bf16.f32 v0  }
0xcc: {  	v0 =	vunpack.i.u.bf16.f32 v0;
	v1 =	vmul.f32 v1, v3  }
0xcd: {  	v0 =	vmul.f32 v2, v0  }
0xce: {  	[tilespmem:s15+$0xFFFFFFC0] =	vst v1  }
0xcf: {  	s0 =	sadd.s32 $0x14E00, s0;
	[tilespmem:s15+$0xFFFFFFD0] =	vst v0  }
0xd0: {  	v0 =	vld [tilespmem:s0+$0x20]  }
0xd1: {  	v1 =	vld [tilespmem:s15+$0xFFFFFFE0]  }
0xd2: {  	v2 =	vld [tilespmem:s15+$0xFFFFFFF0];
	_ =	sdelay $0x2  }
0xd3: {  	p0 =	por $0x0, $0x0;
	s0 =	simm.s32 $0x1;
	v3 =	vunpack.i.l.bf16.f32 v0  }
0xd4: {  	s0 =	simm.s32 @!p0 $0x0;
	v0 =	vunpack.i.u.bf16.f32 v0;
	v1 =	vmul.f32 v1, v3  }
0xd5: {  	s0 =	sadd.s32 $0x0, s0;
	v0 =	vmul.f32 v2, v0  }
0xd6: {  	s16 =	sor.u32 $0x80, s0;
	[tilespmem:s15+$0xFFFFFFE0] =	vst v1  }
0xd7: {  	s9 =	sshra.s32 s16, $0x1;
	[tilespmem:s15+$0xFFFFFFF0] =	vst v0  }
0xd8: {  	v0 =	vld [tilespmem:s9+$0x14E00]  }
0xd9: {  	v1 =	vld [tilespmem:s15+$0x10]  }
0xda: {  	v2 =	vld [tilespmem:s15+$0x0];
	_ =	sdelay $0x2  }
0xdb: {  	v3 =	vunpack.i.u.bf16.f32 v0  }
0xdc: {  	v0 =	vunpack.i.l.bf16.f32 v0;
	v1 =	vmul.f32 v1, v3  }
0xdd: {  	v0 =	vmul.f32 v2, v0  }
0xde: {  	s0 =	sor.u32 $0xC0, s0;
	[tilespmem:s15+$0x10] =	vst v1  }
0xdf: {  	s0 =	sshra.s32 s0, $0x1;
	[tilespmem:s15+$0x0] =	vst v0  }
0xe0: {  	v0 =	vld [tilespmem:s0+$0x14E00]  }
0xe1: {  	v1 =	vld [tilespmem:s15+$0x20]  }
0xe2: {  	v2 =	vld [tilespmem:s15+$0x30];
	_ =	sdelay $0x2  }
0xe3: {  	v3 =	vunpack.i.l.bf16.f32 v0  }
0xe4: {  	v0 =	vunpack.i.u.bf16.f32 v0;
	v1 =	vmul.f32 v1, v3  }
0xe5: {  	s9 =	simm.s32 $0x80;
	v0 =	vmul.f32 v2, v0  }
0xe6: {  	s18 =	sand.u32 $0x1F00, s9;
	[tilespmem:s15+$0x20] =	vst v1  }
0xe7: {  	s16 =	sshrl.u32 s18, $0x1;
	[tilespmem:s15+$0x30] =	vst v0  }
0xe8: {  	s0 =	simm.s32 $0x180C0;
	s15 =	simm.s32 $0x2;
	v0 =	vld [tilespmem:s16+$0x14E00]  }
.LBB2_5:
0xe9: {  	p1 =	sne.s32 s15, $0x27;
	v1 =	vld [tilespmem:s0+$0xFFFFFFC0]  }
0xea: {  	v2 =	vld [tilespmem:s0+$0xFFFFFFD0];
	_ =	sdelay $0x2  }
0xeb: {  	v3 =	vunpack.i.l.bf16.f32 v0  }
0xec: {  	v0 =	vunpack.i.u.bf16.f32 v0;
	v1 =	vmul.f32 v1, v3  }
0xed: {  	v0 =	vmul.f32 v2, v0  }
0xee: {  	[tilespmem:s0+$0xFFFFFFC0] =	vst v1  }
0xef: {  	s10 =	sadd.s32 $0x14E00, s16;
	[tilespmem:s0+$0xFFFFFFD0] =	vst v0  }
0xf0: {  	v0 =	vld [tilespmem:s10+$0x20]  }
0xf1: {  	v1 =	vld [tilespmem:s0+$0xFFFFFFE0]  }
0xf2: {  	v2 =	vld [tilespmem:s0+$0xFFFFFFF0];
	_ =	sdelay $0x2  }
0xf3: {  	p0 =	por !p0, !p0;
	s10 =	simm.s32 $0x1;
	v3 =	vunpack.i.l.bf16.f32 v0  }
0xf4: {  	s10 =	simm.s32 @!p0 $0x0;
	v0 =	vunpack.i.u.bf16.f32 v0;
	v1 =	vmul.f32 v1, v3  }
0xf5: {  	s10 =	sadd.s32 s10, s9;
	v0 =	vmul.f32 v2, v0  }
0xf6: {  	s16 =	sor.u32 $0x80, s10;
	[tilespmem:s0+$0xFFFFFFE0] =	vst v1  }
0xf7: {  	s16 =	sshra.s32 s16, $0x1;
	[tilespmem:s0+$0xFFFFFFF0] =	vst v0;
	v0 =	vld [tilespmem:s0+$0x10]  }
0xf8: {  	v1 =	vld [tilespmem:s16+$0x14E00]  }
0xf9: {  	v2 =	vld [tilespmem:s0+$0x0];
	_ =	sdelay $0x3  }
0xfa: {  	v3 =	vunpack.i.u.bf16.f32 v1;
	v1 =	vunpack.i.l.bf16.f32 v1  }
0xfb: {  	v1 =	vmul.f32 v2, v1;
	v0 =	vmul.f32 v0, v3;
	_ =	sdelay $0x1  }
0xfc: {  	s10 =	sor.u32 $0xC0, s10;
	[tilespmem:s0+$0x10] =	vst v0  }
0xfd: {  	s10 =	sshra.s32 s10, $0x1;
	[tilespmem:s0+$0x0] =	vst v1;
	v0 =	vld [tilespmem:s0+$0x30]  }
0xfe: {  	v1 =	vld [tilespmem:s10+$0x14E00]  }
0xff: {  	v2 =	vld [tilespmem:s0+$0x20];
	_ =	sdelay $0x3  }
0x100: {  	v3 =	vunpack.i.u.bf16.f32 v1;
	v1 =	vunpack.i.l.bf16.f32 v1  }
.Ltmp1:
0x101: {  	v1 =	vmul.f32 v2, v1;
	v0 =	vmul.f32 v0, v3;
	(pc) =	sbr.rel @p1 .LBB2_5-.Ltmp1, $4  }
0x102: {  	s9 =	sadd.s32 $0x80, s9  }
0x103: {  	s10 =	sand.u32 $0x1F00, s9;
	[tilespmem:s0+$0x20] =	vst v1  }
0x104: {  	s16 =	sshrl.u32 s10, $0x1;
	[tilespmem:s0+$0x30] =	vst v0  }
0x105: {  	s15 =	sadd.s32 $0x1, s15;
	s0 =	sadd.s32 $0x80, s0;
	v0 =	vld [tilespmem:s16+$0x14E00]  }
0x106: {  	v1 =	vld [tilespmem:s0+$0xFFFFFFC0]  }
0x107: {  	v2 =	vld [tilespmem:s0+$0xFFFFFFD0];
	_ =	sdelay $0x2  }
0x108: {  	v3 =	vunpack.i.l.bf16.f32 v0  }
0x109: {  	v0 =	vunpack.i.u.bf16.f32 v0;
	v1 =	vmul.f32 v1, v3  }
0x10a: {  	v0 =	vmul.f32 v2, v0  }
0x10b: {  	[tilespmem:s0+$0xFFFFFFC0] =	vst v1  }
0x10c: {  	s10 =	sadd.s32 $0x14E00, s16;
	[tilespmem:s0+$0xFFFFFFD0] =	vst v0  }
0x10d: {  	v0 =	vld [tilespmem:s10+$0x20]  }
0x10e: {  	v1 =	vld [tilespmem:s0+$0xFFFFFFE0]  }
0x10f: {  	v2 =	vld [tilespmem:s0+$0xFFFFFFF0];
	_ =	sdelay $0x2  }
0x110: {  	p0 =	por !p0, !p0;
	s10 =	simm.s32 $0x1;
	v3 =	vunpack.i.l.bf16.f32 v0  }
0x111: {  	s10 =	simm.s32 @!p0 $0x0;
	v0 =	vunpack.i.u.bf16.f32 v0;
	v1 =	vmul.f32 v1, v3  }
0x112: {  	s9 =	sadd.s32 s10, s9;
	v0 =	vmul.f32 v2, v0  }
0x113: {  	s10 =	sor.u32 $0x80, s9;
	[tilespmem:s0+$0xFFFFFFE0] =	vst v1  }
0x114: {  	s10 =	sshra.s32 s10, $0x1;
	[tilespmem:s0+$0xFFFFFFF0] =	vst v0  }
0x115: {  	v0 =	vld [tilespmem:s10+$0x14E00]  }
0x116: {  	v1 =	vld [tilespmem:s0+$0x10]  }
0x117: {  	v2 =	vld [tilespmem:s0+$0x0];
	_ =	sdelay $0x2  }
0x118: {  	v3 =	vunpack.i.u.bf16.f32 v0  }
0x119: {  	v0 =	vunpack.i.l.bf16.f32 v0;
	v1 =	vmul.f32 v1, v3  }
0x11a: {  	v0 =	vmul.f32 v2, v0  }
0x11b: {  	s9 =	sor.u32 $0xC0, s9;
	[tilespmem:s0+$0x10] =	vst v1  }
0x11c: {  	s9 =	sshra.s32 s9, $0x1;
	[tilespmem:s0+$0x0] =	vst v0  }
0x11d: {  	v0 =	vld [tilespmem:s9+$0x14E00]  }
0x11e: {  	v1 =	vld [tilespmem:s0+$0x20]  }
0x11f: {  	v2 =	vld [tilespmem:s0+$0x30];
	_ =	sdelay $0x2  }
0x120: {  	v3 =	vunpack.i.l.bf16.f32 v0  }
0x121: {  	v0 =	vunpack.i.u.bf16.f32 v0;
	v1 =	vmul.f32 v1, v3  }
0x122: {  	v0 =	vmul.f32 v2, v0  }
0x123: {  	[tilespmem:s0+$0x20] =	vst v1  }
0x124: {  	[tilespmem:s0+$0x30] =	vst v0  }
0x125: {  	[spmem:s5] =	stream.indirect.scatter.add.f32 [tilespmem:s13], [sflag:$0xA], $0x80, s28, s31, $0xb8;
	[tilespmem:$0x1BC00] =	vst v63  }
0x126: {  	s18 =	smul.u32 $0xA0, s17;
	_ =	swait.ge [sflag:s6], $0x1400  }
0x127: {  	s15 =	rddreg [dreg:$0xe]  }
0x128: {  	[sflag:s6] =	ssyncset.done $0x0;
	s0 =	sadd.s32 s18, s15  }
0x129: {  	[sflag:s6] =	ssyncadd.s32 $0xFFFFEC00;
	s9 =	sshrl.u32 s0, $0x3  }
0x12a: {  	s15 =	simm.s32 $0x0;
	s0 =	sshll.u32 s0, $0x3;
	s16 =	sadd.s32 s2, s9  }
0x12b: {  	[tilespmem:s23], [sflag:$0x1] =	stream.linear.gather [hbm4b:s16+s15], $0x28, $0x38;
	[tilespmem:$0x1BC00] =	vst v63  }
0x12c: {  	s9 =	sadd.s32 s3, s9;
	s0 =	sand.u32 $0xFFFFF80, s0  }
0x12d: {  	[tilespmem:s24], [sflag:$0x1] =	stream.linear.gather [hbm4b:s9+s15], $0x28, $0x38;
	[tilespmem:$0x1BC00] =	vst v63  }
0x12e: {  	s0 =	sadd.s32 s7, s0;
	s16 =	simm.s32 $0x14400  }
0x12f: {  	[tilespmem:s16], [sflag:$0x1] =	stream.linear.gather [hbm4b:s0+s15], $0xA00, $0x38;
	[tilespmem:$0x1BC00] =	vst v63  }
0x130: {  	_ =	swait.ge [sflag:s22], $0x28  }
0x131: {  	[sflag:s22] =	ssyncset.done $0x0  }
0x132: {  	[sflag:s22] =	ssyncadd.s32 $0xFFFFFFD8  }
0x133: {  	_ =	swait.ge [sflag:s22], $0x28  }
0x134: {  	[sflag:s22] =	ssyncset.done $0x0  }
0x135: {  	[sflag:s22] =	ssyncadd.s32 $0xFFFFFFD8  }
0x136: {  	_ =	swait.ge [sflag:s22], $0xA00  }
0x137: {  	[sflag:s22] =	ssyncset.done $0x0  }
0x138: {  	s9 =	simm.s32 $0x14180;
	[sflag:s22] =	ssyncadd.s32 $0xFFFFF600  }
0x139: {  	[tilespmem:s11], [sflag:$0x8] =	stream.indirect.gather [hbm4b:s1+s31], $0x80, s9, s31, $0xb8;
	[tilespmem:$0x1BC00] =	vst v63  }
0x13a: {  	_ =	swait.ge [sflag:s19], $0x1400  }
0x13b: {  	s10 =	sand.u32 $0x1F00, s15;
	[sflag:s19] =	ssyncset.done $0x0  }
0x13c: {  	s0 =	sshrl.u32 s10, $0x1;
	[sflag:s19] =	ssyncadd.s32 $0xFFFFEC00  }
0x13d: {  	s10 =	simm.s32 $0x19440;
	v0 =	vld [tilespmem:s0+$0x15800]  }
0x13e: {  	v1 =	vld [tilespmem:s10+$0xFFFFFFC0]  }
0x13f: {  	v2 =	vld [tilespmem:s10+$0xFFFFFFD0];
	_ =	sdelay $0x2  }
0x140: {  	v3 =	vunpack.i.l.bf16.f32 v0  }
0x141: {  	v0 =	vunpack.i.u.bf16.f32 v0;
	v1 =	vmul.f32 v1, v3  }
0x142: {  	v0 =	vmul.f32 v2, v0  }
0x143: {  	[tilespmem:s10+$0xFFFFFFC0] =	vst v1  }
0x144: {  	s0 =	sadd.s32 $0x15800, s0;
	[tilespmem:s10+$0xFFFFFFD0] =	vst v0  }
0x145: {  	v0 =	vld [tilespmem:s0+$0x20]  }
0x146: {  	v1 =	vld [tilespmem:s10+$0xFFFFFFE0]  }
0x147: {  	v2 =	vld [tilespmem:s10+$0xFFFFFFF0];
	_ =	sdelay $0x2  }
0x148: {  	p0 =	por $0x0, $0x0;
	s0 =	simm.s32 $0x1;
	v3 =	vunpack.i.l.bf16.f32 v0  }
0x149: {  	s0 =	simm.s32 @!p0 $0x0;
	v0 =	vunpack.i.u.bf16.f32 v0;
	v1 =	vmul.f32 v1, v3  }
0x14a: {  	s0 =	sadd.s32 $0x0, s0;
	v0 =	vmul.f32 v2, v0  }
0x14b: {  	s15 =	sor.u32 $0x80, s0;
	[tilespmem:s10+$0xFFFFFFE0] =	vst v1  }
0x14c: {  	s9 =	sshra.s32 s15, $0x1;
	[tilespmem:s10+$0xFFFFFFF0] =	vst v0  }
0x14d: {  	v0 =	vld [tilespmem:s9+$0x15800]  }
0x14e: {  	v1 =	vld [tilespmem:s10+$0x10]  }
0x14f: {  	v2 =	vld [tilespmem:s10+$0x0];
	_ =	sdelay $0x2  }
0x150: {  	v3 =	vunpack.i.u.bf16.f32 v0  }
0x151: {  	v0 =	vunpack.i.l.bf16.f32 v0;
	v1 =	vmul.f32 v1, v3  }
0x152: {  	v0 =	vmul.f32 v2, v0  }
0x153: {  	s0 =	sor.u32 $0xC0, s0;
	[tilespmem:s10+$0x10] =	vst v1  }
0x154: {  	s0 =	sshra.s32 s0, $0x1;
	[tilespmem:s10+$0x0] =	vst v0  }
0x155: {  	v0 =	vld [tilespmem:s0+$0x15800]  }
0x156: {  	v1 =	vld [tilespmem:s10+$0x20]  }
0x157: {  	v2 =	vld [tilespmem:s10+$0x30];
	_ =	sdelay $0x2  }
0x158: {  	v3 =	vunpack.i.l.bf16.f32 v0  }
0x159: {  	v0 =	vunpack.i.u.bf16.f32 v0;
	v1 =	vmul.f32 v1, v3  }
0x15a: {  	s9 =	simm.s32 $0x80;
	v0 =	vmul.f32 v2, v0  }
0x15b: {  	s16 =	sand.u32 $0x1F00, s9;
	[tilespmem:s10+$0x20] =	vst v1  }
0x15c: {  	s16 =	sshrl.u32 s16, $0x1;
	[tilespmem:s10+$0x30] =	vst v0  }
0x15d: {  	s15 =	simm.s32 $0x2;
	s0 =	simm.s32 $0x194C0;
	v0 =	vld [tilespmem:s16+$0x15800]  }
.LBB2_7:
0x15e: {  	p1 =	sne.s32 s15, $0x27;
	v1 =	vld [tilespmem:s0+$0xFFFFFFC0]  }
0x15f: {  	v2 =	vld [tilespmem:s0+$0xFFFFFFD0];
	_ =	sdelay $0x2  }
0x160: {  	v3 =	vunpack.i.l.bf16.f32 v0  }
0x161: {  	v0 =	vunpack.i.u.bf16.f32 v0;
	v1 =	vmul.f32 v1, v3  }
0x162: {  	v0 =	vmul.f32 v2, v0  }
0x163: {  	[tilespmem:s0+$0xFFFFFFC0] =	vst v1  }
0x164: {  	s10 =	sadd.s32 $0x15800, s16;
	[tilespmem:s0+$0xFFFFFFD0] =	vst v0  }
0x165: {  	v0 =	vld [tilespmem:s10+$0x20]  }
0x166: {  	v1 =	vld [tilespmem:s0+$0xFFFFFFE0]  }
0x167: {  	v2 =	vld [tilespmem:s0+$0xFFFFFFF0];
	_ =	sdelay $0x2  }
0x168: {  	p0 =	por !p0, !p0;
	s10 =	simm.s32 $0x1;
	v3 =	vunpack.i.l.bf16.f32 v0  }
0x169: {  	s10 =	simm.s32 @!p0 $0x0;
	v0 =	vunpack.i.u.bf16.f32 v0;
	v1 =	vmul.f32 v1, v3  }
0x16a: {  	s10 =	sadd.s32 s10, s9;
	v0 =	vmul.f32 v2, v0  }
0x16b: {  	s16 =	sor.u32 $0x80, s10;
	[tilespmem:s0+$0xFFFFFFE0] =	vst v1  }
0x16c: {  	s16 =	sshra.s32 s16, $0x1;
	[tilespmem:s0+$0xFFFFFFF0] =	vst v0;
	v0 =	vld [tilespmem:s0+$0x10]  }
0x16d: {  	v1 =	vld [tilespmem:s16+$0x15800]  }
0x16e: {  	v2 =	vld [tilespmem:s0+$0x0];
	_ =	sdelay $0x3  }
0x16f: {  	v3 =	vunpack.i.u.bf16.f32 v1;
	v1 =	vunpack.i.l.bf16.f32 v1  }
0x170: {  	v1 =	vmul.f32 v2, v1;
	v0 =	vmul.f32 v0, v3;
	_ =	sdelay $0x1  }
0x171: {  	s10 =	sor.u32 $0xC0, s10;
	[tilespmem:s0+$0x10] =	vst v0  }
0x172: {  	s10 =	sshra.s32 s10, $0x1;
	[tilespmem:s0+$0x0] =	vst v1;
	v0 =	vld [tilespmem:s0+$0x30]  }
0x173: {  	v1 =	vld [tilespmem:s10+$0x15800]  }
0x174: {  	v2 =	vld [tilespmem:s0+$0x20];
	_ =	sdelay $0x3  }
0x175: {  	v3 =	vunpack.i.u.bf16.f32 v1;
	v1 =	vunpack.i.l.bf16.f32 v1  }
.Ltmp2:
0x176: {  	v1 =	vmul.f32 v2, v1;
	v0 =	vmul.f32 v0, v3;
	(pc) =	sbr.rel @p1 .LBB2_7-.Ltmp2, $4  }
0x177: {  	s9 =	sadd.s32 $0x80, s9  }
0x178: {  	s10 =	sand.u32 $0x1F00, s9;
	[tilespmem:s0+$0x20] =	vst v1  }
0x179: {  	s16 =	sshrl.u32 s10, $0x1;
	[tilespmem:s0+$0x30] =	vst v0  }
0x17a: {  	s15 =	sadd.s32 $0x1, s15;
	s0 =	sadd.s32 $0x80, s0;
	v0 =	vld [tilespmem:s16+$0x15800]  }
0x17b: {  	v1 =	vld [tilespmem:s0+$0xFFFFFFC0]  }
0x17c: {  	v2 =	vld [tilespmem:s0+$0xFFFFFFD0];
	_ =	sdelay $0x2  }
0x17d: {  	v3 =	vunpack.i.l.bf16.f32 v0  }
0x17e: {  	v0 =	vunpack.i.u.bf16.f32 v0;
	v1 =	vmul.f32 v1, v3  }
0x17f: {  	v0 =	vmul.f32 v2, v0  }
0x180: {  	[tilespmem:s0+$0xFFFFFFC0] =	vst v1  }
0x181: {  	s10 =	sadd.s32 $0x15800, s16;
	[tilespmem:s0+$0xFFFFFFD0] =	vst v0  }
0x182: {  	v0 =	vld [tilespmem:s10+$0x20]  }
0x183: {  	v1 =	vld [tilespmem:s0+$0xFFFFFFE0]  }
0x184: {  	v2 =	vld [tilespmem:s0+$0xFFFFFFF0];
	_ =	sdelay $0x2  }
0x185: {  	p0 =	por !p0, !p0;
	s10 =	simm.s32 $0x1;
	v3 =	vunpack.i.l.bf16.f32 v0  }
0x186: {  	s10 =	simm.s32 @!p0 $0x0;
	v0 =	vunpack.i.u.bf16.f32 v0;
	v1 =	vmul.f32 v1, v3  }
0x187: {  	s9 =	sadd.s32 s10, s9;
	v0 =	vmul.f32 v2, v0  }
0x188: {  	s10 =	sor.u32 $0x80, s9;
	[tilespmem:s0+$0xFFFFFFE0] =	vst v1  }
0x189: {  	s10 =	sshra.s32 s10, $0x1;
	[tilespmem:s0+$0xFFFFFFF0] =	vst v0  }
0x18a: {  	v0 =	vld [tilespmem:s10+$0x15800]  }
0x18b: {  	v1 =	vld [tilespmem:s0+$0x10]  }
0x18c: {  	v2 =	vld [tilespmem:s0+$0x0];
	_ =	sdelay $0x2  }
0x18d: {  	v3 =	vunpack.i.u.bf16.f32 v0  }
0x18e: {  	v0 =	vunpack.i.l.bf16.f32 v0;
	v1 =	vmul.f32 v1, v3  }
0x18f: {  	v0 =	vmul.f32 v2, v0  }
0x190: {  	s9 =	sor.u32 $0xC0, s9;
	[tilespmem:s0+$0x10] =	vst v1  }
0x191: {  	s9 =	sshra.s32 s9, $0x1;
	[tilespmem:s0+$0x0] =	vst v0  }
0x192: {  	v0 =	vld [tilespmem:s9+$0x15800]  }
0x193: {  	v1 =	vld [tilespmem:s0+$0x20]  }
0x194: {  	v2 =	vld [tilespmem:s0+$0x30];
	_ =	sdelay $0x2  }
0x195: {  	v3 =	vunpack.i.l.bf16.f32 v0  }
0x196: {  	v0 =	vunpack.i.u.bf16.f32 v0;
	v1 =	vmul.f32 v1, v3  }
0x197: {  	v0 =	vmul.f32 v2, v0  }
0x198: {  	[tilespmem:s0+$0x20] =	vst v1  }
0x199: {  	s15 =	simm.s32 $0x19400;
	s10 =	simm.s32 $0x14300;
	[tilespmem:s0+$0x30] =	vst v0  }
0x19a: {  	[spmem:s5] =	stream.indirect.scatter.add.f32 [tilespmem:s15], [sflag:$0xB], $0x80, s10, s31, $0xb8;
	[tilespmem:$0x1BC00] =	vst v63  }
0x19b: {  	_ =	swait.ge [sflag:s25], $0x1400  }
0x19c: {  	s16 =	rddreg [dreg:$0xf]  }
0x19d: {  	s0 =	sadd.s32 s18, s16  }
0x19e: {  	s15 =	simm.s32 $0x0;
	[sflag:s25] =	ssyncset.done $0x0;
	s18 =	sshrl.u32 s0, $0x3  }
0x19f: {  	[sflag:s25] =	ssyncadd.s32 $0xFFFFEC00;
	s0 =	sshll.u32 s0, $0x3;
	s16 =	sadd.s32 s2, s18  }
0x1a0: {  	[tilespmem:s26], [sflag:$0x2] =	stream.linear.gather [hbm4b:s16+s15], $0x28, $0x38;
	[tilespmem:$0x1BC00] =	vst v63  }
0x1a1: {  	s9 =	sadd.s32 s3, s18;
	s0 =	sand.u32 $0xFFFFFC0, s0  }
0x1a2: {  	[tilespmem:s28], [sflag:$0x2] =	stream.linear.gather [hbm4b:s9+s15], $0x28, $0x38;
	[tilespmem:$0x1BC00] =	vst v63  }
0x1a3: {  	s18 =	simm.s32 $0x14E00;
	s0 =	sadd.s32 s7, s0  }
0x1a4: {  	[tilespmem:s18], [sflag:$0x2] =	stream.linear.gather [hbm4b:s0+s15], $0xA00, $0x38;
	[tilespmem:$0x1BC00] =	vst v63  }
0x1a5: {  	_ =	swait.ge [sflag:s30], $0x28  }
0x1a6: {  	[sflag:s30] =	ssyncset.done $0x0  }
0x1a7: {  	[sflag:s30] =	ssyncadd.s32 $0xFFFFFFD8  }
0x1a8: {  	_ =	swait.ge [sflag:s30], $0x28  }
0x1a9: {  	[sflag:s30] =	ssyncset.done $0x0  }
0x1aa: {  	[sflag:s30] =	ssyncadd.s32 $0xFFFFFFD8  }
0x1ab: {  	_ =	swait.ge [sflag:s30], $0xA00  }
0x1ac: {  	[sflag:s30] =	ssyncset.done $0x0  }
0x1ad: {  	[sflag:s30] =	ssyncadd.s32 $0xFFFFF600  }
0x1ae: {  	[tilespmem:s4], [sflag:$0x5] =	stream.indirect.gather [hbm4b:s1+s31], $0x80, s23, s31, $0xb8;
	[tilespmem:$0x1BC00] =	vst v63  }
0x1af: {  	_ =	swait.ge [sflag:s29], $0x1400  }
0x1b0: {  	s10 =	sand.u32 $0x1F00, s15;
	[sflag:s29] =	ssyncset.done $0x0  }
0x1b1: {  	s0 =	sshrl.u32 s10, $0x1;
	[sflag:s29] =	ssyncadd.s32 $0xFFFFEC00  }
0x1b2: {  	s15 =	simm.s32 $0x1A840;
	v0 =	vld [tilespmem:s0+$0x16200]  }
0x1b3: {  	v1 =	vld [tilespmem:s15+$0xFFFFFFC0]  }
0x1b4: {  	v2 =	vld [tilespmem:s15+$0xFFFFFFD0];
	_ =	sdelay $0x2  }
0x1b5: {  	v3 =	vunpack.i.l.bf16.f32 v0  }
0x1b6: {  	v0 =	vunpack.i.u.bf16.f32 v0;
	v1 =	vmul.f32 v1, v3  }
0x1b7: {  	v0 =	vmul.f32 v2, v0  }
0x1b8: {  	[tilespmem:s15+$0xFFFFFFC0] =	vst v1  }
0x1b9: {  	s0 =	sadd.s32 $0x16200, s0;
	[tilespmem:s15+$0xFFFFFFD0] =	vst v0  }
0x1ba: {  	v0 =	vld [tilespmem:s0+$0x20]  }
0x1bb: {  	v1 =	vld [tilespmem:s15+$0xFFFFFFE0]  }
0x1bc: {  	v2 =	vld [tilespmem:s15+$0xFFFFFFF0];
	_ =	sdelay $0x2  }
0x1bd: {  	p0 =	por $0x0, $0x0;
	s0 =	simm.s32 $0x1;
	v3 =	vunpack.i.l.bf16.f32 v0  }
0x1be: {  	s0 =	simm.s32 @!p0 $0x0;
	v0 =	vunpack.i.u.bf16.f32 v0;
	v1 =	vmul.f32 v1, v3  }
0x1bf: {  	s0 =	sadd.s32 $0x0, s0;
	v0 =	vmul.f32 v2, v0  }
0x1c0: {  	s16 =	sor.u32 $0x80, s0;
	[tilespmem:s15+$0xFFFFFFE0] =	vst v1  }
0x1c1: {  	s9 =	sshra.s32 s16, $0x1;
	[tilespmem:s15+$0xFFFFFFF0] =	vst v0  }
0x1c2: {  	v0 =	vld [tilespmem:s9+$0x16200]  }
0x1c3: {  	v1 =	vld [tilespmem:s15+$0x10]  }
0x1c4: {  	v2 =	vld [tilespmem:s15+$0x0];
	_ =	sdelay $0x2  }
0x1c5: {  	v3 =	vunpack.i.u.bf16.f32 v0  }
0x1c6: {  	v0 =	vunpack.i.l.bf16.f32 v0;
	v1 =	vmul.f32 v1, v3  }
0x1c7: {  	v0 =	vmul.f32 v2, v0  }
0x1c8: {  	s0 =	sor.u32 $0xC0, s0;
	[tilespmem:s15+$0x10] =	vst v1  }
0x1c9: {  	s0 =	sshra.s32 s0, $0x1;
	[tilespmem:s15+$0x0] =	vst v0  }
0x1ca: {  	v0 =	vld [tilespmem:s0+$0x16200]  }
0x1cb: {  	v1 =	vld [tilespmem:s15+$0x20]  }
0x1cc: {  	v2 =	vld [tilespmem:s15+$0x30];
	_ =	sdelay $0x2  }
0x1cd: {  	v3 =	vunpack.i.l.bf16.f32 v0  }
0x1ce: {  	v0 =	vunpack.i.u.bf16.f32 v0;
	v1 =	vmul.f32 v1, v3  }
0x1cf: {  	s9 =	simm.s32 $0x80;
	v0 =	vmul.f32 v2, v0  }
0x1d0: {  	s18 =	sand.u32 $0x1F00, s9;
	[tilespmem:s15+$0x20] =	vst v1  }
0x1d1: {  	s16 =	sshrl.u32 s18, $0x1;
	[tilespmem:s15+$0x30] =	vst v0  }
0x1d2: {  	s0 =	simm.s32 $0x1A8C0;
	s15 =	simm.s32 $0x2;
	v0 =	vld [tilespmem:s16+$0x16200]  }
.LBB2_9:
0x1d3: {  	p1 =	sne.s32 s15, $0x27;
	v1 =	vld [tilespmem:s0+$0xFFFFFFC0]  }
0x1d4: {  	v2 =	vld [tilespmem:s0+$0xFFFFFFD0];
	_ =	sdelay $0x2  }
0x1d5: {  	v3 =	vunpack.i.l.bf16.f32 v0  }
0x1d6: {  	v0 =	vunpack.i.u.bf16.f32 v0;
	v1 =	vmul.f32 v1, v3  }
0x1d7: {  	v0 =	vmul.f32 v2, v0  }
0x1d8: {  	[tilespmem:s0+$0xFFFFFFC0] =	vst v1  }
0x1d9: {  	s10 =	sadd.s32 $0x16200, s16;
	[tilespmem:s0+$0xFFFFFFD0] =	vst v0  }
0x1da: {  	v0 =	vld [tilespmem:s10+$0x20]  }
0x1db: {  	v1 =	vld [tilespmem:s0+$0xFFFFFFE0]  }
0x1dc: {  	v2 =	vld [tilespmem:s0+$0xFFFFFFF0];
	_ =	sdelay $0x2  }
0x1dd: {  	p0 =	por !p0, !p0;
	s10 =	simm.s32 $0x1;
	v3 =	vunpack.i.l.bf16.f32 v0  }
0x1de: {  	s10 =	simm.s32 @!p0 $0x0;
	v0 =	vunpack.i.u.bf16.f32 v0;
	v1 =	vmul.f32 v1, v3  }
0x1df: {  	s10 =	sadd.s32 s10, s9;
	v0 =	vmul.f32 v2, v0  }
0x1e0: {  	s16 =	sor.u32 $0x80, s10;
	[tilespmem:s0+$0xFFFFFFE0] =	vst v1  }
0x1e1: {  	s16 =	sshra.s32 s16, $0x1;
	[tilespmem:s0+$0xFFFFFFF0] =	vst v0;
	v0 =	vld [tilespmem:s0+$0x10]  }
0x1e2: {  	v1 =	vld [tilespmem:s16+$0x16200]  }
0x1e3: {  	v2 =	vld [tilespmem:s0+$0x0];
	_ =	sdelay $0x3  }
0x1e4: {  	v3 =	vunpack.i.u.bf16.f32 v1;
	v1 =	vunpack.i.l.bf16.f32 v1  }
0x1e5: {  	v1 =	vmul.f32 v2, v1;
	v0 =	vmul.f32 v0, v3;
	_ =	sdelay $0x1  }
0x1e6: {  	s10 =	sor.u32 $0xC0, s10;
	[tilespmem:s0+$0x10] =	vst v0  }
0x1e7: {  	s10 =	sshra.s32 s10, $0x1;
	[tilespmem:s0+$0x0] =	vst v1;
	v0 =	vld [tilespmem:s0+$0x30]  }
0x1e8: {  	v1 =	vld [tilespmem:s10+$0x16200]  }
0x1e9: {  	v2 =	vld [tilespmem:s0+$0x20];
	_ =	sdelay $0x3  }
0x1ea: {  	v3 =	vunpack.i.u.bf16.f32 v1;
	v1 =	vunpack.i.l.bf16.f32 v1  }
.Ltmp3:
0x1eb: {  	v1 =	vmul.f32 v2, v1;
	v0 =	vmul.f32 v0, v3;
	(pc) =	sbr.rel @p1 .LBB2_9-.Ltmp3, $4  }
0x1ec: {  	s9 =	sadd.s32 $0x80, s9  }
0x1ed: {  	s10 =	sand.u32 $0x1F00, s9;
	[tilespmem:s0+$0x20] =	vst v1  }
0x1ee: {  	s16 =	sshrl.u32 s10, $0x1;
	[tilespmem:s0+$0x30] =	vst v0  }
0x1ef: {  	s15 =	sadd.s32 $0x1, s15;
	s0 =	sadd.s32 $0x80, s0;
	v0 =	vld [tilespmem:s16+$0x16200]  }
0x1f0: {  	v1 =	vld [tilespmem:s0+$0xFFFFFFC0]  }
0x1f1: {  	v2 =	vld [tilespmem:s0+$0xFFFFFFD0];
	_ =	sdelay $0x2  }
0x1f2: {  	v3 =	vunpack.i.l.bf16.f32 v0  }
0x1f3: {  	v54 =	vunpack.i.u.bf16.f32 v0;
	v1 =	vmul.f32 v1, v3  }
0x1f4: {  	v0 =	vmul.f32 v2, v54  }
0x1f5: {  	[tilespmem:s0+$0xFFFFFFC0] =	vst v1  }
0x1f6: {  	s10 =	sadd.s32 $0x16200, s16;
	[tilespmem:s0+$0xFFFFFFD0] =	vst v0  }
0x1f7: {  	v0 =	vld [tilespmem:s10+$0x20]  }
0x1f8: {  	v55 =	vld [tilespmem:s0+$0xFFFFFFE0]  }
0x1f9: {  	v56 =	vld [tilespmem:s0+$0xFFFFFFF0];
	_ =	sdelay $0x2  }
0x1fa: {  	p0 =	por !p0, !p0;
	s10 =	simm.s32 $0x1;
	v57 =	vunpack.i.l.bf16.f32 v0  }
0x1fb: {  	s10 =	simm.s32 @!p0 $0x0;
	v0 =	vunpack.i.u.bf16.f32 v0;
	v1 =	vmul.f32 v55, v57  }
0x1fc: {  	s9 =	sadd.s32 s10, s9;
	v0 =	vmul.f32 v56, v0  }
0x1fd: {  	s10 =	sor.u32 $0x80, s9;
	[tilespmem:s0+$0xFFFFFFE0] =	vst v1  }
0x1fe: {  	s10 =	sshra.s32 s10, $0x1;
	[tilespmem:s0+$0xFFFFFFF0] =	vst v0  }
0x1ff: {  	v0 =	vld [tilespmem:s10+$0x16200]  }
0x200: {  	v58 =	vld [tilespmem:s0+$0x10]  }
0x201: {  	v59 =	vld [tilespmem:s0+$0x0];
	_ =	sdelay $0x2  }
0x202: {  	v60 =	vunpack.i.u.bf16.f32 v0  }
0x203: {  	v0 =	vunpack.i.l.bf16.f32 v0;
	v1 =	vmul.f32 v58, v60  }
0x204: {  	v0 =	vmul.f32 v59, v0  }
0x205: {  	s9 =	sor.u32 $0xC0, s9;
	[tilespmem:s0+$0x10] =	vst v1  }
0x206: {  	s9 =	sshra.s32 s9, $0x1;
	[tilespmem:s0+$0x0] =	vst v0  }
0x207: {  	v0 =	vld [tilespmem:s9+$0x16200]  }
0x208: {  	v61 =	vld [tilespmem:s0+$0x20]  }
0x209: {  	v62 =	vld [tilespmem:s0+$0x30];
	_ =	sdelay $0x1  }
0x20a: {  	s17 =	sadd.s32 $0x1, s17  }
0x20b: {  	p0 =	sne.s32 s17, $0x3E;
	v63 =	vunpack.i.l.bf16.f32 v0  }
.Ltmp4:
0x20c: {  	v0 =	vunpack.i.u.bf16.f32 v0;
	v1 =	vmul.f32 v61, v63;
	(pc) =	sbr.rel @p0 .LBB2_2-.Ltmp4, $4  }
0x20d: {  	v0 =	vmul.f32 v62, v0  }
0x20e: {  	[tilespmem:s0+$0x20] =	vst v1  }
0x20f: {  	s18 =	simm.s32 $0x14380;
	[tilespmem:s0+$0x30] =	vst v0  }
0x210: {  	[spmem:s5] =	stream.indirect.scatter.add.f32 [tilespmem:s11], [sflag:$0xC], $0x80, s18, s31, $0xb8;
	[tilespmem:$0x1BC00] =	vst v63  }
0x211: {  	s0 =	simm.s32 $0xB  }
0x212: {  	_ =	swait.ge [sflag:s0], $0x1400  }
0x213: {  	[sflag:s0] =	ssyncset.done $0x0  }
0x214: {  	[sflag:s0] =	ssyncadd.s32 $0xFFFFEC00  }
0x215: {  	_ =	swait.ge [sflag:s12], $0x28  }
0x216: {  	[sflag:s12] =	ssyncset.done $0x0  }
0x217: {  	[sflag:s12] =	ssyncadd.s32 $0xFFFFFFD8  }
0x218: {  	_ =	swait.ge [sflag:s12], $0x28  }
0x219: {  	[sflag:s12] =	ssyncset.done $0x0  }
0x21a: {  	[sflag:s12] =	ssyncadd.s32 $0xFFFFFFD8  }
0x21b: {  	_ =	swait.ge [sflag:s12], $0xA00  }
0x21c: {  	[sflag:s12] =	ssyncset.done $0x0  }
0x21d: {  	[sflag:s12] =	ssyncadd.s32 $0xFFFFF600  }
0x21e: {  	[tilespmem:s13], [sflag:$0x6] =	stream.indirect.gather [hbm4b:s1+s31], $0x80, s26, s31, $0xb8;
	[tilespmem:$0x1BC00] =	vst v63  }
0x21f: {  	s17 =	simm.s32 $0x0;
	_ =	swait.ge [sflag:s14], $0x1400  }
0x220: {  	s0 =	sand.u32 $0x1F00, s17;
	[sflag:s14] =	ssyncset.done $0x0  }
0x221: {  	s0 =	sshrl.u32 s0, $0x1;
	[sflag:s14] =	ssyncadd.s32 $0xFFFFEC00  }
0x222: {  	s10 =	simm.s32 $0x16C40;
	v0 =	vld [tilespmem:s0+$0x14400]  }
0x223: {  	v1 =	vld [tilespmem:s10+$0xFFFFFFC0]  }
0x224: {  	v2 =	vld [tilespmem:s10+$0xFFFFFFD0];
	_ =	sdelay $0x2  }
0x225: {  	v3 =	vunpack.i.l.bf16.f32 v0  }
0x226: {  	v0 =	vunpack.i.u.bf16.f32 v0;
	v1 =	vmul.f32 v1, v3  }
0x227: {  	v0 =	vmul.f32 v2, v0  }
0x228: {  	[tilespmem:s10+$0xFFFFFFC0] =	vst v1  }
0x229: {  	s0 =	sadd.s32 $0x14400, s0;
	[tilespmem:s10+$0xFFFFFFD0] =	vst v0  }
0x22a: {  	v0 =	vld [tilespmem:s0+$0x20]  }
0x22b: {  	v1 =	vld [tilespmem:s10+$0xFFFFFFE0]  }
0x22c: {  	v2 =	vld [tilespmem:s10+$0xFFFFFFF0];
	_ =	sdelay $0x2  }
0x22d: {  	p0 =	por $0x0, $0x0;
	s0 =	simm.s32 $0x1;
	v3 =	vunpack.i.l.bf16.f32 v0  }
0x22e: {  	s0 =	simm.s32 @!p0 $0x0;
	v0 =	vunpack.i.u.bf16.f32 v0;
	v1 =	vmul.f32 v1, v3  }
0x22f: {  	s0 =	sadd.s32 $0x0, s0;
	v0 =	vmul.f32 v2, v0  }
0x230: {  	s9 =	sor.u32 $0x80, s0;
	[tilespmem:s10+$0xFFFFFFE0] =	vst v1  }
0x231: {  	s9 =	sshra.s32 s9, $0x1;
	[tilespmem:s10+$0xFFFFFFF0] =	vst v0  }
0x232: {  	v0 =	vld [tilespmem:s9+$0x14400]  }
0x233: {  	v1 =	vld [tilespmem:s10+$0x10]  }
0x234: {  	v2 =	vld [tilespmem:s10+$0x0];
	_ =	sdelay $0x2  }
0x235: {  	v3 =	vunpack.i.u.bf16.f32 v0  }
0x236: {  	v0 =	vunpack.i.l.bf16.f32 v0;
	v1 =	vmul.f32 v1, v3  }
0x237: {  	v0 =	vmul.f32 v2, v0  }
0x238: {  	s0 =	sor.u32 $0xC0, s0;
	[tilespmem:s10+$0x10] =	vst v1  }
0x239: {  	s0 =	sshra.s32 s0, $0x1;
	[tilespmem:s10+$0x0] =	vst v0  }
0x23a: {  	v0 =	vld [tilespmem:s0+$0x14400]  }
0x23b: {  	v1 =	vld [tilespmem:s10+$0x20]  }
0x23c: {  	v2 =	vld [tilespmem:s10+$0x30];
	_ =	sdelay $0x2  }
0x23d: {  	v3 =	vunpack.i.l.bf16.f32 v0  }
0x23e: {  	v0 =	vunpack.i.u.bf16.f32 v0;
	v1 =	vmul.f32 v1, v3  }
0x23f: {  	s9 =	simm.s32 $0x80;
	v0 =	vmul.f32 v2, v0  }
0x240: {  	s18 =	sand.u32 $0x1F00, s9;
	[tilespmem:s10+$0x20] =	vst v1  }
0x241: {  	s16 =	sshrl.u32 s18, $0x1;
	[tilespmem:s10+$0x30] =	vst v0  }
0x242: {  	s15 =	simm.s32 $0x2;
	s0 =	simm.s32 $0x16CC0;
	v0 =	vld [tilespmem:s16+$0x14400]  }
.LBB2_12:
0x243: {  	p1 =	sne.s32 s15, $0x27;
	v1 =	vld [tilespmem:s0+$0xFFFFFFC0]  }
0x244: {  	v2 =	vld [tilespmem:s0+$0xFFFFFFD0];
	_ =	sdelay $0x2  }
0x245: {  	v3 =	vunpack.i.l.bf16.f32 v0  }
0x246: {  	v0 =	vunpack.i.u.bf16.f32 v0;
	v1 =	vmul.f32 v1, v3  }
0x247: {  	v0 =	vmul.f32 v2, v0  }
0x248: {  	[tilespmem:s0+$0xFFFFFFC0] =	vst v1  }
0x249: {  	s10 =	sadd.s32 $0x14400, s16;
	[tilespmem:s0+$0xFFFFFFD0] =	vst v0  }
0x24a: {  	v0 =	vld [tilespmem:s10+$0x20]  }
0x24b: {  	v1 =	vld [tilespmem:s0+$0xFFFFFFE0]  }
0x24c: {  	v2 =	vld [tilespmem:s0+$0xFFFFFFF0];
	_ =	sdelay $0x2  }
0x24d: {  	p0 =	por !p0, !p0;
	s10 =	simm.s32 $0x1;
	v3 =	vunpack.i.l.bf16.f32 v0  }
0x24e: {  	s10 =	simm.s32 @!p0 $0x0;
	v0 =	vunpack.i.u.bf16.f32 v0;
	v1 =	vmul.f32 v1, v3  }
0x24f: {  	s10 =	sadd.s32 s10, s9;
	v0 =	vmul.f32 v2, v0  }
0x250: {  	s16 =	sor.u32 $0x80, s10;
	[tilespmem:s0+$0xFFFFFFE0] =	vst v1  }
0x251: {  	s16 =	sshra.s32 s16, $0x1;
	[tilespmem:s0+$0xFFFFFFF0] =	vst v0;
	v0 =	vld [tilespmem:s0+$0x10]  }
0x252: {  	v1 =	vld [tilespmem:s16+$0x14400]  }
0x253: {  	v2 =	vld [tilespmem:s0+$0x0];
	_ =	sdelay $0x3  }
0x254: {  	v3 =	vunpack.i.u.bf16.f32 v1;
	v1 =	vunpack.i.l.bf16.f32 v1  }
0x255: {  	v1 =	vmul.f32 v2, v1;
	v0 =	vmul.f32 v0, v3;
	_ =	sdelay $0x1  }
0x256: {  	s10 =	sor.u32 $0xC0, s10;
	[tilespmem:s0+$0x10] =	vst v0  }
0x257: {  	s10 =	sshra.s32 s10, $0x1;
	[tilespmem:s0+$0x0] =	vst v1;
	v0 =	vld [tilespmem:s0+$0x30]  }
0x258: {  	v1 =	vld [tilespmem:s10+$0x14400]  }
0x259: {  	v2 =	vld [tilespmem:s0+$0x20];
	_ =	sdelay $0x3  }
0x25a: {  	v3 =	vunpack.i.u.bf16.f32 v1;
	v1 =	vunpack.i.l.bf16.f32 v1  }
.Ltmp5:
0x25b: {  	v1 =	vmul.f32 v2, v1;
	v0 =	vmul.f32 v0, v3;
	(pc) =	sbr.rel @p1 .LBB2_12-.Ltmp5, $4  }
0x25c: {  	s9 =	sadd.s32 $0x80, s9  }
0x25d: {  	s10 =	sand.u32 $0x1F00, s9;
	[tilespmem:s0+$0x20] =	vst v1  }
0x25e: {  	s16 =	sshrl.u32 s10, $0x1;
	[tilespmem:s0+$0x30] =	vst v0  }
0x25f: {  	s15 =	sadd.s32 $0x1, s15;
	s0 =	sadd.s32 $0x80, s0;
	v0 =	vld [tilespmem:s16+$0x14400]  }
0x260: {  	v1 =	vld [tilespmem:s0+$0xFFFFFFC0]  }
0x261: {  	v2 =	vld [tilespmem:s0+$0xFFFFFFD0];
	_ =	sdelay $0x2  }
0x262: {  	v3 =	vunpack.i.l.bf16.f32 v0  }
0x263: {  	v0 =	vunpack.i.u.bf16.f32 v0;
	v1 =	vmul.f32 v1, v3  }
0x264: {  	v0 =	vmul.f32 v2, v0  }
0x265: {  	[tilespmem:s0+$0xFFFFFFC0] =	vst v1  }
0x266: {  	s10 =	sadd.s32 $0x14400, s16;
	[tilespmem:s0+$0xFFFFFFD0] =	vst v0  }
0x267: {  	v0 =	vld [tilespmem:s10+$0x20]  }
0x268: {  	v1 =	vld [tilespmem:s0+$0xFFFFFFE0]  }
0x269: {  	v2 =	vld [tilespmem:s0+$0xFFFFFFF0];
	_ =	sdelay $0x2  }
0x26a: {  	p0 =	por !p0, !p0;
	s10 =	simm.s32 $0x1;
	v3 =	vunpack.i.l.bf16.f32 v0  }
0x26b: {  	s10 =	simm.s32 @!p0 $0x0;
	v0 =	vunpack.i.u.bf16.f32 v0;
	v1 =	vmul.f32 v1, v3  }
0x26c: {  	s9 =	sadd.s32 s10, s9;
	v0 =	vmul.f32 v2, v0  }
0x26d: {  	s10 =	sor.u32 $0x80, s9;
	[tilespmem:s0+$0xFFFFFFE0] =	vst v1  }
0x26e: {  	s10 =	sshra.s32 s10, $0x1;
	[tilespmem:s0+$0xFFFFFFF0] =	vst v0  }
0x26f: {  	v0 =	vld [tilespmem:s10+$0x14400]  }
0x270: {  	v1 =	vld [tilespmem:s0+$0x10]  }
0x271: {  	v2 =	vld [tilespmem:s0+$0x0];
	_ =	sdelay $0x2  }
0x272: {  	v3 =	vunpack.i.u.bf16.f32 v0  }
0x273: {  	v0 =	vunpack.i.l.bf16.f32 v0;
	v1 =	vmul.f32 v1, v3  }
0x274: {  	v0 =	vmul.f32 v2, v0  }
0x275: {  	s9 =	sor.u32 $0xC0, s9;
	[tilespmem:s0+$0x10] =	vst v1  }
0x276: {  	s9 =	sshra.s32 s9, $0x1;
	[tilespmem:s0+$0x0] =	vst v0  }
0x277: {  	v0 =	vld [tilespmem:s9+$0x14400]  }
0x278: {  	v1 =	vld [tilespmem:s0+$0x20]  }
0x279: {  	v2 =	vld [tilespmem:s0+$0x30];
	_ =	sdelay $0x2  }
0x27a: {  	v3 =	vunpack.i.l.bf16.f32 v0  }
0x27b: {  	v0 =	vunpack.i.u.bf16.f32 v0;
	v1 =	vmul.f32 v1, v3  }
0x27c: {  	v0 =	vmul.f32 v2, v0  }
0x27d: {  	[tilespmem:s0+$0x20] =	vst v1  }
0x27e: {  	s9 =	simm.s32 $0xC;
	[tilespmem:s0+$0x30] =	vst v0  }
0x27f: {  	[spmem:s5] =	stream.indirect.scatter.add.f32 [tilespmem:s4], [sflag:$0x9], $0x80, s24, s31, $0xb8;
	[tilespmem:$0x1BC00] =	vst v63  }
0x280: {  	_ =	swait.ge [sflag:s9], $0x1400  }
0x281: {  	[sflag:s9] =	ssyncset.done $0x0  }
0x282: {  	[sflag:s9] =	ssyncadd.s32 $0xFFFFEC00  }
0x283: {  	s10 =	simm.s32 $0x0;
	_ =	swait.ge [sflag:s21], $0x1400  }
0x284: {  	s0 =	sand.u32 $0x1F00, s10;
	[sflag:s21] =	ssyncset.done $0x0  }
0x285: {  	s0 =	sshrl.u32 s0, $0x1;
	[sflag:s21] =	ssyncadd.s32 $0xFFFFEC00  }
0x286: {  	s15 =	simm.s32 $0x18040;
	v0 =	vld [tilespmem:s0+$0x14E00]  }
0x287: {  	v1 =	vld [tilespmem:s15+$0xFFFFFFC0]  }
0x288: {  	v2 =	vld [tilespmem:s15+$0xFFFFFFD0];
	_ =	sdelay $0x2  }
0x289: {  	v3 =	vunpack.i.l.bf16.f32 v0  }
0x28a: {  	v0 =	vunpack.i.u.bf16.f32 v0;
	v1 =	vmul.f32 v1, v3  }
0x28b: {  	v0 =	vmul.f32 v2, v0  }
0x28c: {  	[tilespmem:s15+$0xFFFFFFC0] =	vst v1  }
0x28d: {  	s0 =	sadd.s32 $0x14E00, s0;
	[tilespmem:s15+$0xFFFFFFD0] =	vst v0  }
0x28e: {  	v0 =	vld [tilespmem:s0+$0x20]  }
0x28f: {  	v1 =	vld [tilespmem:s15+$0xFFFFFFE0]  }
0x290: {  	v2 =	vld [tilespmem:s15+$0xFFFFFFF0];
	_ =	sdelay $0x2  }
0x291: {  	p0 =	por $0x0, $0x0;
	s0 =	simm.s32 $0x1;
	v3 =	vunpack.i.l.bf16.f32 v0  }
0x292: {  	s0 =	simm.s32 @!p0 $0x0;
	v0 =	vunpack.i.u.bf16.f32 v0;
	v1 =	vmul.f32 v1, v3  }
0x293: {  	s0 =	sadd.s32 $0x0, s0;
	v0 =	vmul.f32 v2, v0  }
0x294: {  	s17 =	sor.u32 $0x80, s0;
	[tilespmem:s15+$0xFFFFFFE0] =	vst v1  }
0x295: {  	s9 =	sshra.s32 s17, $0x1;
	[tilespmem:s15+$0xFFFFFFF0] =	vst v0  }
0x296: {  	v0 =	vld [tilespmem:s9+$0x14E00]  }
0x297: {  	v1 =	vld [tilespmem:s15+$0x10]  }
0x298: {  	v2 =	vld [tilespmem:s15+$0x0];
	_ =	sdelay $0x2  }
0x299: {  	v3 =	vunpack.i.u.bf16.f32 v0  }
0x29a: {  	v0 =	vunpack.i.l.bf16.f32 v0;
	v1 =	vmul.f32 v1, v3  }
0x29b: {  	v0 =	vmul.f32 v2, v0  }
0x29c: {  	s0 =	sor.u32 $0xC0, s0;
	[tilespmem:s15+$0x10] =	vst v1  }
0x29d: {  	s0 =	sshra.s32 s0, $0x1;
	[tilespmem:s15+$0x0] =	vst v0  }
0x29e: {  	v0 =	vld [tilespmem:s0+$0x14E00]  }
0x29f: {  	v1 =	vld [tilespmem:s15+$0x20]  }
0x2a0: {  	v2 =	vld [tilespmem:s15+$0x30];
	_ =	sdelay $0x2  }
0x2a1: {  	v3 =	vunpack.i.l.bf16.f32 v0  }
0x2a2: {  	v0 =	vunpack.i.u.bf16.f32 v0;
	v1 =	vmul.f32 v1, v3  }
0x2a3: {  	s9 =	simm.s32 $0x80;
	v0 =	vmul.f32 v2, v0  }
0x2a4: {  	s18 =	sand.u32 $0x1F00, s9;
	[tilespmem:s15+$0x20] =	vst v1  }
0x2a5: {  	s16 =	sshrl.u32 s18, $0x1;
	[tilespmem:s15+$0x30] =	vst v0  }
0x2a6: {  	s0 =	simm.s32 $0x180C0;
	s15 =	simm.s32 $0x2;
	v0 =	vld [tilespmem:s16+$0x14E00]  }
.LBB2_14:
0x2a7: {  	p1 =	sne.s32 s15, $0x27;
	v1 =	vld [tilespmem:s0+$0xFFFFFFC0]  }
0x2a8: {  	v2 =	vld [tilespmem:s0+$0xFFFFFFD0];
	_ =	sdelay $0x2  }
0x2a9: {  	v3 =	vunpack.i.l.bf16.f32 v0  }
0x2aa: {  	v0 =	vunpack.i.u.bf16.f32 v0;
	v1 =	vmul.f32 v1, v3  }
0x2ab: {  	v0 =	vmul.f32 v2, v0  }
0x2ac: {  	[tilespmem:s0+$0xFFFFFFC0] =	vst v1  }
0x2ad: {  	s10 =	sadd.s32 $0x14E00, s16;
	[tilespmem:s0+$0xFFFFFFD0] =	vst v0  }
0x2ae: {  	v0 =	vld [tilespmem:s10+$0x20]  }
0x2af: {  	v1 =	vld [tilespmem:s0+$0xFFFFFFE0]  }
0x2b0: {  	v2 =	vld [tilespmem:s0+$0xFFFFFFF0];
	_ =	sdelay $0x2  }
0x2b1: {  	p0 =	por !p0, !p0;
	s10 =	simm.s32 $0x1;
	v3 =	vunpack.i.l.bf16.f32 v0  }
0x2b2: {  	s10 =	simm.s32 @!p0 $0x0;
	v0 =	vunpack.i.u.bf16.f32 v0;
	v1 =	vmul.f32 v1, v3  }
0x2b3: {  	s10 =	sadd.s32 s10, s9;
	v0 =	vmul.f32 v2, v0  }
0x2b4: {  	s16 =	sor.u32 $0x80, s10;
	[tilespmem:s0+$0xFFFFFFE0] =	vst v1  }
0x2b5: {  	s16 =	sshra.s32 s16, $0x1;
	[tilespmem:s0+$0xFFFFFFF0] =	vst v0;
	v0 =	vld [tilespmem:s0+$0x10]  }
0x2b6: {  	v1 =	vld [tilespmem:s16+$0x14E00]  }
0x2b7: {  	v2 =	vld [tilespmem:s0+$0x0];
	_ =	sdelay $0x3  }
0x2b8: {  	v3 =	vunpack.i.u.bf16.f32 v1;
	v1 =	vunpack.i.l.bf16.f32 v1  }
0x2b9: {  	v1 =	vmul.f32 v2, v1;
	v0 =	vmul.f32 v0, v3;
	_ =	sdelay $0x1  }
0x2ba: {  	s10 =	sor.u32 $0xC0, s10;
	[tilespmem:s0+$0x10] =	vst v0  }
0x2bb: {  	s10 =	sshra.s32 s10, $0x1;
	[tilespmem:s0+$0x0] =	vst v1;
	v0 =	vld [tilespmem:s0+$0x30]  }
0x2bc: {  	v1 =	vld [tilespmem:s10+$0x14E00]  }
0x2bd: {  	v2 =	vld [tilespmem:s0+$0x20];
	_ =	sdelay $0x3  }
0x2be: {  	v3 =	vunpack.i.u.bf16.f32 v1;
	v1 =	vunpack.i.l.bf16.f32 v1  }
.Ltmp6:
0x2bf: {  	v1 =	vmul.f32 v2, v1;
	v0 =	vmul.f32 v0, v3;
	(pc) =	sbr.rel @p1 .LBB2_14-.Ltmp6, $4  }
0x2c0: {  	s9 =	sadd.s32 $0x80, s9  }
0x2c1: {  	s10 =	sand.u32 $0x1F00, s9;
	[tilespmem:s0+$0x20] =	vst v1  }
0x2c2: {  	s16 =	sshrl.u32 s10, $0x1;
	[tilespmem:s0+$0x30] =	vst v0  }
0x2c3: {  	s15 =	sadd.s32 $0x1, s15;
	s0 =	sadd.s32 $0x80, s0;
	v0 =	vld [tilespmem:s16+$0x14E00]  }
0x2c4: {  	v1 =	vld [tilespmem:s0+$0xFFFFFFC0]  }
0x2c5: {  	v2 =	vld [tilespmem:s0+$0xFFFFFFD0];
	_ =	sdelay $0x2  }
0x2c6: {  	v3 =	vunpack.i.l.bf16.f32 v0  }
0x2c7: {  	v54 =	vunpack.i.u.bf16.f32 v0;
	v1 =	vmul.f32 v1, v3  }
0x2c8: {  	v0 =	vmul.f32 v2, v54  }
0x2c9: {  	[tilespmem:s0+$0xFFFFFFC0] =	vst v1  }
0x2ca: {  	s10 =	sadd.s32 $0x14E00, s16;
	[tilespmem:s0+$0xFFFFFFD0] =	vst v0  }
0x2cb: {  	v0 =	vld [tilespmem:s10+$0x20]  }
0x2cc: {  	v55 =	vld [tilespmem:s0+$0xFFFFFFE0]  }
0x2cd: {  	v56 =	vld [tilespmem:s0+$0xFFFFFFF0];
	_ =	sdelay $0x2  }
0x2ce: {  	p0 =	por !p0, !p0;
	s10 =	simm.s32 $0x1;
	v57 =	vunpack.i.l.bf16.f32 v0  }
0x2cf: {  	s10 =	simm.s32 @!p0 $0x0;
	v0 =	vunpack.i.u.bf16.f32 v0;
	v1 =	vmul.f32 v55, v57  }
0x2d0: {  	s9 =	sadd.s32 s10, s9;
	v0 =	vmul.f32 v56, v0  }
0x2d1: {  	s10 =	sor.u32 $0x80, s9;
	[tilespmem:s0+$0xFFFFFFE0] =	vst v1  }
0x2d2: {  	s10 =	sshra.s32 s10, $0x1;
	[tilespmem:s0+$0xFFFFFFF0] =	vst v0  }
0x2d3: {  	v0 =	vld [tilespmem:s10+$0x14E00]  }
0x2d4: {  	v58 =	vld [tilespmem:s0+$0x10]  }
0x2d5: {  	v59 =	vld [tilespmem:s0+$0x0];
	_ =	sdelay $0x2  }
0x2d6: {  	v60 =	vunpack.i.u.bf16.f32 v0  }
0x2d7: {  	v0 =	vunpack.i.l.bf16.f32 v0;
	v1 =	vmul.f32 v58, v60  }
0x2d8: {  	v0 =	vmul.f32 v59, v0  }
0x2d9: {  	s9 =	sor.u32 $0xC0, s9;
	[tilespmem:s0+$0x10] =	vst v1  }
0x2da: {  	s9 =	sshra.s32 s9, $0x1;
	[tilespmem:s0+$0x0] =	vst v0  }
0x2db: {  	v0 =	vld [tilespmem:s9+$0x14E00]  }
0x2dc: {  	v61 =	vld [tilespmem:s0+$0x20]  }
0x2dd: {  	v62 =	vld [tilespmem:s0+$0x30];
	_ =	sdelay $0x2  }
0x2de: {  	v63 =	vunpack.i.l.bf16.f32 v0  }
0x2df: {  	v0 =	vunpack.i.u.bf16.f32 v0;
	v1 =	vmul.f32 v61, v63  }
0x2e0: {  	v0 =	vmul.f32 v62, v0  }
0x2e1: {  	[tilespmem:s0+$0x20] =	vst v1  }
0x2e2: {  	[tilespmem:s0+$0x30] =	vst v0  }
0x2e3: {  	[spmem:s5] =	stream.indirect.scatter.add.f32 [tilespmem:s13], [sflag:$0xA], $0x80, s28, s31, $0xb8;
	[tilespmem:$0x1BC00] =	vst v63  }
0x2e4: {  	_ =	swait.ge [sflag:s6], $0x1400  }
0x2e5: {  	[sflag:s6] =	ssyncset.done $0x0  }
0x2e6: {  	[sflag:s6] =	ssyncadd.s32 $0xFFFFEC00  }
0x2e7: {  	_ =	swait.ge [sflag:s25], $0x1400  }
0x2e8: {  	[sflag:s25] =	ssyncset.done $0x0  }
0x2e9: {  	[sflag:s25] =	ssyncadd.s32 $0xFFFFEC00  }
0x2ea: {  	[bflag:$0x0] =	sbarrier.arrive $0xFFFF  }
0x2eb: {  	s15 =	rddreg [dreg:$0x7]  }
0x2ec: {  	s16 =	rddreg [dreg:$0x10]  }
0x2ed: {  	s10 =	simm.s32 $0xD;
	s9 =	rddreg [dreg:$0x12]  }
0x2ee: {  	[hbm:s16], [sflag:s15] =	dma.local [spmem:s9], $0x2800  }
0x2ef: {  	_ =	swait.ge [sflag:s10], $0x2800  }
0x2f0: {  	s17 =	rddreg [dreg:$0x13]  }
0x2f1: {  	s18 =	rddreg [dreg:$0x11];
	s16 =	sadd.s32 $0x1, s17  }
0x2f2: {  	p0 =	sne.s32 s16, s18  }
.Ltmp7:
0x2f3: {  	_ = 	snop;
	(pc) =	sbr.rel @p0 .LBB2_1-.Ltmp7, $3  }
0x2f4: {  	_ =	sdelay $0x1  }
0x2f5: {  	[sflag:s10] =	ssyncset.done $0x0  }
0x2f6: {  	[sflag:s10] =	ssyncadd.s32 $0xFFFFD800  }
0x2f7: {  	_ =	sfence.sel $0x180000  }
0x2f8: {  	[bflag:$0x0] =	sbarrier.arrive $0xFFFF  }
0x2f9: {  	_ =	strace $0x90000047  }
0x2fa: {  	s0 =	stileid.u32;
	[bflag:$0x2] =	sbarrier.arrive $0xFFFF  }
0x2fb: {  	p0 =	sne.s32 s0, $0x0;
	s0 =	rddreg [dreg:$0x5]  }
0x2fc: {  	s0 =	sadd.s32 @!p0 $0x100000, s0  }
0x2fd: {  	[sflag:s0] =	ssyncadd.tile.s32 @!p0 $0x1;
	_ =	shalt  }
.Lfunc_end2:
_tile_overlayer_lowered:
.L_overlay_start_2:
0x2fe: {  	(tag) =	ssettag $0x2  }
0x2ff: {  	s0 =	rddreg [dreg:$0x0];
	s2 =	stileid.u32  }
0x300: {  	s1 =	rddreg [dreg:$0x1];
	p0 =	sne.s32 s2, $0x0  }
0x301: {  	s3 =	rddreg [dreg:$0x2];
	[bflag:$0x3] =	sbarrier.arrive $0xFFFF;
	s2 =	simm.s32 @!p0 $0x1C0D  }
0x302: {  	[timem:s3], [sflag:s2] =	dma.local @!p0 [hbm:s0], s1  }
0x303: {  	s0 =	simm.s32 @!p0 $0xD  }
0x304: {  	_ =	swait.ge @!p0 [sflag:s0], s1  }
0x305: {  	s1 =	ssub.s32 @!p0 $0x0, s1;
	[sflag:s0] =	ssyncset.done @!p0 $0x0  }
0x306: {  	[sflag:s0] =	ssyncadd.s32 @!p0 s1  }
0x307: {  	[bflag:$0x3] =	sbarrier.arrive $0xFFFF  }
0x308: {  	_ =	shalt  }

</sc_bundles>
